<compile_context>
chip_gen: v7x
topology: tpu7x:2x2x1
jax: 0.10.2.dev20260603
libtpu: 0.0.44.dev20260713+nightly
codegen_flags: <defaults>
</compile_context>

<pallas_src>
import functools

import jax
import jax.numpy as jnp
from jax import lax
from jax.experimental import pallas as pl
from jax.experimental.pallas import tpu as pltpu
from jax.experimental.pallas import tpu_sc as plsc

_NC = 2
_NS = 16
_L = 16

_SCH = 80
_NSUB = 1
_GCH = _SCH * _NSUB


def _zero_fill_rows(ref, width):
    zero = jnp.zeros((_L,), jnp.float32)

    def _row(r, _):
        for j in range(width // _L):
            ref[r, pl.ds(j * _L, _L)] = zero
        return 0

    lax.fori_loop(0, ref.shape[0], _row, 0)


def _make_sc_scatter(n_nodes, n_edges, dim):
    mesh = plsc.VectorSubcoreMesh(core_axis_name="c", subcore_axis_name="s")

    @functools.partial(
        pl.kernel,
        out_type=(
            jax.ShapeDtypeStruct((_NC, n_nodes, dim), jnp.float32),
            jax.ShapeDtypeStruct((_NC, n_nodes, _L), jnp.float32),
        ),
        mesh=mesh,
        scratch_types=[
            pltpu.VMEM((3, _GCH, dim), jnp.float32),
            pltpu.VMEM((3, _SCH), jnp.int32),
            pltpu.VMEM((_SCH, _L), jnp.float32),
            pltpu.VMEM((_SCH, _L), jnp.float32),
            pltpu.VMEM_SHARED((n_nodes, dim), jnp.float32),
            pltpu.VMEM_SHARED((n_nodes, _L), jnp.float32),
            pltpu.SemaphoreType.DMA((3,)),
            pltpu.SemaphoreType.DMA((3,)),
            pltpu.SemaphoreType.DMA((3,)),
            pltpu.SemaphoreType.DMA((3,)),
        ],
        compiler_params=pltpu.CompilerParams(use_tc_tiling_on_sc=False),
    )
    def sc_scatter(edge_hbm, idx_hbm, sums_out, cnts_out, buf, idxbuf, onesb,
                   zc, acc, cacc, esem, isem, ssem, osem):
        c = lax.axis_index("c")
        s = lax.axis_index("s")
        wid = c * _NS + s

        one = jnp.ones((_L,), jnp.float32)

        def _ones_row(r, _):
            onesb[r] = one
            return 0

        edges_pw0 = n_edges // (_NC * _NS)
        wbase0 = wid * edges_pw0
        pltpu.async_copy(edge_hbm.at[pl.ds(wbase0, _GCH)], buf.at[0],
                         esem.at[0])
        pltpu.async_copy(idx_hbm.at[wbase0 // _SCH], idxbuf.at[0], isem.at[0])
        pltpu.async_copy(edge_hbm.at[pl.ds(wbase0 + _GCH, _GCH)], buf.at[1],
                         esem.at[1])
        pltpu.async_copy(idx_hbm.at[wbase0 // _SCH + 1], idxbuf.at[1],
                         isem.at[1])

        lax.fori_loop(0, _SCH, _ones_row, 0)
        _zero_fill_rows(zc, _L)
        _zero_fill_rows(buf.at[2], dim)

        rows_pt = (n_nodes // _NS) // 8 * 8
        rem_rows = n_nodes - _NS * rows_pt
        row0 = s * rows_pt
        zcopies = []
        n_zfull = rows_pt // _GCH
        for j in range(n_zfull):
            zcopies.append((buf.at[2, pl.ds(0, _GCH)],
                            acc.at[pl.ds(row0 + j * _GCH, _GCH)]))
        zrem_a = rows_pt - n_zfull * _GCH
        if zrem_a:
            zcopies.append((buf.at[2, pl.ds(0, zrem_a)],
                            acc.at[pl.ds(row0 + n_zfull * _GCH, zrem_a)]))
        n_zfull_c = rows_pt // _SCH
        for j in range(n_zfull_c):
            zcopies.append((zc, cacc.at[pl.ds(row0 + j * _SCH, _SCH)]))
        zrem = rows_pt - n_zfull_c * _SCH
        if zrem:
            zcopies.append((zc.at[pl.ds(0, zrem)],
                            cacc.at[pl.ds(row0 + n_zfull_c * _SCH, zrem)]))
        for src_r, dst_r in zcopies:
            pltpu.async_copy(src_r, dst_r, ssem.at[0])

        @pl.when(s == _NS - 1)
        def _zero_tail():
            pltpu.sync_copy(buf.at[2, pl.ds(0, rem_rows)],
                            acc.at[pl.ds(_NS * rows_pt, rem_rows)])
            pltpu.sync_copy(zc.at[pl.ds(0, rem_rows)],
                            cacc.at[pl.ds(_NS * rows_pt, rem_rows)])

        for src_r, dst_r in zcopies:
            pltpu.make_async_copy(src_r, dst_r, ssem.at[0]).wait()
        plsc.subcore_barrier()

        edges_pw = n_edges // (_NC * _NS)
        wbase = wid * edges_pw
        n_iter = edges_pw // _GCH
        idx_row0 = wbase // _SCH

        def _start_gather(i, b):
            pltpu.async_copy(edge_hbm.at[pl.ds(wbase + i * _GCH, _GCH)],
                             buf.at[b], esem.at[b])
            pltpu.async_copy(idx_hbm.at[idx_row0 + i], idxbuf.at[b],
                             isem.at[b])

        def _wait_gather(b):
            pltpu.make_async_copy(edge_hbm.at[pl.ds(0, _GCH)], buf.at[b],
                                  esem.at[b]).wait()
            pltpu.make_async_copy(idx_hbm.at[0], idxbuf.at[b],
                                  isem.at[b]).wait()

        def _wait_scatter(b):
            pltpu.make_async_copy(buf.at[b], acc.at[idxbuf.at[b]],
                                  ssem.at[b]).wait()
            pltpu.make_async_copy(onesb, cacc.at[idxbuf.at[b]],
                                  osem.at[b]).wait()

        def _consume(i, b, bprev):
            _wait_gather(b)
            pltpu.async_copy(buf.at[b], acc.at[idxbuf.at[b]], ssem.at[b],
                             add=True)
            pltpu.async_copy(onesb, cacc.at[idxbuf.at[b]], osem.at[b],
                             add=True)

            @pl.when(i + 2 < n_iter)
            def _next():
                @pl.when(i >= 1)
                def _w():
                    _wait_scatter(bprev)

                _start_gather(i + 2, (b + 2) % 3)

        def _outer(g, _):
            _consume(3 * g, 0, 2)
            _consume(3 * g + 1, 1, 0)
            _consume(3 * g + 2, 2, 1)
            return 0

        n_full = n_iter // 3
        lax.fori_loop(0, n_full, _outer, 0)
        for t in range(n_full * 3, n_iter):
            _consume(t, t % 3, (t - 1) % 3)

        _wait_scatter(0)
        _wait_scatter(1)
        _wait_scatter(2)
        plsc.subcore_barrier()

        pltpu.sync_copy(acc.at[pl.ds(row0, rows_pt)],
                        sums_out.at[c, pl.ds(row0, rows_pt)])
        pltpu.sync_copy(cacc.at[pl.ds(row0, rows_pt)],
                        cnts_out.at[c, pl.ds(row0, rows_pt)])

        @pl.when(s == _NS - 1)
        def _copy_tail():
            pltpu.sync_copy(acc.at[pl.ds(_NS * rows_pt, rem_rows)],
                            sums_out.at[c, pl.ds(_NS * rows_pt, rem_rows)])
            pltpu.sync_copy(cacc.at[pl.ds(_NS * rows_pt, rem_rows)],
                            cnts_out.at[c, pl.ds(_NS * rows_pt, rem_rows)])

    return sc_scatter


def _tc_xpart_body(x_ref, batch_ref, uv_ref, npg_ref):
    n_nodes = x_ref.shape[0]
    n_graphs = uv_ref.shape[0]
    bvec = batch_ref[:]
    giota = lax.broadcasted_iota(jnp.int32, (n_graphs, n_nodes), 0)
    onehot = (giota == bvec).astype(jnp.float32)
    uv_ref[:] = jnp.dot(onehot, x_ref[:], preferred_element_type=jnp.float32)
    npg_ref[:] = jnp.broadcast_to(
        jnp.sum(onehot, axis=1, keepdims=True), npg_ref.shape)


def _tc_finish_body(sums_ref, cnts_ref, batch_ref, u_ref, uv_ref, npg_ref,
                    W0_ref, b0_ref, W1_ref, b1_ref, W2_ref, b2_ref, out_ref):
    n_nodes = sums_ref.shape[1]
    n_graphs = u_ref.shape[0]
    s = sums_ref[0] + sums_ref[1]
    cnt = jnp.sum(cnts_ref[0] + cnts_ref[1], axis=1, keepdims=True) * (1.0 / _L)
    ue_node = s / jnp.maximum(cnt, 1.0)
    bvec = batch_ref[:]
    giota = lax.broadcasted_iota(jnp.int32, (n_graphs, n_nodes), 0)
    onehot = (giota == bvec).astype(jnp.float32)
    acc_ue = jnp.dot(onehot, ue_node, preferred_element_type=jnp.float32)
    inv = 1.0 / jnp.maximum(npg_ref[:], 1.0)
    comb = jnp.concatenate([acc_ue * inv, uv_ref[:] * inv, u_ref[:]], axis=1)
    h = jnp.maximum(
        jnp.dot(comb, W0_ref[:], preferred_element_type=jnp.float32)
        + b0_ref[:], 0.0)
    h = jnp.maximum(
        jnp.dot(h, W1_ref[:], preferred_element_type=jnp.float32)
        + b1_ref[:], 0.0)
    out_ref[:] = jnp.maximum(
        jnp.dot(h, W2_ref[:], preferred_element_type=jnp.float32)
        + b2_ref[:], 0.0)


def kernel(x, edge_index, edge_attr, u, batch, W0, b0, W1, b1, W2, b2):
    n_nodes, dim = x.shape
    n_edges = edge_attr.shape[0]
    n_graphs = u.shape[0]

    src = edge_index[0].reshape(n_edges // _SCH, _SCH)
    sums, cnts = _make_sc_scatter(n_nodes, n_edges, dim)(edge_attr, src)

    batch2 = batch.reshape(1, n_nodes)
    uv, npg = pl.pallas_call(
        _tc_xpart_body,
        out_shape=(jax.ShapeDtypeStruct((n_graphs, dim), jnp.float32),
                   jax.ShapeDtypeStruct((n_graphs, dim), jnp.float32)),
    )(x, batch2)

    out = pl.pallas_call(
        _tc_finish_body,
        out_shape=jax.ShapeDtypeStruct((n_graphs, dim), jnp.float32),
    )(sums, cnts, batch2, u, uv, npg, W0, b0, W1, b1, W2, b2)
    return out

# --- scband reference (transcript-rebuilt; emitter-appended) ---
"""Pipeline reference for scband-megnet-global-model-62689342653099 (READ-ONLY COPY).

The authoritative reference and input builder live on the scoring server;
editing this copy changes nothing except your own understanding.
"""

import jax, jax.numpy as jnp
import numpy as np

N = 10000
E = 320000
DIM = 128
B = 64


def _scatter_mean(src, index, num_segments):
    s = jax.ops.segment_sum(src, index, num_segments=num_segments)
    cnt = jax.ops.segment_sum(jnp.ones((src.shape[0],), dtype=src.dtype), index, num_segments=num_segments)
    return s / jnp.maximum(cnt, 1.0)[:, None]


def setup_inputs(seed: int = 0) -> dict:
    key = jax.random.key(seed)
    ks = jax.random.split(key, 12)
    x = jax.random.normal(ks[0], (N, DIM), dtype=jnp.float32)
    edge_index = jax.random.randint(ks[1], (2, E), 0, N, dtype=jnp.int32)
    edge_attr = jax.random.normal(ks[2], (E, DIM), dtype=jnp.float32)
    u = jax.random.normal(ks[3], (B, DIM), dtype=jnp.float32)
    batch = jnp.sort(jax.random.randint(ks[4], (N,), 0, B, dtype=jnp.int32))
    # Linear layer params: fc_layers=2 -> 3 linear layers (Linear(3*dim, dim), Linear(dim, dim) x2)
    W0 = jax.random.normal(ks[5], (3 * DIM, DIM), dtype=jnp.float32) * 0.05
    b0 = jnp.zeros((DIM,), dtype=jnp.float32)
    W1 = jax.random.normal(ks[6], (DIM, DIM), dtype=jnp.float32) * 0.05
    b1 = jnp.zeros((DIM,), dtype=jnp.float32)
    W2 = jax.random.normal(ks[7], (DIM, DIM), dtype=jnp.float32) * 0.05
    b2 = jnp.zeros((DIM,), dtype=jnp.float32)
    return {"x": x, "edge_index": edge_index, "edge_attr": edge_attr, "u": u, "batch": batch,
            "W0": W0, "b0": b0, "W1": W1, "b1": b1, "W2": W2, "b2": b2}


def reference(x, edge_index, edge_attr, u, batch, W0, b0, W1, b1, W2, b2):
    # u_e = scatter_mean(edge_attr, edge_index[0], dim=0)  -> per-node mean of incident edge features
    u_e = _scatter_mean(edge_attr, edge_index[0, :], N)
    # u_e = scatter_mean(u_e, batch, dim=0)                -> per-graph mean
    u_e = _scatter_mean(u_e, batch, B)
    # u_v = scatter_mean(x, batch, dim=0)                  -> per-graph mean of node features
    u_v = _scatter_mean(x, batch, B)
    comb = jnp.concatenate([u_e, u_v, u], axis=1)
    # fc_layers=2 -> 3 Linear + relu; batch_norm=False; dropout is identity in eval mode
    out = jax.nn.relu(comb @ W0 + b0)
    out = jax.nn.relu(out @ W1 + b1)
    out = jax.nn.relu(out @ W2 + b2)
    return out

if __name__ == "__main__":
    import jax
    _d = setup_inputs()
    print(jax.jit(kernel)(*tuple(_d.values())))

</pallas_src>

<mosaic_0001>
#map = affine_map<(d0, d1) -> (0, 0)>
#map1 = affine_map<(d0, d1) -> (0, 0, 0)>
module attributes {stable_mosaic.version = 14 : i64} {
  func.func @sc_scatter(%arg0: i32, %arg1: i32, %arg2: memref<320000x128xf32, #tpu.memory_space<hbm>>, %arg3: memref<4000x80xi32, #tpu.memory_space<hbm>>, %arg4: memref<2x10000x128xf32, #tpu.memory_space<hbm>>, %arg5: memref<2x10000x16xf32, #tpu.memory_space<hbm>>, %arg6: memref<3x80x128xf32, #tpu.memory_space<vmem>>, %arg7: memref<3x80xi32, #tpu.memory_space<vmem>>, %arg8: memref<80x16xf32, #tpu.memory_space<vmem>>, %arg9: memref<80x16xf32, #tpu.memory_space<vmem>>, %arg10: memref<10000x128xf32, #tpu.memory_space<vmem_shared>>, %arg11: memref<10000x16xf32, #tpu.memory_space<vmem_shared>>, %arg12: memref<3x!tpu.dma_semaphore, #tpu.memory_space<semaphore_mem>>, %arg13: memref<3x!tpu.dma_semaphore, #tpu.memory_space<semaphore_mem>>, %arg14: memref<3x!tpu.dma_semaphore, #tpu.memory_space<semaphore_mem>>, %arg15: memref<3x!tpu.dma_semaphore, #tpu.memory_space<semaphore_mem>>) attributes {dimension_semantics = [#tpu.dimension_semantics<core_parallel>, #tpu.dimension_semantics<subcore_parallel>], iteration_bounds = array<i64: 2, 16>, scalar_prefetch = 0 : i64, scratch_operands = 10 : i64, tpu.core_type = #tpu.core_type<sc_vector_subcore>, window_params = [{transform_indices = #map}, {transform_indices = #map}, {transform_indices = #map1}, {transform_indices = #map1}]} {
    %mul3A = arith.constant 16 : i32
    %mul3A_0 = arith.muli %arg0, %mul3A : i32
    %add3A = arith.addi %mul3A_0, %arg1 : i32
    %broadcast_in_dim3A = arith.constant 1.000000e+00 : f32
    %broadcast_in_dim3A_1 = vector.broadcast %broadcast_in_dim3A : f32 to vector<16xf32>
    %mul3A_2 = arith.constant 10000 : i32
    %mul3A_3 = arith.muli %add3A, %mul3A_2 : i32
    %dma_start3A = arith.constant 0 : i32
    %dma_start3A_4 = arith.constant 0 : i32
    %dma_start3A_5 = arith.constant 0 : i32
    %dma_start3A_6 = arith.constant 0 : i32
    %dma_start3A_7 = tpu.memref_slice %arg6[%dma_start3A, %dma_start3A_5, %dma_start3A_6] : memref<3x80x128xf32, #tpu.memory_space<vmem>> -> memref<1x80x128xf32, #tpu.memory_space<vmem>>
    %dma_start3A_8 = tpu.memref_squeeze %dma_start3A_7 : memref<1x80x128xf32, #tpu.memory_space<vmem>> -> memref<80x128xf32, #tpu.memory_space<vmem>>
    %dma_start3A_9 = arith.constant 0 : i32
    %dma_start3A_10 = tpu.memref_slice %arg2[%mul3A_3, %dma_start3A_9] : memref<320000x128xf32, #tpu.memory_space<hbm>> -> memref<80x128xf32, #tpu.memory_space<hbm>>
    %dma_start3A_11 = tpu.memref_slice %arg12[%dma_start3A_4] : memref<3x!tpu.dma_semaphore, #tpu.memory_space<semaphore_mem>> -> memref<1x!tpu.dma_semaphore, #tpu.memory_space<semaphore_mem>>
    %dma_start3A_12 = tpu.memref_squeeze %dma_start3A_11 : memref<1x!tpu.dma_semaphore, #tpu.memory_space<semaphore_mem>> -> memref<!tpu.dma_semaphore, #tpu.memory_space<semaphore_mem>>
    %dma_start3A_13 = arith.constant 0 : i32
    %dma_start3A_14 = arith.constant 0 : i32
    %dma_start3A_15 = tpu.memref_slice %arg6[%dma_start3A, %dma_start3A_13, %dma_start3A_14] : memref<3x80x128xf32, #tpu.memory_space<vmem>> -> memref<1x80x128xf32, #tpu.memory_space<vmem>>
    %dma_start3A_16 = tpu.memref_squeeze %dma_start3A_15 : memref<1x80x128xf32, #tpu.memory_space<vmem>> -> memref<80x128xf32, #tpu.memory_space<vmem>>
    %dma_start3A_17 = arith.constant 0 : i32
    %dma_start3A_18 = tpu.memref_slice %arg2[%mul3A_3, %dma_start3A_17] : memref<320000x128xf32, #tpu.memory_space<hbm>> -> memref<80x128xf32, #tpu.memory_space<hbm>>
    tpu.enqueue_dma source(%dma_start3A_18 : memref<80x128xf32, #tpu.memory_space<hbm>>) target(%dma_start3A_16 : memref<80x128xf32, #tpu.memory_space<vmem>>) target_semaphore(%dma_start3A_12 : memref<!tpu.dma_semaphore, #tpu.memory_space<semaphore_mem>>)
    %jit3A = arith.constant 80 : i32
    %div3A = arith.divsi %mul3A_3, %jit3A : i32
    %sign3A = arith.constant 0 : i32
    %sign3A_19 = arith.cmpi sgt, %mul3A_3, %sign3A : i32
    %sign3A_20 = arith.extui %sign3A_19 : i1 to i32
    %sign3A_21 = arith.constant 0 : i32
    %sign3A_22 = arith.cmpi slt, %mul3A_3, %sign3A_21 : i32
    %sign3A_23 = arith.extui %sign3A_22 : i1 to i32
    %sign3A_24 = arith.subi %sign3A_20, %sign3A_23 : i32
    %sign3A_25 = arith.constant 0 : i32
    %sign3A_26 = arith.cmpi sgt, %jit3A, %sign3A_25 : i32
    %sign3A_27 = arith.extui %sign3A_26 : i1 to i32
    %sign3A_28 = arith.constant 0 : i32
    %sign3A_29 = arith.cmpi slt, %jit3A, %sign3A_28 : i32
    %sign3A_30 = arith.extui %sign3A_29 : i1 to i32
    %sign3A_31 = arith.subi %sign3A_27, %sign3A_30 : i32
    %ne3A = arith.cmpi ne, %sign3A_24, %sign3A_31 : i32
    %rem3A = arith.remsi %mul3A_3, %jit3A : i32
    %ne3A_32 = arith.constant 0 : i32
    %ne3A_33 = arith.cmpi ne, %rem3A, %ne3A_32 : i32
    %and3A = arith.andi %ne3A, %ne3A_33 : i1
    %sub3A = arith.constant 1 : i32
    %sub3A_34 = arith.subi %div3A, %sub3A : i32
    %select_n3A = arith.select %and3A, %sub3A_34, %div3A : i32
    %dma_start3A_35 = arith.constant 0 : i32
    %dma_start3A_36 = arith.constant 0 : i32
    %dma_start3A_37 = arith.constant 0 : i32
    %dma_start3A_38 = tpu.memref_slice %arg7[%dma_start3A_35, %dma_start3A_37] : memref<3x80xi32, #tpu.memory_space<vmem>> -> memref<1x80xi32, #tpu.memory_space<vmem>>
    %dma_start3A_39 = tpu.memref_squeeze %dma_start3A_38 : memref<1x80xi32, #tpu.memory_space<vmem>> -> memref<80xi32, #tpu.memory_space<vmem>>
    %dma_start3A_40 = arith.constant 0 : i32
    %dma_start3A_41 = tpu.memref_slice %arg3[%select_n3A, %dma_start3A_40] : memref<4000x80xi32, #tpu.memory_space<hbm>> -> memref<1x80xi32, #tpu.memory_space<hbm>>
    %dma_start3A_42 = tpu.memref_squeeze %dma_start3A_41 : memref<1x80xi32, #tpu.memory_space<hbm>> -> memref<80xi32, #tpu.memory_space<hbm>>
    %dma_start3A_43 = tpu.memref_slice %arg13[%dma_start3A_36] : memref<3x!tpu.dma_semaphore, #tpu.memory_space<semaphore_mem>> -> memref<1x!tpu.dma_semaphore, #tpu.memory_space<semaphore_mem>>
    %dma_start3A_44 = tpu.memref_squeeze %dma_start3A_43 : memref<1x!tpu.dma_semaphore, #tpu.memory_space<semaphore_mem>> -> memref<!tpu.dma_semaphore, #tpu.memory_space<semaphore_mem>>
    %dma_start3A_45 = arith.constant 0 : i32
    %dma_start3A_46 = tpu.memref_slice %arg7[%dma_start3A_35, %dma_start3A_45] : memref<3x80xi32, #tpu.memory_space<vmem>> -> memref<1x80xi32, #tpu.memory_space<vmem>>
    %dma_start3A_47 = tpu.memref_squeeze %dma_start3A_46 : memref<1x80xi32, #tpu.memory_space<vmem>> -> memref<80xi32, #tpu.memory_space<vmem>>
    %dma_start3A_48 = arith.constant 0 : i32
    %dma_start3A_49 = tpu.memref_slice %arg3[%select_n3A, %dma_start3A_48] : memref<4000x80xi32, #tpu.memory_space<hbm>> -> memref<1x80xi32, #tpu.memory_space<hbm>>
    %dma_start3A_50 = tpu.memref_squeeze %dma_start3A_49 : memref<1x80xi32, #tpu.memory_space<hbm>> -> memref<80xi32, #tpu.memory_space<hbm>>
    tpu.enqueue_dma source(%dma_start3A_50 : memref<80xi32, #tpu.memory_space<hbm>>) target(%dma_start3A_47 : memref<80xi32, #tpu.memory_space<vmem>>) target_semaphore(%dma_start3A_44 : memref<!tpu.dma_semaphore, #tpu.memory_space<semaphore_mem>>)
    %add3A_51 = arith.constant 80 : i32
    %add3A_52 = arith.addi %mul3A_3, %add3A_51 : i32
    %dma_start3A_53 = arith.constant 1 : i32
    %dma_start3A_54 = arith.constant 1 : i32
    %dma_start3A_55 = arith.constant 0 : i32
    %dma_start3A_56 = arith.constant 0 : i32
    %dma_start3A_57 = tpu.memref_slice %arg6[%dma_start3A_53, %dma_start3A_55, %dma_start3A_56] : memref<3x80x128xf32, #tpu.memory_space<vmem>> -> memref<1x80x128xf32, #tpu.memory_space<vmem>>
    %dma_start3A_58 = tpu.memref_squeeze %dma_start3A_57 : memref<1x80x128xf32, #tpu.memory_space<vmem>> -> memref<80x128xf32, #tpu.memory_space<vmem>>
    %dma_start3A_59 = arith.constant 0 : i32
    %dma_start3A_60 = tpu.memref_slice %arg2[%add3A_52, %dma_start3A_59] : memref<320000x128xf32, #tpu.memory_space<hbm>> -> memref<80x128xf32, #tpu.memory_space<hbm>>
    %dma_start3A_61 = tpu.memref_slice %arg12[%dma_start3A_54] : memref<3x!tpu.dma_semaphore, #tpu.memory_space<semaphore_mem>> -> memref<1x!tpu.dma_semaphore, #tpu.memory_space<semaphore_mem>>
    %dma_start3A_62 = tpu.memref_squeeze %dma_start3A_61 : memref<1x!tpu.dma_semaphore, #tpu.memory_space<semaphore_mem>> -> memref<!tpu.dma_semaphore, #tpu.memory_space<semaphore_mem>>
    %dma_start3A_63 = arith.constant 0 : i32
    %dma_start3A_64 = arith.constant 0 : i32
    %dma_start3A_65 = tpu.memref_slice %arg6[%dma_start3A_53, %dma_start3A_63, %dma_start3A_64] : memref<3x80x128xf32, #tpu.memory_space<vmem>> -> memref<1x80x128xf32, #tpu.memory_space<vmem>>
    %dma_start3A_66 = tpu.memref_squeeze %dma_start3A_65 : memref<1x80x128xf32, #tpu.memory_space<vmem>> -> memref<80x128xf32, #tpu.memory_space<vmem>>
    %dma_start3A_67 = arith.constant 0 : i32
    %dma_start3A_68 = tpu.memref_slice %arg2[%add3A_52, %dma_start3A_67] : memref<320000x128xf32, #tpu.memory_space<hbm>> -> memref<80x128xf32, #tpu.memory_space<hbm>>
    tpu.enqueue_dma source(%dma_start3A_68 : memref<80x128xf32, #tpu.memory_space<hbm>>) target(%dma_start3A_66 : memref<80x128xf32, #tpu.memory_space<vmem>>) target_semaphore(%dma_start3A_62 : memref<!tpu.dma_semaphore, #tpu.memory_space<semaphore_mem>>)
    %jit3A_69 = arith.constant 80 : i32
    %div3A_70 = arith.divsi %mul3A_3, %jit3A_69 : i32
    %sign3A_71 = arith.constant 0 : i32
    %sign3A_72 = arith.cmpi sgt, %mul3A_3, %sign3A_71 : i32
    %sign3A_73 = arith.extui %sign3A_72 : i1 to i32
    %sign3A_74 = arith.constant 0 : i32
    %sign3A_75 = arith.cmpi slt, %mul3A_3, %sign3A_74 : i32
    %sign3A_76 = arith.extui %sign3A_75 : i1 to i32
    %sign3A_77 = arith.subi %sign3A_73, %sign3A_76 : i32
    %sign3A_78 = arith.constant 0 : i32
    %sign3A_79 = arith.cmpi sgt, %jit3A_69, %sign3A_78 : i32
    %sign3A_80 = arith.extui %sign3A_79 : i1 to i32
    %sign3A_81 = arith.constant 0 : i32
    %sign3A_82 = arith.cmpi slt, %jit3A_69, %sign3A_81 : i32
    %sign3A_83 = arith.extui %sign3A_82 : i1 to i32
    %sign3A_84 = arith.subi %sign3A_80, %sign3A_83 : i32
    %ne3A_85 = arith.cmpi ne, %sign3A_77, %sign3A_84 : i32
    %rem3A_86 = arith.remsi %mul3A_3, %jit3A_69 : i32
    %ne3A_87 = arith.constant 0 : i32
    %ne3A_88 = arith.cmpi ne, %rem3A_86, %ne3A_87 : i32
    %and3A_89 = arith.andi %ne3A_85, %ne3A_88 : i1
    %sub3A_90 = arith.constant 1 : i32
    %sub3A_91 = arith.subi %div3A_70, %sub3A_90 : i32
    %select_n3A_92 = arith.select %and3A_89, %sub3A_91, %div3A_70 : i32
    %add3A_93 = arith.constant 1 : i32
    %add3A_94 = arith.addi %select_n3A_92, %add3A_93 : i32
    %dma_start3A_95 = arith.constant 1 : i32
    %dma_start3A_96 = arith.constant 1 : i32
    %dma_start3A_97 = arith.constant 0 : i32
    %dma_start3A_98 = tpu.memref_slice %arg7[%dma_start3A_95, %dma_start3A_97] : memref<3x80xi32, #tpu.memory_space<vmem>> -> memref<1x80xi32, #tpu.memory_space<vmem>>
    %dma_start3A_99 = tpu.memref_squeeze %dma_start3A_98 : memref<1x80xi32, #tpu.memory_space<vmem>> -> memref<80xi32, #tpu.memory_space<vmem>>
    %dma_start3A_100 = arith.constant 0 : i32
    %dma_start3A_101 = tpu.memref_slice %arg3[%add3A_94, %dma_start3A_100] : memref<4000x80xi32, #tpu.memory_space<hbm>> -> memref<1x80xi32, #tpu.memory_space<hbm>>
    %dma_start3A_102 = tpu.memref_squeeze %dma_start3A_101 : memref<1x80xi32, #tpu.memory_space<hbm>> -> memref<80xi32, #tpu.memory_space<hbm>>
    %dma_start3A_103 = tpu.memref_slice %arg13[%dma_start3A_96] : memref<3x!tpu.dma_semaphore, #tpu.memory_space<semaphore_mem>> -> memref<1x!tpu.dma_semaphore, #tpu.memory_space<semaphore_mem>>
    %dma_start3A_104 = tpu.memref_squeeze %dma_start3A_103 : memref<1x!tpu.dma_semaphore, #tpu.memory_space<semaphore_mem>> -> memref<!tpu.dma_semaphore, #tpu.memory_space<semaphore_mem>>
    %dma_start3A_105 = arith.constant 0 : i32
    %dma_start3A_106 = tpu.memref_slice %arg7[%dma_start3A_95, %dma_start3A_105] : memref<3x80xi32, #tpu.memory_space<vmem>> -> memref<1x80xi32, #tpu.memory_space<vmem>>
    %dma_start3A_107 = tpu.memref_squeeze %dma_start3A_106 : memref<1x80xi32, #tpu.memory_space<vmem>> -> memref<80xi32, #tpu.memory_space<vmem>>
    %dma_start3A_108 = arith.constant 0 : i32
    %dma_start3A_109 = tpu.memref_slice %arg3[%add3A_94, %dma_start3A_108] : memref<4000x80xi32, #tpu.memory_space<hbm>> -> memref<1x80xi32, #tpu.memory_space<hbm>>
    %dma_start3A_110 = tpu.memref_squeeze %dma_start3A_109 : memref<1x80xi32, #tpu.memory_space<hbm>> -> memref<80xi32, #tpu.memory_space<hbm>>
    tpu.enqueue_dma source(%dma_start3A_110 : memref<80xi32, #tpu.memory_space<hbm>>) target(%dma_start3A_107 : memref<80xi32, #tpu.memory_space<vmem>>) target_semaphore(%dma_start3A_104 : memref<!tpu.dma_semaphore, #tpu.memory_space<semaphore_mem>>)
    %scan3A = arith.constant 0 : i32
    %scan3A_111 = arith.constant 0 : i32
    %scan3A_112 = arith.constant 80 : i32
    %scan3A_113 = arith.addi %scan3A_111, %scan3A_112 : i32
    %scan3A_114 = arith.constant 1 : i32
    %scan3A_115 = scf.for %scan3A_785 = %scan3A_111 to %scan3A_113 step %scan3A_114 iter_args(%scan3A_786 = %scan3A) -> (i32)  : i32 {
      %swap3A = arith.index_cast %scan3A_785 : i32 to index
      %swap3A_787 = arith.constant 0 : index
      %swap3A_788 = tpu.vector_load %arg8[%swap3A, %swap3A_787] {strides = array<i32>} : memref<80x16xf32, #tpu.memory_space<vmem>>, vector<1x16xf32>,
      %swap3A_789 = vector.shape_cast %swap3A_788 : vector<1x16xf32> to vector<16xf32>
      %swap3A_790 = vector.shape_cast %broadcast_in_dim3A_1 : vector<16xf32> to vector<1x16xf32>
      tpu.vector_store %arg8[%swap3A, %swap3A_787], %swap3A_790 {strides = array<i32>} : memref<80x16xf32, #tpu.memory_space<vmem>>, vector<1x16xf32>,
      %scan3A_791 = arith.constant 0 : i32
      scf.yield %scan3A_791 : i32
    }
    %scan3A_116 = arith.constant 80 : i32
    %broadcast_in_dim3A_117 = arith.constant 0.000000e+00 : f32
    %broadcast_in_dim3A_118 = vector.broadcast %broadcast_in_dim3A_117 : f32 to vector<16xf32>
    %scan3A_119 = arith.constant 0 : i32
    %scan3A_120 = arith.constant 0 : i32
    %scan3A_121 = arith.constant 80 : i32
    %scan3A_122 = arith.addi %scan3A_120, %scan3A_121 : i32
    %scan3A_123 = arith.constant 1 : i32
    %scan3A_124 = scf.for %scan3A_785 = %scan3A_120 to %scan3A_122 step %scan3A_123 iter_args(%scan3A_786 = %scan3A_119) -> (i32)  : i32 {
      %swap3A = arith.index_cast %scan3A_785 : i32 to index
      %swap3A_787 = arith.constant 0 : index
      %swap3A_788 = tpu.vector_load %arg9[%swap3A, %swap3A_787] {strides = array<i32>} : memref<80x16xf32, #tpu.memory_space<vmem>>, vector<1x16xf32>,
      %swap3A_789 = vector.shape_cast %swap3A_788 : vector<1x16xf32> to vector<16xf32>
      %swap3A_790 = vector.shape_cast %broadcast_in_dim3A_118 : vector<16xf32> to vector<1x16xf32>
      tpu.vector_store %arg9[%swap3A, %swap3A_787], %swap3A_790 {strides = array<i32>} : memref<80x16xf32, #tpu.memory_space<vmem>>, vector<1x16xf32>,
      %scan3A_791 = arith.constant 0 : i32
      scf.yield %scan3A_791 : i32
    }
    %scan3A_125 = arith.constant 80 : i32
    %broadcast_in_dim3A_126 = arith.constant 0.000000e+00 : f32
    %broadcast_in_dim3A_127 = vector.broadcast %broadcast_in_dim3A_126 : f32 to vector<16xf32>
    %scan3A_128 = arith.constant 2 : i32
    %scan3A_129 = arith.constant 0 : i32
    %scan3A_130 = arith.constant 0 : i32
    %scan3A_131 = arith.constant 80 : i32
    %scan3A_132 = arith.addi %scan3A_130, %scan3A_131 : i32
    %scan3A_133 = arith.constant 1 : i32
    %scan3A_134 = scf.for %scan3A_785 = %scan3A_130 to %scan3A_132 step %scan3A_133 iter_args(%scan3A_786 = %scan3A_129) -> (i32)  : i32 {
      %swap3A = arith.constant 0 : i32
      %swap3A_787 = arith.constant 0 : i32
      %swap3A_788 = tpu.memref_slice %arg6[%scan3A_128, %swap3A, %swap3A_787] : memref<3x80x128xf32, #tpu.memory_space<vmem>> -> memref<1x80x128xf32, #tpu.memory_space<vmem>>
      %swap3A_789 = tpu.memref_squeeze %swap3A_788 : memref<1x80x128xf32, #tpu.memory_space<vmem>> -> memref<80x128xf32, #tpu.memory_space<vmem>>
      %swap3A_790 = arith.index_cast %scan3A_785 : i32 to index
      %swap3A_791 = arith.constant 0 : index
      %swap3A_792 = tpu.vector_load %swap3A_789[%swap3A_790, %swap3A_791] {strides = array<i32>} : memref<80x128xf32, #tpu.memory_space<vmem>>, vector<1x16xf32>,
      %swap3A_793 = vector.shape_cast %swap3A_792 : vector<1x16xf32> to vector<16xf32>
      %swap3A_794 = vector.shape_cast %broadcast_in_dim3A_127 : vector<16xf32> to vector<1x16xf32>
      tpu.vector_store %swap3A_789[%swap3A_790, %swap3A_791], %swap3A_794 {strides = array<i32>} : memref<80x128xf32, #tpu.memory_space<vmem>>, vector<1x16xf32>,
      %swap3A_795 = arith.constant 0 : i32
      %swap3A_796 = arith.constant 0 : i32
      %swap3A_797 = tpu.memref_slice %arg6[%scan3A_128, %swap3A_795, %swap3A_796] : memref<3x80x128xf32, #tpu.memory_space<vmem>> -> memref<1x80x128xf32, #tpu.memory_space<vmem>>
      %swap3A_798 = tpu.memref_squeeze %swap3A_797 : memref<1x80x128xf32, #tpu.memory_space<vmem>> -> memref<80x128xf32, #tpu.memory_space<vmem>>
      %swap3A_799 = arith.index_cast %scan3A_785 : i32 to index
      %swap3A_800 = arith.constant 16 : index
      %swap3A_801 = tpu.vector_load %swap3A_798[%swap3A_799, %swap3A_800] {strides = array<i32>} : memref<80x128xf32, #tpu.memory_space<vmem>>, vector<1x16xf32>,
      %swap3A_802 = vector.shape_cast %swap3A_801 : vector<1x16xf32> to vector<16xf32>
      %swap3A_803 = vector.shape_cast %broadcast_in_dim3A_127 : vector<16xf32> to vector<1x16xf32>
      tpu.vector_store %swap3A_798[%swap3A_799, %swap3A_800], %swap3A_803 {strides = array<i32>} : memref<80x128xf32, #tpu.memory_space<vmem>>, vector<1x16xf32>,
      %swap3A_804 = arith.constant 0 : i32
      %swap3A_805 = arith.constant 0 : i32
      %swap3A_806 = tpu.memref_slice %arg6[%scan3A_128, %swap3A_804, %swap3A_805] : memref<3x80x128xf32, #tpu.memory_space<vmem>> -> memref<1x80x128xf32, #tpu.memory_space<vmem>>
      %swap3A_807 = tpu.memref_squeeze %swap3A_806 : memref<1x80x128xf32, #tpu.memory_space<vmem>> -> memref<80x128xf32, #tpu.memory_space<vmem>>
      %swap3A_808 = arith.index_cast %scan3A_785 : i32 to index
      %swap3A_809 = arith.constant 32 : index
      %swap3A_810 = tpu.vector_load %swap3A_807[%swap3A_808, %swap3A_809] {strides = array<i32>} : memref<80x128xf32, #tpu.memory_space<vmem>>, vector<1x16xf32>,
      %swap3A_811 = vector.shape_cast %swap3A_810 : vector<1x16xf32> to vector<16xf32>
      %swap3A_812 = vector.shape_cast %broadcast_in_dim3A_127 : vector<16xf32> to vector<1x16xf32>
      tpu.vector_store %swap3A_807[%swap3A_808, %swap3A_809], %swap3A_812 {strides = array<i32>} : memref<80x128xf32, #tpu.memory_space<vmem>>, vector<1x16xf32>,
      %swap3A_813 = arith.constant 0 : i32
      %swap3A_814 = arith.constant 0 : i32
      %swap3A_815 = tpu.memref_slice %arg6[%scan3A_128, %swap3A_813, %swap3A_814] : memref<3x80x128xf32, #tpu.memory_space<vmem>> -> memref<1x80x128xf32, #tpu.memory_space<vmem>>
      %swap3A_816 = tpu.memref_squeeze %swap3A_815 : memref<1x80x128xf32, #tpu.memory_space<vmem>> -> memref<80x128xf32, #tpu.memory_space<vmem>>
      %swap3A_817 = arith.index_cast %scan3A_785 : i32 to index
      %swap3A_818 = arith.constant 48 : index
      %swap3A_819 = tpu.vector_load %swap3A_816[%swap3A_817, %swap3A_818] {strides = array<i32>} : memref<80x128xf32, #tpu.memory_space<vmem>>, vector<1x16xf32>,
      %swap3A_820 = vector.shape_cast %swap3A_819 : vector<1x16xf32> to vector<16xf32>
      %swap3A_821 = vector.shape_cast %broadcast_in_dim3A_127 : vector<16xf32> to vector<1x16xf32>
      tpu.vector_store %swap3A_816[%swap3A_817, %swap3A_818], %swap3A_821 {strides = array<i32>} : memref<80x128xf32, #tpu.memory_space<vmem>>, vector<1x16xf32>,
      %swap3A_822 = arith.constant 0 : i32
      %swap3A_823 = arith.constant 0 : i32
      %swap3A_824 = tpu.memref_slice %arg6[%scan3A_128, %swap3A_822, %swap3A_823] : memref<3x80x128xf32, #tpu.memory_space<vmem>> -> memref<1x80x128xf32, #tpu.memory_space<vmem>>
      %swap3A_825 = tpu.memref_squeeze %swap3A_824 : memref<1x80x128xf32, #tpu.memory_space<vmem>> -> memref<80x128xf32, #tpu.memory_space<vmem>>
      %swap3A_826 = arith.index_cast %scan3A_785 : i32 to index
      %swap3A_827 = arith.constant 64 : index
      %swap3A_828 = tpu.vector_load %swap3A_825[%swap3A_826, %swap3A_827] {strides = array<i32>} : memref<80x128xf32, #tpu.memory_space<vmem>>, vector<1x16xf32>,
      %swap3A_829 = vector.shape_cast %swap3A_828 : vector<1x16xf32> to vector<16xf32>
      %swap3A_830 = vector.shape_cast %broadcast_in_dim3A_127 : vector<16xf32> to vector<1x16xf32>
      tpu.vector_store %swap3A_825[%swap3A_826, %swap3A_827], %swap3A_830 {strides = array<i32>} : memref<80x128xf32, #tpu.memory_space<vmem>>, vector<1x16xf32>,
      %swap3A_831 = arith.constant 0 : i32
      %swap3A_832 = arith.constant 0 : i32
      %swap3A_833 = tpu.memref_slice %arg6[%scan3A_128, %swap3A_831, %swap3A_832] : memref<3x80x128xf32, #tpu.memory_space<vmem>> -> memref<1x80x128xf32, #tpu.memory_space<vmem>>
      %swap3A_834 = tpu.memref_squeeze %swap3A_833 : memref<1x80x128xf32, #tpu.memory_space<vmem>> -> memref<80x128xf32, #tpu.memory_space<vmem>>
      %swap3A_835 = arith.index_cast %scan3A_785 : i32 to index
      %swap3A_836 = arith.constant 80 : index
      %swap3A_837 = tpu.vector_load %swap3A_834[%swap3A_835, %swap3A_836] {strides = array<i32>} : memref<80x128xf32, #tpu.memory_space<vmem>>, vector<1x16xf32>,
      %swap3A_838 = vector.shape_cast %swap3A_837 : vector<1x16xf32> to vector<16xf32>
      %swap3A_839 = vector.shape_cast %broadcast_in_dim3A_127 : vector<16xf32> to vector<1x16xf32>
      tpu.vector_store %swap3A_834[%swap3A_835, %swap3A_836], %swap3A_839 {strides = array<i32>} : memref<80x128xf32, #tpu.memory_space<vmem>>, vector<1x16xf32>,
      %swap3A_840 = arith.constant 0 : i32
      %swap3A_841 = arith.constant 0 : i32
      %swap3A_842 = tpu.memref_slice %arg6[%scan3A_128, %swap3A_840, %swap3A_841] : memref<3x80x128xf32, #tpu.memory_space<vmem>> -> memref<1x80x128xf32, #tpu.memory_space<vmem>>
      %swap3A_843 = tpu.memref_squeeze %swap3A_842 : memref<1x80x128xf32, #tpu.memory_space<vmem>> -> memref<80x128xf32, #tpu.memory_space<vmem>>
      %swap3A_844 = arith.index_cast %scan3A_785 : i32 to index
      %swap3A_845 = arith.constant 96 : index
      %swap3A_846 = tpu.vector_load %swap3A_843[%swap3A_844, %swap3A_845] {strides = array<i32>} : memref<80x128xf32, #tpu.memory_space<vmem>>, vector<1x16xf32>,
      %swap3A_847 = vector.shape_cast %swap3A_846 : vector<1x16xf32> to vector<16xf32>
      %swap3A_848 = vector.shape_cast %broadcast_in_dim3A_127 : vector<16xf32> to vector<1x16xf32>
      tpu.vector_store %swap3A_843[%swap3A_844, %swap3A_845], %swap3A_848 {strides = array<i32>} : memref<80x128xf32, #tpu.memory_space<vmem>>, vector<1x16xf32>,
      %swap3A_849 = arith.constant 0 : i32
      %swap3A_850 = arith.constant 0 : i32
      %swap3A_851 = tpu.memref_slice %arg6[%scan3A_128, %swap3A_849, %swap3A_850] : memref<3x80x128xf32, #tpu.memory_space<vmem>> -> memref<1x80x128xf32, #tpu.memory_space<vmem>>
      %swap3A_852 = tpu.memref_squeeze %swap3A_851 : memref<1x80x128xf32, #tpu.memory_space<vmem>> -> memref<80x128xf32, #tpu.memory_space<vmem>>
      %swap3A_853 = arith.index_cast %scan3A_785 : i32 to index
      %swap3A_854 = arith.constant 112 : index
      %swap3A_855 = tpu.vector_load %swap3A_852[%swap3A_853, %swap3A_854] {strides = array<i32>} : memref<80x128xf32, #tpu.memory_space<vmem>>, vector<1x16xf32>,
      %swap3A_856 = vector.shape_cast %swap3A_855 : vector<1x16xf32> to vector<16xf32>
      %swap3A_857 = vector.shape_cast %broadcast_in_dim3A_127 : vector<16xf32> to vector<1x16xf32>
      tpu.vector_store %swap3A_852[%swap3A_853, %swap3A_854], %swap3A_857 {strides = array<i32>} : memref<80x128xf32, #tpu.memory_space<vmem>>, vector<1x16xf32>,
      %scan3A_858 = arith.constant 0 : i32
      scf.yield %scan3A_858 : i32
    }
    %scan3A_135 = arith.constant 80 : i32
    %mul3A_136 = arith.constant 624 : i32
    %mul3A_137 = arith.muli %arg1, %mul3A_136 : i32
    %add3A_138 = arith.constant 0 : i32
    %add3A_139 = arith.addi %mul3A_137, %add3A_138 : i32
    %add3A_140 = arith.constant 80 : i32
    %add3A_141 = arith.addi %mul3A_137, %add3A_140 : i32
    %add3A_142 = arith.constant 160 : i32
    %add3A_143 = arith.addi %mul3A_137, %add3A_142 : i32
    %add3A_144 = arith.constant 240 : i32
    %add3A_145 = arith.addi %mul3A_137, %add3A_144 : i32
    %add3A_146 = arith.constant 320 : i32
    %add3A_147 = arith.addi %mul3A_137, %add3A_146 : i32
    %add3A_148 = arith.constant 400 : i32
    %add3A_149 = arith.addi %mul3A_137, %add3A_148 : i32
    %add3A_150 = arith.constant 480 : i32
    %add3A_151 = arith.addi %mul3A_137, %add3A_150 : i32
    %add3A_152 = arith.constant 560 : i32
    %add3A_153 = arith.addi %mul3A_137, %add3A_152 : i32
    %add3A_154 = arith.constant 0 : i32
    %add3A_155 = arith.addi %mul3A_137, %add3A_154 : i32
    %add3A_156 = arith.constant 80 : i32
    %add3A_157 = arith.addi %mul3A_137, %add3A_156 : i32
    %add3A_158 = arith.constant 160 : i32
    %add3A_159 = arith.addi %mul3A_137, %add3A_158 : i32
    %add3A_160 = arith.constant 240 : i32
    %add3A_161 = arith.addi %mul3A_137, %add3A_160 : i32
    %add3A_162 = arith.constant 320 : i32
    %add3A_163 = arith.addi %mul3A_137, %add3A_162 : i32
    %add3A_164 = arith.constant 400 : i32
    %add3A_165 = arith.addi %mul3A_137, %add3A_164 : i32
    %add3A_166 = arith.constant 480 : i32
    %add3A_167 = arith.addi %mul3A_137, %add3A_166 : i32
    %add3A_168 = arith.constant 560 : i32
    %add3A_169 = arith.addi %mul3A_137, %add3A_168 : i32
    %dma_start3A_170 = arith.constant 2 : i32
    %dma_start3A_171 = arith.constant 0 : i32
    %dma_start3A_172 = arith.constant 0 : i32
    %dma_start3A_173 = arith.constant 0 : i32
    %dma_start3A_174 = tpu.memref_slice %arg6[%dma_start3A_170, %dma_start3A_172, %dma_start3A_173] : memref<3x80x128xf32, #tpu.memory_space<vmem>> -> memref<1x80x128xf32, #tpu.memory_space<vmem>>
    %dma_start3A_175 = tpu.memref_squeeze %dma_start3A_174 : memref<1x80x128xf32, #tpu.memory_space<vmem>> -> memref<80x128xf32, #tpu.memory_space<vmem>>
    %dma_start3A_176 = arith.constant 0 : i32
    %dma_start3A_177 = tpu.memref_slice %arg10[%add3A_139, %dma_start3A_176] : memref<10000x128xf32, #tpu.memory_space<vmem_shared>> -> memref<80x128xf32, #tpu.memory_space<vmem_shared>>
    %dma_start3A_178 = tpu.memref_slice %arg14[%dma_start3A_171] : memref<3x!tpu.dma_semaphore, #tpu.memory_space<semaphore_mem>> -> memref<1x!tpu.dma_semaphore, #tpu.memory_space<semaphore_mem>>
    %dma_start3A_179 = tpu.memref_squeeze %dma_start3A_178 : memref<1x!tpu.dma_semaphore, #tpu.memory_space<semaphore_mem>> -> memref<!tpu.dma_semaphore, #tpu.memory_space<semaphore_mem>>
    %dma_start3A_180 = arith.constant 0 : i32
    %dma_start3A_181 = tpu.memref_slice %arg10[%add3A_139, %dma_start3A_180] : memref<10000x128xf32, #tpu.memory_space<vmem_shared>> -> memref<80x128xf32, #tpu.memory_space<vmem_shared>>
    %dma_start3A_182 = arith.constant 0 : i32
    %dma_start3A_183 = arith.constant 0 : i32
    %dma_start3A_184 = tpu.memref_slice %arg6[%dma_start3A_170, %dma_start3A_182, %dma_start3A_183] : memref<3x80x128xf32, #tpu.memory_space<vmem>> -> memref<1x80x128xf32, #tpu.memory_space<vmem>>
    %dma_start3A_185 = tpu.memref_squeeze %dma_start3A_184 : memref<1x80x128xf32, #tpu.memory_space<vmem>> -> memref<80x128xf32, #tpu.memory_space<vmem>>
    tpu.enqueue_dma source(%dma_start3A_185 : memref<80x128xf32, #tpu.memory_space<vmem>>) target(%dma_start3A_181 : memref<80x128xf32, #tpu.memory_space<vmem_shared>>) target_semaphore(%dma_start3A_179 : memref<!tpu.dma_semaphore, #tpu.memory_space<semaphore_mem>>)
    %dma_start3A_186 = arith.constant 2 : i32
    %dma_start3A_187 = arith.constant 0 : i32
    %dma_start3A_188 = arith.constant 0 : i32
    %dma_start3A_189 = arith.constant 0 : i32
    %dma_start3A_190 = tpu.memref_slice %arg6[%dma_start3A_186, %dma_start3A_188, %dma_start3A_189] : memref<3x80x128xf32, #tpu.memory_space<vmem>> -> memref<1x80x128xf32, #tpu.memory_space<vmem>>
    %dma_start3A_191 = tpu.memref_squeeze %dma_start3A_190 : memref<1x80x128xf32, #tpu.memory_space<vmem>> -> memref<80x128xf32, #tpu.memory_space<vmem>>
    %dma_start3A_192 = arith.constant 0 : i32
    %dma_start3A_193 = tpu.memref_slice %arg10[%add3A_141, %dma_start3A_192] : memref<10000x128xf32, #tpu.memory_space<vmem_shared>> -> memref<80x128xf32, #tpu.memory_space<vmem_shared>>
    %dma_start3A_194 = tpu.memref_slice %arg14[%dma_start3A_187] : memref<3x!tpu.dma_semaphore, #tpu.memory_space<semaphore_mem>> -> memref<1x!tpu.dma_semaphore, #tpu.memory_space<semaphore_mem>>
    %dma_start3A_195 = tpu.memref_squeeze %dma_start3A_194 : memref<1x!tpu.dma_semaphore, #tpu.memory_space<semaphore_mem>> -> memref<!tpu.dma_semaphore, #tpu.memory_space<semaphore_mem>>
    %dma_start3A_196 = arith.constant 0 : i32
    %dma_start3A_197 = tpu.memref_slice %arg10[%add3A_141, %dma_start3A_196] : memref<10000x128xf32, #tpu.memory_space<vmem_shared>> -> memref<80x128xf32, #tpu.memory_space<vmem_shared>>
    %dma_start3A_198 = arith.constant 0 : i32
    %dma_start3A_199 = arith.constant 0 : i32
    %dma_start3A_200 = tpu.memref_slice %arg6[%dma_start3A_186, %dma_start3A_198, %dma_start3A_199] : memref<3x80x128xf32, #tpu.memory_space<vmem>> -> memref<1x80x128xf32, #tpu.memory_space<vmem>>
    %dma_start3A_201 = tpu.memref_squeeze %dma_start3A_200 : memref<1x80x128xf32, #tpu.memory_space<vmem>> -> memref<80x128xf32, #tpu.memory_space<vmem>>
    tpu.enqueue_dma source(%dma_start3A_201 : memref<80x128xf32, #tpu.memory_space<vmem>>) target(%dma_start3A_197 : memref<80x128xf32, #tpu.memory_space<vmem_shared>>) target_semaphore(%dma_start3A_195 : memref<!tpu.dma_semaphore, #tpu.memory_space<semaphore_mem>>)
    %dma_start3A_202 = arith.constant 2 : i32
    %dma_start3A_203 = arith.constant 0 : i32
    %dma_start3A_204 = arith.constant 0 : i32
    %dma_start3A_205 = arith.constant 0 : i32
    %dma_start3A_206 = tpu.memref_slice %arg6[%dma_start3A_202, %dma_start3A_204, %dma_start3A_205] : memref<3x80x128xf32, #tpu.memory_space<vmem>> -> memref<1x80x128xf32, #tpu.memory_space<vmem>>
    %dma_start3A_207 = tpu.memref_squeeze %dma_start3A_206 : memref<1x80x128xf32, #tpu.memory_space<vmem>> -> memref<80x128xf32, #tpu.memory_space<vmem>>
    %dma_start3A_208 = arith.constant 0 : i32
    %dma_start3A_209 = tpu.memref_slice %arg10[%add3A_143, %dma_start3A_208] : memref<10000x128xf32, #tpu.memory_space<vmem_shared>> -> memref<80x128xf32, #tpu.memory_space<vmem_shared>>
    %dma_start3A_210 = tpu.memref_slice %arg14[%dma_start3A_203] : memref<3x!tpu.dma_semaphore, #tpu.memory_space<semaphore_mem>> -> memref<1x!tpu.dma_semaphore, #tpu.memory_space<semaphore_mem>>
    %dma_start3A_211 = tpu.memref_squeeze %dma_start3A_210 : memref<1x!tpu.dma_semaphore, #tpu.memory_space<semaphore_mem>> -> memref<!tpu.dma_semaphore, #tpu.memory_space<semaphore_mem>>
    %dma_start3A_212 = arith.constant 0 : i32
    %dma_start3A_213 = tpu.memref_slice %arg10[%add3A_143, %dma_start3A_212] : memref<10000x128xf32, #tpu.memory_space<vmem_shared>> -> memref<80x128xf32, #tpu.memory_space<vmem_shared>>
    %dma_start3A_214 = arith.constant 0 : i32
    %dma_start3A_215 = arith.constant 0 : i32
    %dma_start3A_216 = tpu.memref_slice %arg6[%dma_start3A_202, %dma_start3A_214, %dma_start3A_215] : memref<3x80x128xf32, #tpu.memory_space<vmem>> -> memref<1x80x128xf32, #tpu.memory_space<vmem>>
    %dma_start3A_217 = tpu.memref_squeeze %dma_start3A_216 : memref<1x80x128xf32, #tpu.memory_space<vmem>> -> memref<80x128xf32, #tpu.memory_space<vmem>>
    tpu.enqueue_dma source(%dma_start3A_217 : memref<80x128xf32, #tpu.memory_space<vmem>>) target(%dma_start3A_213 : memref<80x128xf32, #tpu.memory_space<vmem_shared>>) target_semaphore(%dma_start3A_211 : memref<!tpu.dma_semaphore, #tpu.memory_space<semaphore_mem>>)
    %dma_start3A_218 = arith.constant 2 : i32
    %dma_start3A_219 = arith.constant 0 : i32
    %dma_start3A_220 = arith.constant 0 : i32
    %dma_start3A_221 = arith.constant 0 : i32
    %dma_start3A_222 = tpu.memref_slice %arg6[%dma_start3A_218, %dma_start3A_220, %dma_start3A_221] : memref<3x80x128xf32, #tpu.memory_space<vmem>> -> memref<1x80x128xf32, #tpu.memory_space<vmem>>
    %dma_start3A_223 = tpu.memref_squeeze %dma_start3A_222 : memref<1x80x128xf32, #tpu.memory_space<vmem>> -> memref<80x128xf32, #tpu.memory_space<vmem>>
    %dma_start3A_224 = arith.constant 0 : i32
    %dma_start3A_225 = tpu.memref_slice %arg10[%add3A_145, %dma_start3A_224] : memref<10000x128xf32, #tpu.memory_space<vmem_shared>> -> memref<80x128xf32, #tpu.memory_space<vmem_shared>>
    %dma_start3A_226 = tpu.memref_slice %arg14[%dma_start3A_219] : memref<3x!tpu.dma_semaphore, #tpu.memory_space<semaphore_mem>> -> memref<1x!tpu.dma_semaphore, #tpu.memory_space<semaphore_mem>>
    %dma_start3A_227 = tpu.memref_squeeze %dma_start3A_226 : memref<1x!tpu.dma_semaphore, #tpu.memory_space<semaphore_mem>> -> memref<!tpu.dma_semaphore, #tpu.memory_space<semaphore_mem>>
    %dma_start3A_228 = arith.constant 0 : i32
    %dma_start3A_229 = tpu.memref_slice %arg10[%add3A_145, %dma_start3A_228] : memref<10000x128xf32, #tpu.memory_space<vmem_shared>> -> memref<80x128xf32, #tpu.memory_space<vmem_shared>>
    %dma_start3A_230 = arith.constant 0 : i32
    %dma_start3A_231 = arith.constant 0 : i32
    %dma_start3A_232 = tpu.memref_slice %arg6[%dma_start3A_218, %dma_start3A_230, %dma_start3A_231] : memref<3x80x128xf32, #tpu.memory_space<vmem>> -> memref<1x80x128xf32, #tpu.memory_space<vmem>>
    %dma_start3A_233 = tpu.memref_squeeze %dma_start3A_232 : memref<1x80x128xf32, #tpu.memory_space<vmem>> -> memref<80x128xf32, #tpu.memory_space<vmem>>
    tpu.enqueue_dma source(%dma_start3A_233 : memref<80x128xf32, #tpu.memory_space<vmem>>) target(%dma_start3A_229 : memref<80x128xf32, #tpu.memory_space<vmem_shared>>) target_semaphore(%dma_start3A_227 : memref<!tpu.dma_semaphore, #tpu.memory_space<semaphore_mem>>)
    %dma_start3A_234 = arith.constant 2 : i32
    %dma_start3A_235 = arith.constant 0 : i32
    %dma_start3A_236 = arith.constant 0 : i32
    %dma_start3A_237 = arith.constant 0 : i32
    %dma_start3A_238 = tpu.memref_slice %arg6[%dma_start3A_234, %dma_start3A_236, %dma_start3A_237] : memref<3x80x128xf32, #tpu.memory_space<vmem>> -> memref<1x80x128xf32, #tpu.memory_space<vmem>>
    %dma_start3A_239 = tpu.memref_squeeze %dma_start3A_238 : memref<1x80x128xf32, #tpu.memory_space<vmem>> -> memref<80x128xf32, #tpu.memory_space<vmem>>
    %dma_start3A_240 = arith.constant 0 : i32
    %dma_start3A_241 = tpu.memref_slice %arg10[%add3A_147, %dma_start3A_240] : memref<10000x128xf32, #tpu.memory_space<vmem_shared>> -> memref<80x128xf32, #tpu.memory_space<vmem_shared>>
    %dma_start3A_242 = tpu.memref_slice %arg14[%dma_start3A_235] : memref<3x!tpu.dma_semaphore, #tpu.memory_space<semaphore_mem>> -> memref<1x!tpu.dma_semaphore, #tpu.memory_space<semaphore_mem>>
    %dma_start3A_243 = tpu.memref_squeeze %dma_start3A_242 : memref<1x!tpu.dma_semaphore, #tpu.memory_space<semaphore_mem>> -> memref<!tpu.dma_semaphore, #tpu.memory_space<semaphore_mem>>
    %dma_start3A_244 = arith.constant 0 : i32
    %dma_start3A_245 = tpu.memref_slice %arg10[%add3A_147, %dma_start3A_244] : memref<10000x128xf32, #tpu.memory_space<vmem_shared>> -> memref<80x128xf32, #tpu.memory_space<vmem_shared>>
    %dma_start3A_246 = arith.constant 0 : i32
    %dma_start3A_247 = arith.constant 0 : i32
    %dma_start3A_248 = tpu.memref_slice %arg6[%dma_start3A_234, %dma_start3A_246, %dma_start3A_247] : memref<3x80x128xf32, #tpu.memory_space<vmem>> -> memref<1x80x128xf32, #tpu.memory_space<vmem>>
    %dma_start3A_249 = tpu.memref_squeeze %dma_start3A_248 : memref<1x80x128xf32, #tpu.memory_space<vmem>> -> memref<80x128xf32, #tpu.memory_space<vmem>>
    tpu.enqueue_dma source(%dma_start3A_249 : memref<80x128xf32, #tpu.memory_space<vmem>>) target(%dma_start3A_245 : memref<80x128xf32, #tpu.memory_space<vmem_shared>>) target_semaphore(%dma_start3A_243 : memref<!tpu.dma_semaphore, #tpu.memory_space<semaphore_mem>>)
    %dma_start3A_250 = arith.constant 2 : i32
    %dma_start3A_251 = arith.constant 0 : i32
    %dma_start3A_252 = arith.constant 0 : i32
    %dma_start3A_253 = arith.constant 0 : i32
    %dma_start3A_254 = tpu.memref_slice %arg6[%dma_start3A_250, %dma_start3A_252, %dma_start3A_253] : memref<3x80x128xf32, #tpu.memory_space<vmem>> -> memref<1x80x128xf32, #tpu.memory_space<vmem>>
    %dma_start3A_255 = tpu.memref_squeeze %dma_start3A_254 : memref<1x80x128xf32, #tpu.memory_space<vmem>> -> memref<80x128xf32, #tpu.memory_space<vmem>>
    %dma_start3A_256 = arith.constant 0 : i32
    %dma_start3A_257 = tpu.memref_slice %arg10[%add3A_149, %dma_start3A_256] : memref<10000x128xf32, #tpu.memory_space<vmem_shared>> -> memref<80x128xf32, #tpu.memory_space<vmem_shared>>
    %dma_start3A_258 = tpu.memref_slice %arg14[%dma_start3A_251] : memref<3x!tpu.dma_semaphore, #tpu.memory_space<semaphore_mem>> -> memref<1x!tpu.dma_semaphore, #tpu.memory_space<semaphore_mem>>
    %dma_start3A_259 = tpu.memref_squeeze %dma_start3A_258 : memref<1x!tpu.dma_semaphore, #tpu.memory_space<semaphore_mem>> -> memref<!tpu.dma_semaphore, #tpu.memory_space<semaphore_mem>>
    %dma_start3A_260 = arith.constant 0 : i32
    %dma_start3A_261 = tpu.memref_slice %arg10[%add3A_149, %dma_start3A_260] : memref<10000x128xf32, #tpu.memory_space<vmem_shared>> -> memref<80x128xf32, #tpu.memory_space<vmem_shared>>
    %dma_start3A_262 = arith.constant 0 : i32
    %dma_start3A_263 = arith.constant 0 : i32
    %dma_start3A_264 = tpu.memref_slice %arg6[%dma_start3A_250, %dma_start3A_262, %dma_start3A_263] : memref<3x80x128xf32, #tpu.memory_space<vmem>> -> memref<1x80x128xf32, #tpu.memory_space<vmem>>
    %dma_start3A_265 = tpu.memref_squeeze %dma_start3A_264 : memref<1x80x128xf32, #tpu.memory_space<vmem>> -> memref<80x128xf32, #tpu.memory_space<vmem>>
    tpu.enqueue_dma source(%dma_start3A_265 : memref<80x128xf32, #tpu.memory_space<vmem>>) target(%dma_start3A_261 : memref<80x128xf32, #tpu.memory_space<vmem_shared>>) target_semaphore(%dma_start3A_259 : memref<!tpu.dma_semaphore, #tpu.memory_space<semaphore_mem>>)
    %dma_start3A_266 = arith.constant 2 : i32
    %dma_start3A_267 = arith.constant 0 : i32
    %dma_start3A_268 = arith.constant 0 : i32
    %dma_start3A_269 = arith.constant 0 : i32
    %dma_start3A_270 = tpu.memref_slice %arg6[%dma_start3A_266, %dma_start3A_268, %dma_start3A_269] : memref<3x80x128xf32, #tpu.memory_space<vmem>> -> memref<1x80x128xf32, #tpu.memory_space<vmem>>
    %dma_start3A_271 = tpu.memref_squeeze %dma_start3A_270 : memref<1x80x128xf32, #tpu.memory_space<vmem>> -> memref<80x128xf32, #tpu.memory_space<vmem>>
    %dma_start3A_272 = arith.constant 0 : i32
    %dma_start3A_273 = tpu.memref_slice %arg10[%add3A_151, %dma_start3A_272] : memref<10000x128xf32, #tpu.memory_space<vmem_shared>> -> memref<80x128xf32, #tpu.memory_space<vmem_shared>>
    %dma_start3A_274 = tpu.memref_slice %arg14[%dma_start3A_267] : memref<3x!tpu.dma_semaphore, #tpu.memory_space<semaphore_mem>> -> memref<1x!tpu.dma_semaphore, #tpu.memory_space<semaphore_mem>>
    %dma_start3A_275 = tpu.memref_squeeze %dma_start3A_274 : memref<1x!tpu.dma_semaphore, #tpu.memory_space<semaphore_mem>> -> memref<!tpu.dma_semaphore, #tpu.memory_space<semaphore_mem>>
    %dma_start3A_276 = arith.constant 0 : i32
    %dma_start3A_277 = tpu.memref_slice %arg10[%add3A_151, %dma_start3A_276] : memref<10000x128xf32, #tpu.memory_space<vmem_shared>> -> memref<80x128xf32, #tpu.memory_space<vmem_shared>>
    %dma_start3A_278 = arith.constant 0 : i32
    %dma_start3A_279 = arith.constant 0 : i32
    %dma_start3A_280 = tpu.memref_slice %arg6[%dma_start3A_266, %dma_start3A_278, %dma_start3A_279] : memref<3x80x128xf32, #tpu.memory_space<vmem>> -> memref<1x80x128xf32, #tpu.memory_space<vmem>>
    %dma_start3A_281 = tpu.memref_squeeze %dma_start3A_280 : memref<1x80x128xf32, #tpu.memory_space<vmem>> -> memref<80x128xf32, #tpu.memory_space<vmem>>
    tpu.enqueue_dma source(%dma_start3A_281 : memref<80x128xf32, #tpu.memory_space<vmem>>) target(%dma_start3A_277 : memref<80x128xf32, #tpu.memory_space<vmem_shared>>) target_semaphore(%dma_start3A_275 : memref<!tpu.dma_semaphore, #tpu.memory_space<semaphore_mem>>)
    %dma_start3A_282 = arith.constant 2 : i32
    %dma_start3A_283 = arith.constant 0 : i32
    %dma_start3A_284 = arith.constant 0 : i32
    %dma_start3A_285 = arith.constant 0 : i32
    %dma_start3A_286 = tpu.memref_slice %arg6[%dma_start3A_282, %dma_start3A_284, %dma_start3A_285] : memref<3x80x128xf32, #tpu.memory_space<vmem>> -> memref<1x64x128xf32, #tpu.memory_space<vmem>>
    %dma_start3A_287 = tpu.memref_squeeze %dma_start3A_286 : memref<1x64x128xf32, #tpu.memory_space<vmem>> -> memref<64x128xf32, #tpu.memory_space<vmem>>
    %dma_start3A_288 = arith.constant 0 : i32
    %dma_start3A_289 = tpu.memref_slice %arg10[%add3A_153, %dma_start3A_288] : memref<10000x128xf32, #tpu.memory_space<vmem_shared>> -> memref<64x128xf32, #tpu.memory_space<vmem_shared>>
    %dma_start3A_290 = tpu.memref_slice %arg14[%dma_start3A_283] : memref<3x!tpu.dma_semaphore, #tpu.memory_space<semaphore_mem>> -> memref<1x!tpu.dma_semaphore, #tpu.memory_space<semaphore_mem>>
    %dma_start3A_291 = tpu.memref_squeeze %dma_start3A_290 : memref<1x!tpu.dma_semaphore, #tpu.memory_space<semaphore_mem>> -> memref<!tpu.dma_semaphore, #tpu.memory_space<semaphore_mem>>
    %dma_start3A_292 = arith.constant 0 : i32
    %dma_start3A_293 = tpu.memref_slice %arg10[%add3A_153, %dma_start3A_292] : memref<10000x128xf32, #tpu.memory_space<vmem_shared>> -> memref<64x128xf32, #tpu.memory_space<vmem_shared>>
    %dma_start3A_294 = arith.constant 0 : i32
    %dma_start3A_295 = arith.constant 0 : i32
    %dma_start3A_296 = tpu.memref_slice %arg6[%dma_start3A_282, %dma_start3A_294, %dma_start3A_295] : memref<3x80x128xf32, #tpu.memory_space<vmem>> -> memref<1x64x128xf32, #tpu.memory_space<vmem>>
    %dma_start3A_297 = tpu.memref_squeeze %dma_start3A_296 : memref<1x64x128xf32, #tpu.memory_space<vmem>> -> memref<64x128xf32, #tpu.memory_space<vmem>>
    tpu.enqueue_dma source(%dma_start3A_297 : memref<64x128xf32, #tpu.memory_space<vmem>>) target(%dma_start3A_293 : memref<64x128xf32, #tpu.memory_space<vmem_shared>>) target_semaphore(%dma_start3A_291 : memref<!tpu.dma_semaphore, #tpu.memory_space<semaphore_mem>>)
    %dma_start3A_298 = arith.constant 0 : i32
    %dma_start3A_299 = arith.constant 0 : i32
    %dma_start3A_300 = tpu.memref_slice %arg11[%add3A_155, %dma_start3A_299] : memref<10000x16xf32, #tpu.memory_space<vmem_shared>> -> memref<80x16xf32, #tpu.memory_space<vmem_shared>>
    %dma_start3A_301 = tpu.memref_slice %arg14[%dma_start3A_298] : memref<3x!tpu.dma_semaphore, #tpu.memory_space<semaphore_mem>> -> memref<1x!tpu.dma_semaphore, #tpu.memory_space<semaphore_mem>>
    %dma_start3A_302 = tpu.memref_squeeze %dma_start3A_301 : memref<1x!tpu.dma_semaphore, #tpu.memory_space<semaphore_mem>> -> memref<!tpu.dma_semaphore, #tpu.memory_space<semaphore_mem>>
    %dma_start3A_303 = arith.constant 0 : i32
    %dma_start3A_304 = tpu.memref_slice %arg11[%add3A_155, %dma_start3A_303] : memref<10000x16xf32, #tpu.memory_space<vmem_shared>> -> memref<80x16xf32, #tpu.memory_space<vmem_shared>>
    tpu.enqueue_dma source(%arg9 : memref<80x16xf32, #tpu.memory_space<vmem>>) target(%dma_start3A_304 : memref<80x16xf32, #tpu.memory_space<vmem_shared>>) target_semaphore(%dma_start3A_302 : memref<!tpu.dma_semaphore, #tpu.memory_space<semaphore_mem>>)
    %dma_start3A_305 = arith.constant 0 : i32
    %dma_start3A_306 = arith.constant 0 : i32
    %dma_start3A_307 = tpu.memref_slice %arg11[%add3A_157, %dma_start3A_306] : memref<10000x16xf32, #tpu.memory_space<vmem_shared>> -> memref<80x16xf32, #tpu.memory_space<vmem_shared>>
    %dma_start3A_308 = tpu.memref_slice %arg14[%dma_start3A_305] : memref<3x!tpu.dma_semaphore, #tpu.memory_space<semaphore_mem>> -> memref<1x!tpu.dma_semaphore, #tpu.memory_space<semaphore_mem>>
    %dma_start3A_309 = tpu.memref_squeeze %dma_start3A_308 : memref<1x!tpu.dma_semaphore, #tpu.memory_space<semaphore_mem>> -> memref<!tpu.dma_semaphore, #tpu.memory_space<semaphore_mem>>
    %dma_start3A_310 = arith.constant 0 : i32
    %dma_start3A_311 = tpu.memref_slice %arg11[%add3A_157, %dma_start3A_310] : memref<10000x16xf32, #tpu.memory_space<vmem_shared>> -> memref<80x16xf32, #tpu.memory_space<vmem_shared>>
    tpu.enqueue_dma source(%arg9 : memref<80x16xf32, #tpu.memory_space<vmem>>) target(%dma_start3A_311 : memref<80x16xf32, #tpu.memory_space<vmem_shared>>) target_semaphore(%dma_start3A_309 : memref<!tpu.dma_semaphore, #tpu.memory_space<semaphore_mem>>)
    %dma_start3A_312 = arith.constant 0 : i32
    %dma_start3A_313 = arith.constant 0 : i32
    %dma_start3A_314 = tpu.memref_slice %arg11[%add3A_159, %dma_start3A_313] : memref<10000x16xf32, #tpu.memory_space<vmem_shared>> -> memref<80x16xf32, #tpu.memory_space<vmem_shared>>
    %dma_start3A_315 = tpu.memref_slice %arg14[%dma_start3A_312] : memref<3x!tpu.dma_semaphore, #tpu.memory_space<semaphore_mem>> -> memref<1x!tpu.dma_semaphore, #tpu.memory_space<semaphore_mem>>
    %dma_start3A_316 = tpu.memref_squeeze %dma_start3A_315 : memref<1x!tpu.dma_semaphore, #tpu.memory_space<semaphore_mem>> -> memref<!tpu.dma_semaphore, #tpu.memory_space<semaphore_mem>>
    %dma_start3A_317 = arith.constant 0 : i32
    %dma_start3A_318 = tpu.memref_slice %arg11[%add3A_159, %dma_start3A_317] : memref<10000x16xf32, #tpu.memory_space<vmem_shared>> -> memref<80x16xf32, #tpu.memory_space<vmem_shared>>
    tpu.enqueue_dma source(%arg9 : memref<80x16xf32, #tpu.memory_space<vmem>>) target(%dma_start3A_318 : memref<80x16xf32, #tpu.memory_space<vmem_shared>>) target_semaphore(%dma_start3A_316 : memref<!tpu.dma_semaphore, #tpu.memory_space<semaphore_mem>>)
    %dma_start3A_319 = arith.constant 0 : i32
    %dma_start3A_320 = arith.constant 0 : i32
    %dma_start3A_321 = tpu.memref_slice %arg11[%add3A_161, %dma_start3A_320] : memref<10000x16xf32, #tpu.memory_space<vmem_shared>> -> memref<80x16xf32, #tpu.memory_space<vmem_shared>>
    %dma_start3A_322 = tpu.memref_slice %arg14[%dma_start3A_319] : memref<3x!tpu.dma_semaphore, #tpu.memory_space<semaphore_mem>> -> memref<1x!tpu.dma_semaphore, #tpu.memory_space<semaphore_mem>>
    %dma_start3A_323 = tpu.memref_squeeze %dma_start3A_322 : memref<1x!tpu.dma_semaphore, #tpu.memory_space<semaphore_mem>> -> memref<!tpu.dma_semaphore, #tpu.memory_space<semaphore_mem>>
    %dma_start3A_324 = arith.constant 0 : i32
    %dma_start3A_325 = tpu.memref_slice %arg11[%add3A_161, %dma_start3A_324] : memref<10000x16xf32, #tpu.memory_space<vmem_shared>> -> memref<80x16xf32, #tpu.memory_space<vmem_shared>>
    tpu.enqueue_dma source(%arg9 : memref<80x16xf32, #tpu.memory_space<vmem>>) target(%dma_start3A_325 : memref<80x16xf32, #tpu.memory_space<vmem_shared>>) target_semaphore(%dma_start3A_323 : memref<!tpu.dma_semaphore, #tpu.memory_space<semaphore_mem>>)
    %dma_start3A_326 = arith.constant 0 : i32
    %dma_start3A_327 = arith.constant 0 : i32
    %dma_start3A_328 = tpu.memref_slice %arg11[%add3A_163, %dma_start3A_327] : memref<10000x16xf32, #tpu.memory_space<vmem_shared>> -> memref<80x16xf32, #tpu.memory_space<vmem_shared>>
    %dma_start3A_329 = tpu.memref_slice %arg14[%dma_start3A_326] : memref<3x!tpu.dma_semaphore, #tpu.memory_space<semaphore_mem>> -> memref<1x!tpu.dma_semaphore, #tpu.memory_space<semaphore_mem>>
    %dma_start3A_330 = tpu.memref_squeeze %dma_start3A_329 : memref<1x!tpu.dma_semaphore, #tpu.memory_space<semaphore_mem>> -> memref<!tpu.dma_semaphore, #tpu.memory_space<semaphore_mem>>
    %dma_start3A_331 = arith.constant 0 : i32
    %dma_start3A_332 = tpu.memref_slice %arg11[%add3A_163, %dma_start3A_331] : memref<10000x16xf32, #tpu.memory_space<vmem_shared>> -> memref<80x16xf32, #tpu.memory_space<vmem_shared>>
    tpu.enqueue_dma source(%arg9 : memref<80x16xf32, #tpu.memory_space<vmem>>) target(%dma_start3A_332 : memref<80x16xf32, #tpu.memory_space<vmem_shared>>) target_semaphore(%dma_start3A_330 : memref<!tpu.dma_semaphore, #tpu.memory_space<semaphore_mem>>)
    %dma_start3A_333 = arith.constant 0 : i32
    %dma_start3A_334 = arith.constant 0 : i32
    %dma_start3A_335 = tpu.memref_slice %arg11[%add3A_165, %dma_start3A_334] : memref<10000x16xf32, #tpu.memory_space<vmem_shared>> -> memref<80x16xf32, #tpu.memory_space<vmem_shared>>
    %dma_start3A_336 = tpu.memref_slice %arg14[%dma_start3A_333] : memref<3x!tpu.dma_semaphore, #tpu.memory_space<semaphore_mem>> -> memref<1x!tpu.dma_semaphore, #tpu.memory_space<semaphore_mem>>
    %dma_start3A_337 = tpu.memref_squeeze %dma_start3A_336 : memref<1x!tpu.dma_semaphore, #tpu.memory_space<semaphore_mem>> -> memref<!tpu.dma_semaphore, #tpu.memory_space<semaphore_mem>>
    %dma_start3A_338 = arith.constant 0 : i32
    %dma_start3A_339 = tpu.memref_slice %arg11[%add3A_165, %dma_start3A_338] : memref<10000x16xf32, #tpu.memory_space<vmem_shared>> -> memref<80x16xf32, #tpu.memory_space<vmem_shared>>
    tpu.enqueue_dma source(%arg9 : memref<80x16xf32, #tpu.memory_space<vmem>>) target(%dma_start3A_339 : memref<80x16xf32, #tpu.memory_space<vmem_shared>>) target_semaphore(%dma_start3A_337 : memref<!tpu.dma_semaphore, #tpu.memory_space<semaphore_mem>>)
    %dma_start3A_340 = arith.constant 0 : i32
    %dma_start3A_341 = arith.constant 0 : i32
    %dma_start3A_342 = tpu.memref_slice %arg11[%add3A_167, %dma_start3A_341] : memref<10000x16xf32, #tpu.memory_space<vmem_shared>> -> memref<80x16xf32, #tpu.memory_space<vmem_shared>>
    %dma_start3A_343 = tpu.memref_slice %arg14[%dma_start3A_340] : memref<3x!tpu.dma_semaphore, #tpu.memory_space<semaphore_mem>> -> memref<1x!tpu.dma_semaphore, #tpu.memory_space<semaphore_mem>>
    %dma_start3A_344 = tpu.memref_squeeze %dma_start3A_343 : memref<1x!tpu.dma_semaphore, #tpu.memory_space<semaphore_mem>> -> memref<!tpu.dma_semaphore, #tpu.memory_space<semaphore_mem>>
    %dma_start3A_345 = arith.constant 0 : i32
    %dma_start3A_346 = tpu.memref_slice %arg11[%add3A_167, %dma_start3A_345] : memref<10000x16xf32, #tpu.memory_space<vmem_shared>> -> memref<80x16xf32, #tpu.memory_space<vmem_shared>>
    tpu.enqueue_dma source(%arg9 : memref<80x16xf32, #tpu.memory_space<vmem>>) target(%dma_start3A_346 : memref<80x16xf32, #tpu.memory_space<vmem_shared>>) target_semaphore(%dma_start3A_344 : memref<!tpu.dma_semaphore, #tpu.memory_space<semaphore_mem>>)
    %dma_start3A_347 = arith.constant 0 : i32
    %dma_start3A_348 = arith.constant 0 : i32
    %dma_start3A_349 = arith.constant 0 : i32
    %dma_start3A_350 = tpu.memref_slice %arg9[%dma_start3A_348, %dma_start3A_349] : memref<80x16xf32, #tpu.memory_space<vmem>> -> memref<64x16xf32, #tpu.memory_space<vmem>>
    %dma_start3A_351 = arith.constant 0 : i32
    %dma_start3A_352 = tpu.memref_slice %arg11[%add3A_169, %dma_start3A_351] : memref<10000x16xf32, #tpu.memory_space<vmem_shared>> -> memref<64x16xf32, #tpu.memory_space<vmem_shared>>
    %dma_start3A_353 = tpu.memref_slice %arg14[%dma_start3A_347] : memref<3x!tpu.dma_semaphore, #tpu.memory_space<semaphore_mem>> -> memref<1x!tpu.dma_semaphore, #tpu.memory_space<semaphore_mem>>
    %dma_start3A_354 = tpu.memref_squeeze %dma_start3A_353 : memref<1x!tpu.dma_semaphore, #tpu.memory_space<semaphore_mem>> -> memref<!tpu.dma_semaphore, #tpu.memory_space<semaphore_mem>>
    %dma_start3A_355 = arith.constant 0 : i32
    %dma_start3A_356 = tpu.memref_slice %arg11[%add3A_169, %dma_start3A_355] : memref<10000x16xf32, #tpu.memory_space<vmem_shared>> -> memref<64x16xf32, #tpu.memory_space<vmem_shared>>
    %dma_start3A_357 = arith.constant 0 : i32
    %dma_start3A_358 = arith.constant 0 : i32
    %dma_start3A_359 = tpu.memref_slice %arg9[%dma_start3A_357, %dma_start3A_358] : memref<80x16xf32, #tpu.memory_space<vmem>> -> memref<64x16xf32, #tpu.memory_space<vmem>>
    tpu.enqueue_dma source(%dma_start3A_359 : memref<64x16xf32, #tpu.memory_space<vmem>>) target(%dma_start3A_356 : memref<64x16xf32, #tpu.memory_space<vmem_shared>>) target_semaphore(%dma_start3A_354 : memref<!tpu.dma_semaphore, #tpu.memory_space<semaphore_mem>>)
    %eq3A = arith.constant 15 : i32
    %eq3A_360 = arith.cmpi eq, %arg1, %eq3A : i32
    %convert_element_type3A = arith.extui %eq3A_360 : i1 to i32
    %cond3A = arith.constant 0 : i32
    %cond3A_361 = arith.cmpi ne, %convert_element_type3A, %cond3A : i32
    scf.if %cond3A_361 {
      %run_scoped3A = arith.constant 2 : i32
      "tpu.region"() ({
        %run_scoped3A_785 = tpu.sem_alloc : memref<!tpu.dma_semaphore, #tpu.memory_space<semaphore_mem>>
        %dma_start3A_786 = arith.constant 0 : i32
        %dma_start3A_787 = arith.constant 0 : i32
        %dma_start3A_788 = tpu.memref_slice %arg6[%run_scoped3A, %dma_start3A_786, %dma_start3A_787] : memref<3x80x128xf32, #tpu.memory_space<vmem>> -> memref<1x16x128xf32, #tpu.memory_space<vmem>>
        %dma_start3A_789 = tpu.memref_squeeze %dma_start3A_788 : memref<1x16x128xf32, #tpu.memory_space<vmem>> -> memref<16x128xf32, #tpu.memory_space<vmem>>
        %dma_start3A_790 = arith.constant 9984 : i32
        %dma_start3A_791 = arith.constant 0 : i32
        %dma_start3A_792 = tpu.memref_slice %arg10[%dma_start3A_790, %dma_start3A_791] : memref<10000x128xf32, #tpu.memory_space<vmem_shared>> -> memref<16x128xf32, #tpu.memory_space<vmem_shared>>
        %dma_start3A_793 = arith.constant 9984 : i32
        %dma_start3A_794 = arith.constant 0 : i32
        %dma_start3A_795 = tpu.memref_slice %arg10[%dma_start3A_793, %dma_start3A_794] : memref<10000x128xf32, #tpu.memory_space<vmem_shared>> -> memref<16x128xf32, #tpu.memory_space<vmem_shared>>
        %dma_start3A_796 = arith.constant 0 : i32
        %dma_start3A_797 = arith.constant 0 : i32
        %dma_start3A_798 = tpu.memref_slice %arg6[%run_scoped3A, %dma_start3A_796, %dma_start3A_797] : memref<3x80x128xf32, #tpu.memory_space<vmem>> -> memref<1x16x128xf32, #tpu.memory_space<vmem>>
        %dma_start3A_799 = tpu.memref_squeeze %dma_start3A_798 : memref<1x16x128xf32, #tpu.memory_space<vmem>> -> memref<16x128xf32, #tpu.memory_space<vmem>>
        tpu.enqueue_dma source(%dma_start3A_799 : memref<16x128xf32, #tpu.memory_space<vmem>>) target(%dma_start3A_795 : memref<16x128xf32, #tpu.memory_space<vmem_shared>>) target_semaphore(%run_scoped3A_785 : memref<!tpu.dma_semaphore, #tpu.memory_space<semaphore_mem>>)
        %dma_wait3A_800 = arith.constant 0 : i32
        %dma_wait3A_801 = arith.constant 0 : i32
        %dma_wait3A_802 = tpu.memref_slice %arg6[%run_scoped3A, %dma_wait3A_800, %dma_wait3A_801] : memref<3x80x128xf32, #tpu.memory_space<vmem>> -> memref<1x16x128xf32, #tpu.memory_space<vmem>>
        %dma_wait3A_803 = tpu.memref_squeeze %dma_wait3A_802 : memref<1x16x128xf32, #tpu.memory_space<vmem>> -> memref<16x128xf32, #tpu.memory_space<vmem>>
        %dma_wait3A_804 = arith.constant 9984 : i32
        %dma_wait3A_805 = arith.constant 0 : i32
        %dma_wait3A_806 = tpu.memref_slice %arg10[%dma_wait3A_804, %dma_wait3A_805] : memref<10000x128xf32, #tpu.memory_space<vmem_shared>> -> memref<16x128xf32, #tpu.memory_space<vmem_shared>>
        %dma_wait3A_807 = arith.constant 9984 : i32
        %dma_wait3A_808 = arith.constant 0 : i32
        %dma_wait3A_809 = tpu.memref_slice %arg10[%dma_wait3A_807, %dma_wait3A_808] : memref<10000x128xf32, #tpu.memory_space<vmem_shared>> -> memref<16x128xf32, #tpu.memory_space<vmem_shared>>
        %dma_wait3A_810 = arith.constant 0 : i32
        %dma_wait3A_811 = arith.constant 0 : i32
        %dma_wait3A_812 = tpu.memref_slice %arg6[%run_scoped3A, %dma_wait3A_810, %dma_wait3A_811] : memref<3x80x128xf32, #tpu.memory_space<vmem>> -> memref<1x16x128xf32, #tpu.memory_space<vmem>>
        %dma_wait3A_813 = tpu.memref_squeeze %dma_wait3A_812 : memref<1x16x128xf32, #tpu.memory_space<vmem>> -> memref<16x128xf32, #tpu.memory_space<vmem>>
        tpu.wait_dma2 semaphore(%run_scoped3A_785 : memref<!tpu.dma_semaphore, #tpu.memory_space<semaphore_mem>>) src(%dma_wait3A_813 : memref<16x128xf32, #tpu.memory_space<vmem>>) dst(%dma_wait3A_809 : memref<16x128xf32, #tpu.memory_space<vmem_shared>>)
        tpu.yield
      }) : () -> ()
      "tpu.region"() ({
        %run_scoped3A_785 = tpu.sem_alloc : memref<!tpu.dma_semaphore, #tpu.memory_space<semaphore_mem>>
        %dma_start3A_786 = arith.constant 0 : i32
        %dma_start3A_787 = arith.constant 0 : i32
        %dma_start3A_788 = tpu.memref_slice %arg9[%dma_start3A_786, %dma_start3A_787] : memref<80x16xf32, #tpu.memory_space<vmem>> -> memref<16x16xf32, #tpu.memory_space<vmem>>
        %dma_start3A_789 = arith.constant 9984 : i32
        %dma_start3A_790 = arith.constant 0 : i32
        %dma_start3A_791 = tpu.memref_slice %arg11[%dma_start3A_789, %dma_start3A_790] : memref<10000x16xf32, #tpu.memory_space<vmem_shared>> -> memref<16x16xf32, #tpu.memory_space<vmem_shared>>
        %dma_start3A_792 = arith.constant 9984 : i32
        %dma_start3A_793 = arith.constant 0 : i32
        %dma_start3A_794 = tpu.memref_slice %arg11[%dma_start3A_792, %dma_start3A_793] : memref<10000x16xf32, #tpu.memory_space<vmem_shared>> -> memref<16x16xf32, #tpu.memory_space<vmem_shared>>
        %dma_start3A_795 = arith.constant 0 : i32
        %dma_start3A_796 = arith.constant 0 : i32
        %dma_start3A_797 = tpu.memref_slice %arg9[%dma_start3A_795, %dma_start3A_796] : memref<80x16xf32, #tpu.memory_space<vmem>> -> memref<16x16xf32, #tpu.memory_space<vmem>>
        tpu.enqueue_dma source(%dma_start3A_797 : memref<16x16xf32, #tpu.memory_space<vmem>>) target(%dma_start3A_794 : memref<16x16xf32, #tpu.memory_space<vmem_shared>>) target_semaphore(%run_scoped3A_785 : memref<!tpu.dma_semaphore, #tpu.memory_space<semaphore_mem>>)
        %dma_wait3A_798 = arith.constant 0 : i32
        %dma_wait3A_799 = arith.constant 0 : i32
        %dma_wait3A_800 = tpu.memref_slice %arg9[%dma_wait3A_798, %dma_wait3A_799] : memref<80x16xf32, #tpu.memory_space<vmem>> -> memref<16x16xf32, #tpu.memory_space<vmem>>
        %dma_wait3A_801 = arith.constant 9984 : i32
        %dma_wait3A_802 = arith.constant 0 : i32
        %dma_wait3A_803 = tpu.memref_slice %arg11[%dma_wait3A_801, %dma_wait3A_802] : memref<10000x16xf32, #tpu.memory_space<vmem_shared>> -> memref<16x16xf32, #tpu.memory_space<vmem_shared>>
        %dma_wait3A_804 = arith.constant 9984 : i32
        %dma_wait3A_805 = arith.constant 0 : i32
        %dma_wait3A_806 = tpu.memref_slice %arg11[%dma_wait3A_804, %dma_wait3A_805] : memref<10000x16xf32, #tpu.memory_space<vmem_shared>> -> memref<16x16xf32, #tpu.memory_space<vmem_shared>>
        %dma_wait3A_807 = arith.constant 0 : i32
        %dma_wait3A_808 = arith.constant 0 : i32
        %dma_wait3A_809 = tpu.memref_slice %arg9[%dma_wait3A_807, %dma_wait3A_808] : memref<80x16xf32, #tpu.memory_space<vmem>> -> memref<16x16xf32, #tpu.memory_space<vmem>>
        tpu.wait_dma2 semaphore(%run_scoped3A_785 : memref<!tpu.dma_semaphore, #tpu.memory_space<semaphore_mem>>) src(%dma_wait3A_809 : memref<16x16xf32, #tpu.memory_space<vmem>>) dst(%dma_wait3A_806 : memref<16x16xf32, #tpu.memory_space<vmem_shared>>)
        tpu.yield
      }) : () -> ()
    } else {
    }
    %dma_wait3A = arith.constant 2 : i32
    %dma_wait3A_362 = arith.constant 0 : i32
    %dma_wait3A_363 = arith.constant 0 : i32
    %dma_wait3A_364 = arith.constant 0 : i32
    %dma_wait3A_365 = tpu.memref_slice %arg6[%dma_wait3A, %dma_wait3A_363, %dma_wait3A_364] : memref<3x80x128xf32, #tpu.memory_space<vmem>> -> memref<1x80x128xf32, #tpu.memory_space<vmem>>
    %dma_wait3A_366 = tpu.memref_squeeze %dma_wait3A_365 : memref<1x80x128xf32, #tpu.memory_space<vmem>> -> memref<80x128xf32, #tpu.memory_space<vmem>>
    %dma_wait3A_367 = arith.constant 0 : i32
    %dma_wait3A_368 = tpu.memref_slice %arg10[%add3A_139, %dma_wait3A_367] : memref<10000x128xf32, #tpu.memory_space<vmem_shared>> -> memref<80x128xf32, #tpu.memory_space<vmem_shared>>
    %dma_wait3A_369 = tpu.memref_slice %arg14[%dma_wait3A_362] : memref<3x!tpu.dma_semaphore, #tpu.memory_space<semaphore_mem>> -> memref<1x!tpu.dma_semaphore, #tpu.memory_space<semaphore_mem>>
    %dma_wait3A_370 = tpu.memref_squeeze %dma_wait3A_369 : memref<1x!tpu.dma_semaphore, #tpu.memory_space<semaphore_mem>> -> memref<!tpu.dma_semaphore, #tpu.memory_space<semaphore_mem>>
    %dma_wait3A_371 = arith.constant 0 : i32
    %dma_wait3A_372 = tpu.memref_slice %arg10[%add3A_139, %dma_wait3A_371] : memref<10000x128xf32, #tpu.memory_space<vmem_shared>> -> memref<80x128xf32, #tpu.memory_space<vmem_shared>>
    %dma_wait3A_373 = arith.constant 0 : i32
    %dma_wait3A_374 = arith.constant 0 : i32
    %dma_wait3A_375 = tpu.memref_slice %arg6[%dma_wait3A, %dma_wait3A_373, %dma_wait3A_374] : memref<3x80x128xf32, #tpu.memory_space<vmem>> -> memref<1x80x128xf32, #tpu.memory_space<vmem>>
    %dma_wait3A_376 = tpu.memref_squeeze %dma_wait3A_375 : memref<1x80x128xf32, #tpu.memory_space<vmem>> -> memref<80x128xf32, #tpu.memory_space<vmem>>
    tpu.wait_dma2 semaphore(%dma_wait3A_370 : memref<!tpu.dma_semaphore, #tpu.memory_space<semaphore_mem>>) src(%dma_wait3A_376 : memref<80x128xf32, #tpu.memory_space<vmem>>) dst(%dma_wait3A_372 : memref<80x128xf32, #tpu.memory_space<vmem_shared>>)
    %dma_wait3A_377 = arith.constant 2 : i32
    %dma_wait3A_378 = arith.constant 0 : i32
    %dma_wait3A_379 = arith.constant 0 : i32
    %dma_wait3A_380 = arith.constant 0 : i32
    %dma_wait3A_381 = tpu.memref_slice %arg6[%dma_wait3A_377, %dma_wait3A_379, %dma_wait3A_380] : memref<3x80x128xf32, #tpu.memory_space<vmem>> -> memref<1x80x128xf32, #tpu.memory_space<vmem>>
    %dma_wait3A_382 = tpu.memref_squeeze %dma_wait3A_381 : memref<1x80x128xf32, #tpu.memory_space<vmem>> -> memref<80x128xf32, #tpu.memory_space<vmem>>
    %dma_wait3A_383 = arith.constant 0 : i32
    %dma_wait3A_384 = tpu.memref_slice %arg10[%add3A_141, %dma_wait3A_383] : memref<10000x128xf32, #tpu.memory_space<vmem_shared>> -> memref<80x128xf32, #tpu.memory_space<vmem_shared>>
    %dma_wait3A_385 = tpu.memref_slice %arg14[%dma_wait3A_378] : memref<3x!tpu.dma_semaphore, #tpu.memory_space<semaphore_mem>> -> memref<1x!tpu.dma_semaphore, #tpu.memory_space<semaphore_mem>>
    %dma_wait3A_386 = tpu.memref_squeeze %dma_wait3A_385 : memref<1x!tpu.dma_semaphore, #tpu.memory_space<semaphore_mem>> -> memref<!tpu.dma_semaphore, #tpu.memory_space<semaphore_mem>>
    %dma_wait3A_387 = arith.constant 0 : i32
    %dma_wait3A_388 = tpu.memref_slice %arg10[%add3A_141, %dma_wait3A_387] : memref<10000x128xf32, #tpu.memory_space<vmem_shared>> -> memref<80x128xf32, #tpu.memory_space<vmem_shared>>
    %dma_wait3A_389 = arith.constant 0 : i32
    %dma_wait3A_390 = arith.constant 0 : i32
    %dma_wait3A_391 = tpu.memref_slice %arg6[%dma_wait3A_377, %dma_wait3A_389, %dma_wait3A_390] : memref<3x80x128xf32, #tpu.memory_space<vmem>> -> memref<1x80x128xf32, #tpu.memory_space<vmem>>
    %dma_wait3A_392 = tpu.memref_squeeze %dma_wait3A_391 : memref<1x80x128xf32, #tpu.memory_space<vmem>> -> memref<80x128xf32, #tpu.memory_space<vmem>>
    tpu.wait_dma2 semaphore(%dma_wait3A_386 : memref<!tpu.dma_semaphore, #tpu.memory_space<semaphore_mem>>) src(%dma_wait3A_392 : memref<80x128xf32, #tpu.memory_space<vmem>>) dst(%dma_wait3A_388 : memref<80x128xf32, #tpu.memory_space<vmem_shared>>)
    %dma_wait3A_393 = arith.constant 2 : i32
    %dma_wait3A_394 = arith.constant 0 : i32
    %dma_wait3A_395 = arith.constant 0 : i32
    %dma_wait3A_396 = arith.constant 0 : i32
    %dma_wait3A_397 = tpu.memref_slice %arg6[%dma_wait3A_393, %dma_wait3A_395, %dma_wait3A_396] : memref<3x80x128xf32, #tpu.memory_space<vmem>> -> memref<1x80x128xf32, #tpu.memory_space<vmem>>
    %dma_wait3A_398 = tpu.memref_squeeze %dma_wait3A_397 : memref<1x80x128xf32, #tpu.memory_space<vmem>> -> memref<80x128xf32, #tpu.memory_space<vmem>>
    %dma_wait3A_399 = arith.constant 0 : i32
    %dma_wait3A_400 = tpu.memref_slice %arg10[%add3A_143, %dma_wait3A_399] : memref<10000x128xf32, #tpu.memory_space<vmem_shared>> -> memref<80x128xf32, #tpu.memory_space<vmem_shared>>
    %dma_wait3A_401 = tpu.memref_slice %arg14[%dma_wait3A_394] : memref<3x!tpu.dma_semaphore, #tpu.memory_space<semaphore_mem>> -> memref<1x!tpu.dma_semaphore, #tpu.memory_space<semaphore_mem>>
    %dma_wait3A_402 = tpu.memref_squeeze %dma_wait3A_401 : memref<1x!tpu.dma_semaphore, #tpu.memory_space<semaphore_mem>> -> memref<!tpu.dma_semaphore, #tpu.memory_space<semaphore_mem>>
    %dma_wait3A_403 = arith.constant 0 : i32
    %dma_wait3A_404 = tpu.memref_slice %arg10[%add3A_143, %dma_wait3A_403] : memref<10000x128xf32, #tpu.memory_space<vmem_shared>> -> memref<80x128xf32, #tpu.memory_space<vmem_shared>>
    %dma_wait3A_405 = arith.constant 0 : i32
    %dma_wait3A_406 = arith.constant 0 : i32
    %dma_wait3A_407 = tpu.memref_slice %arg6[%dma_wait3A_393, %dma_wait3A_405, %dma_wait3A_406] : memref<3x80x128xf32, #tpu.memory_space<vmem>> -> memref<1x80x128xf32, #tpu.memory_space<vmem>>
    %dma_wait3A_408 = tpu.memref_squeeze %dma_wait3A_407 : memref<1x80x128xf32, #tpu.memory_space<vmem>> -> memref<80x128xf32, #tpu.memory_space<vmem>>
    tpu.wait_dma2 semaphore(%dma_wait3A_402 : memref<!tpu.dma_semaphore, #tpu.memory_space<semaphore_mem>>) src(%dma_wait3A_408 : memref<80x128xf32, #tpu.memory_space<vmem>>) dst(%dma_wait3A_404 : memref<80x128xf32, #tpu.memory_space<vmem_shared>>)
    %dma_wait3A_409 = arith.constant 2 : i32
    %dma_wait3A_410 = arith.constant 0 : i32
    %dma_wait3A_411 = arith.constant 0 : i32
    %dma_wait3A_412 = arith.constant 0 : i32
    %dma_wait3A_413 = tpu.memref_slice %arg6[%dma_wait3A_409, %dma_wait3A_411, %dma_wait3A_412] : memref<3x80x128xf32, #tpu.memory_space<vmem>> -> memref<1x80x128xf32, #tpu.memory_space<vmem>>
    %dma_wait3A_414 = tpu.memref_squeeze %dma_wait3A_413 : memref<1x80x128xf32, #tpu.memory_space<vmem>> -> memref<80x128xf32, #tpu.memory_space<vmem>>
    %dma_wait3A_415 = arith.constant 0 : i32
    %dma_wait3A_416 = tpu.memref_slice %arg10[%add3A_145, %dma_wait3A_415] : memref<10000x128xf32, #tpu.memory_space<vmem_shared>> -> memref<80x128xf32, #tpu.memory_space<vmem_shared>>
    %dma_wait3A_417 = tpu.memref_slice %arg14[%dma_wait3A_410] : memref<3x!tpu.dma_semaphore, #tpu.memory_space<semaphore_mem>> -> memref<1x!tpu.dma_semaphore, #tpu.memory_space<semaphore_mem>>
    %dma_wait3A_418 = tpu.memref_squeeze %dma_wait3A_417 : memref<1x!tpu.dma_semaphore, #tpu.memory_space<semaphore_mem>> -> memref<!tpu.dma_semaphore, #tpu.memory_space<semaphore_mem>>
    %dma_wait3A_419 = arith.constant 0 : i32
    %dma_wait3A_420 = tpu.memref_slice %arg10[%add3A_145, %dma_wait3A_419] : memref<10000x128xf32, #tpu.memory_space<vmem_shared>> -> memref<80x128xf32, #tpu.memory_space<vmem_shared>>
    %dma_wait3A_421 = arith.constant 0 : i32
    %dma_wait3A_422 = arith.constant 0 : i32
    %dma_wait3A_423 = tpu.memref_slice %arg6[%dma_wait3A_409, %dma_wait3A_421, %dma_wait3A_422] : memref<3x80x128xf32, #tpu.memory_space<vmem>> -> memref<1x80x128xf32, #tpu.memory_space<vmem>>
    %dma_wait3A_424 = tpu.memref_squeeze %dma_wait3A_423 : memref<1x80x128xf32, #tpu.memory_space<vmem>> -> memref<80x128xf32, #tpu.memory_space<vmem>>
    tpu.wait_dma2 semaphore(%dma_wait3A_418 : memref<!tpu.dma_semaphore, #tpu.memory_space<semaphore_mem>>) src(%dma_wait3A_424 : memref<80x128xf32, #tpu.memory_space<vmem>>) dst(%dma_wait3A_420 : memref<80x128xf32, #tpu.memory_space<vmem_shared>>)
    %dma_wait3A_425 = arith.constant 2 : i32
    %dma_wait3A_426 = arith.constant 0 : i32
    %dma_wait3A_427 = arith.constant 0 : i32
    %dma_wait3A_428 = arith.constant 0 : i32
    %dma_wait3A_429 = tpu.memref_slice %arg6[%dma_wait3A_425, %dma_wait3A_427, %dma_wait3A_428] : memref<3x80x128xf32, #tpu.memory_space<vmem>> -> memref<1x80x128xf32, #tpu.memory_space<vmem>>
    %dma_wait3A_430 = tpu.memref_squeeze %dma_wait3A_429 : memref<1x80x128xf32, #tpu.memory_space<vmem>> -> memref<80x128xf32, #tpu.memory_space<vmem>>
    %dma_wait3A_431 = arith.constant 0 : i32
    %dma_wait3A_432 = tpu.memref_slice %arg10[%add3A_147, %dma_wait3A_431] : memref<10000x128xf32, #tpu.memory_space<vmem_shared>> -> memref<80x128xf32, #tpu.memory_space<vmem_shared>>
    %dma_wait3A_433 = tpu.memref_slice %arg14[%dma_wait3A_426] : memref<3x!tpu.dma_semaphore, #tpu.memory_space<semaphore_mem>> -> memref<1x!tpu.dma_semaphore, #tpu.memory_space<semaphore_mem>>
    %dma_wait3A_434 = tpu.memref_squeeze %dma_wait3A_433 : memref<1x!tpu.dma_semaphore, #tpu.memory_space<semaphore_mem>> -> memref<!tpu.dma_semaphore, #tpu.memory_space<semaphore_mem>>
    %dma_wait3A_435 = arith.constant 0 : i32
    %dma_wait3A_436 = tpu.memref_slice %arg10[%add3A_147, %dma_wait3A_435] : memref<10000x128xf32, #tpu.memory_space<vmem_shared>> -> memref<80x128xf32, #tpu.memory_space<vmem_shared>>
    %dma_wait3A_437 = arith.constant 0 : i32
    %dma_wait3A_438 = arith.constant 0 : i32
    %dma_wait3A_439 = tpu.memref_slice %arg6[%dma_wait3A_425, %dma_wait3A_437, %dma_wait3A_438] : memref<3x80x128xf32, #tpu.memory_space<vmem>> -> memref<1x80x128xf32, #tpu.memory_space<vmem>>
    %dma_wait3A_440 = tpu.memref_squeeze %dma_wait3A_439 : memref<1x80x128xf32, #tpu.memory_space<vmem>> -> memref<80x128xf32, #tpu.memory_space<vmem>>
    tpu.wait_dma2 semaphore(%dma_wait3A_434 : memref<!tpu.dma_semaphore, #tpu.memory_space<semaphore_mem>>) src(%dma_wait3A_440 : memref<80x128xf32, #tpu.memory_space<vmem>>) dst(%dma_wait3A_436 : memref<80x128xf32, #tpu.memory_space<vmem_shared>>)
    %dma_wait3A_441 = arith.constant 2 : i32
    %dma_wait3A_442 = arith.constant 0 : i32
    %dma_wait3A_443 = arith.constant 0 : i32
    %dma_wait3A_444 = arith.constant 0 : i32
    %dma_wait3A_445 = tpu.memref_slice %arg6[%dma_wait3A_441, %dma_wait3A_443, %dma_wait3A_444] : memref<3x80x128xf32, #tpu.memory_space<vmem>> -> memref<1x80x128xf32, #tpu.memory_space<vmem>>
    %dma_wait3A_446 = tpu.memref_squeeze %dma_wait3A_445 : memref<1x80x128xf32, #tpu.memory_space<vmem>> -> memref<80x128xf32, #tpu.memory_space<vmem>>
    %dma_wait3A_447 = arith.constant 0 : i32
    %dma_wait3A_448 = tpu.memref_slice %arg10[%add3A_149, %dma_wait3A_447] : memref<10000x128xf32, #tpu.memory_space<vmem_shared>> -> memref<80x128xf32, #tpu.memory_space<vmem_shared>>
    %dma_wait3A_449 = tpu.memref_slice %arg14[%dma_wait3A_442] : memref<3x!tpu.dma_semaphore, #tpu.memory_space<semaphore_mem>> -> memref<1x!tpu.dma_semaphore, #tpu.memory_space<semaphore_mem>>
    %dma_wait3A_450 = tpu.memref_squeeze %dma_wait3A_449 : memref<1x!tpu.dma_semaphore, #tpu.memory_space<semaphore_mem>> -> memref<!tpu.dma_semaphore, #tpu.memory_space<semaphore_mem>>
    %dma_wait3A_451 = arith.constant 0 : i32
    %dma_wait3A_452 = tpu.memref_slice %arg10[%add3A_149, %dma_wait3A_451] : memref<10000x128xf32, #tpu.memory_space<vmem_shared>> -> memref<80x128xf32, #tpu.memory_space<vmem_shared>>
    %dma_wait3A_453 = arith.constant 0 : i32
    %dma_wait3A_454 = arith.constant 0 : i32
    %dma_wait3A_455 = tpu.memref_slice %arg6[%dma_wait3A_441, %dma_wait3A_453, %dma_wait3A_454] : memref<3x80x128xf32, #tpu.memory_space<vmem>> -> memref<1x80x128xf32, #tpu.memory_space<vmem>>
    %dma_wait3A_456 = tpu.memref_squeeze %dma_wait3A_455 : memref<1x80x128xf32, #tpu.memory_space<vmem>> -> memref<80x128xf32, #tpu.memory_space<vmem>>
    tpu.wait_dma2 semaphore(%dma_wait3A_450 : memref<!tpu.dma_semaphore, #tpu.memory_space<semaphore_mem>>) src(%dma_wait3A_456 : memref<80x128xf32, #tpu.memory_space<vmem>>) dst(%dma_wait3A_452 : memref<80x128xf32, #tpu.memory_space<vmem_shared>>)
    %dma_wait3A_457 = arith.constant 2 : i32
    %dma_wait3A_458 = arith.constant 0 : i32
    %dma_wait3A_459 = arith.constant 0 : i32
    %dma_wait3A_460 = arith.constant 0 : i32
    %dma_wait3A_461 = tpu.memref_slice %arg6[%dma_wait3A_457, %dma_wait3A_459, %dma_wait3A_460] : memref<3x80x128xf32, #tpu.memory_space<vmem>> -> memref<1x80x128xf32, #tpu.memory_space<vmem>>
    %dma_wait3A_462 = tpu.memref_squeeze %dma_wait3A_461 : memref<1x80x128xf32, #tpu.memory_space<vmem>> -> memref<80x128xf32, #tpu.memory_space<vmem>>
    %dma_wait3A_463 = arith.constant 0 : i32
    %dma_wait3A_464 = tpu.memref_slice %arg10[%add3A_151, %dma_wait3A_463] : memref<10000x128xf32, #tpu.memory_space<vmem_shared>> -> memref<80x128xf32, #tpu.memory_space<vmem_shared>>
    %dma_wait3A_465 = tpu.memref_slice %arg14[%dma_wait3A_458] : memref<3x!tpu.dma_semaphore, #tpu.memory_space<semaphore_mem>> -> memref<1x!tpu.dma_semaphore, #tpu.memory_space<semaphore_mem>>
    %dma_wait3A_466 = tpu.memref_squeeze %dma_wait3A_465 : memref<1x!tpu.dma_semaphore, #tpu.memory_space<semaphore_mem>> -> memref<!tpu.dma_semaphore, #tpu.memory_space<semaphore_mem>>
    %dma_wait3A_467 = arith.constant 0 : i32
    %dma_wait3A_468 = tpu.memref_slice %arg10[%add3A_151, %dma_wait3A_467] : memref<10000x128xf32, #tpu.memory_space<vmem_shared>> -> memref<80x128xf32, #tpu.memory_space<vmem_shared>>
    %dma_wait3A_469 = arith.constant 0 : i32
    %dma_wait3A_470 = arith.constant 0 : i32
    %dma_wait3A_471 = tpu.memref_slice %arg6[%dma_wait3A_457, %dma_wait3A_469, %dma_wait3A_470] : memref<3x80x128xf32, #tpu.memory_space<vmem>> -> memref<1x80x128xf32, #tpu.memory_space<vmem>>
    %dma_wait3A_472 = tpu.memref_squeeze %dma_wait3A_471 : memref<1x80x128xf32, #tpu.memory_space<vmem>> -> memref<80x128xf32, #tpu.memory_space<vmem>>
    tpu.wait_dma2 semaphore(%dma_wait3A_466 : memref<!tpu.dma_semaphore, #tpu.memory_space<semaphore_mem>>) src(%dma_wait3A_472 : memref<80x128xf32, #tpu.memory_space<vmem>>) dst(%dma_wait3A_468 : memref<80x128xf32, #tpu.memory_space<vmem_shared>>)
    %dma_wait3A_473 = arith.constant 2 : i32
    %dma_wait3A_474 = arith.constant 0 : i32
    %dma_wait3A_475 = arith.constant 0 : i32
    %dma_wait3A_476 = arith.constant 0 : i32
    %dma_wait3A_477 = tpu.memref_slice %arg6[%dma_wait3A_473, %dma_wait3A_475, %dma_wait3A_476] : memref<3x80x128xf32, #tpu.memory_space<vmem>> -> memref<1x64x128xf32, #tpu.memory_space<vmem>>
    %dma_wait3A_478 = tpu.memref_squeeze %dma_wait3A_477 : memref<1x64x128xf32, #tpu.memory_space<vmem>> -> memref<64x128xf32, #tpu.memory_space<vmem>>
    %dma_wait3A_479 = arith.constant 0 : i32
    %dma_wait3A_480 = tpu.memref_slice %arg10[%add3A_153, %dma_wait3A_479] : memref<10000x128xf32, #tpu.memory_space<vmem_shared>> -> memref<64x128xf32, #tpu.memory_space<vmem_shared>>
    %dma_wait3A_481 = tpu.memref_slice %arg14[%dma_wait3A_474] : memref<3x!tpu.dma_semaphore, #tpu.memory_space<semaphore_mem>> -> memref<1x!tpu.dma_semaphore, #tpu.memory_space<semaphore_mem>>
    %dma_wait3A_482 = tpu.memref_squeeze %dma_wait3A_481 : memref<1x!tpu.dma_semaphore, #tpu.memory_space<semaphore_mem>> -> memref<!tpu.dma_semaphore, #tpu.memory_space<semaphore_mem>>
    %dma_wait3A_483 = arith.constant 0 : i32
    %dma_wait3A_484 = tpu.memref_slice %arg10[%add3A_153, %dma_wait3A_483] : memref<10000x128xf32, #tpu.memory_space<vmem_shared>> -> memref<64x128xf32, #tpu.memory_space<vmem_shared>>
    %dma_wait3A_485 = arith.constant 0 : i32
    %dma_wait3A_486 = arith.constant 0 : i32
    %dma_wait3A_487 = tpu.memref_slice %arg6[%dma_wait3A_473, %dma_wait3A_485, %dma_wait3A_486] : memref<3x80x128xf32, #tpu.memory_space<vmem>> -> memref<1x64x128xf32, #tpu.memory_space<vmem>>
    %dma_wait3A_488 = tpu.memref_squeeze %dma_wait3A_487 : memref<1x64x128xf32, #tpu.memory_space<vmem>> -> memref<64x128xf32, #tpu.memory_space<vmem>>
    tpu.wait_dma2 semaphore(%dma_wait3A_482 : memref<!tpu.dma_semaphore, #tpu.memory_space<semaphore_mem>>) src(%dma_wait3A_488 : memref<64x128xf32, #tpu.memory_space<vmem>>) dst(%dma_wait3A_484 : memref<64x128xf32, #tpu.memory_space<vmem_shared>>)
    %dma_wait3A_489 = arith.constant 0 : i32
    %dma_wait3A_490 = arith.constant 0 : i32
    %dma_wait3A_491 = tpu.memref_slice %arg11[%add3A_155, %dma_wait3A_490] : memref<10000x16xf32, #tpu.memory_space<vmem_shared>> -> memref<80x16xf32, #tpu.memory_space<vmem_shared>>
    %dma_wait3A_492 = tpu.memref_slice %arg14[%dma_wait3A_489] : memref<3x!tpu.dma_semaphore, #tpu.memory_space<semaphore_mem>> -> memref<1x!tpu.dma_semaphore, #tpu.memory_space<semaphore_mem>>
    %dma_wait3A_493 = tpu.memref_squeeze %dma_wait3A_492 : memref<1x!tpu.dma_semaphore, #tpu.memory_space<semaphore_mem>> -> memref<!tpu.dma_semaphore, #tpu.memory_space<semaphore_mem>>
    %dma_wait3A_494 = arith.constant 0 : i32
    %dma_wait3A_495 = tpu.memref_slice %arg11[%add3A_155, %dma_wait3A_494] : memref<10000x16xf32, #tpu.memory_space<vmem_shared>> -> memref<80x16xf32, #tpu.memory_space<vmem_shared>>
    tpu.wait_dma2 semaphore(%dma_wait3A_493 : memref<!tpu.dma_semaphore, #tpu.memory_space<semaphore_mem>>) src(%arg9 : memref<80x16xf32, #tpu.memory_space<vmem>>) dst(%dma_wait3A_495 : memref<80x16xf32, #tpu.memory_space<vmem_shared>>)
    %dma_wait3A_496 = arith.constant 0 : i32
    %dma_wait3A_497 = arith.constant 0 : i32
    %dma_wait3A_498 = tpu.memref_slice %arg11[%add3A_157, %dma_wait3A_497] : memref<10000x16xf32, #tpu.memory_space<vmem_shared>> -> memref<80x16xf32, #tpu.memory_space<vmem_shared>>
    %dma_wait3A_499 = tpu.memref_slice %arg14[%dma_wait3A_496] : memref<3x!tpu.dma_semaphore, #tpu.memory_space<semaphore_mem>> -> memref<1x!tpu.dma_semaphore, #tpu.memory_space<semaphore_mem>>
    %dma_wait3A_500 = tpu.memref_squeeze %dma_wait3A_499 : memref<1x!tpu.dma_semaphore, #tpu.memory_space<semaphore_mem>> -> memref<!tpu.dma_semaphore, #tpu.memory_space<semaphore_mem>>
    %dma_wait3A_501 = arith.constant 0 : i32
    %dma_wait3A_502 = tpu.memref_slice %arg11[%add3A_157, %dma_wait3A_501] : memref<10000x16xf32, #tpu.memory_space<vmem_shared>> -> memref<80x16xf32, #tpu.memory_space<vmem_shared>>
    tpu.wait_dma2 semaphore(%dma_wait3A_500 : memref<!tpu.dma_semaphore, #tpu.memory_space<semaphore_mem>>) src(%arg9 : memref<80x16xf32, #tpu.memory_space<vmem>>) dst(%dma_wait3A_502 : memref<80x16xf32, #tpu.memory_space<vmem_shared>>)
    %dma_wait3A_503 = arith.constant 0 : i32
    %dma_wait3A_504 = arith.constant 0 : i32
    %dma_wait3A_505 = tpu.memref_slice %arg11[%add3A_159, %dma_wait3A_504] : memref<10000x16xf32, #tpu.memory_space<vmem_shared>> -> memref<80x16xf32, #tpu.memory_space<vmem_shared>>
    %dma_wait3A_506 = tpu.memref_slice %arg14[%dma_wait3A_503] : memref<3x!tpu.dma_semaphore, #tpu.memory_space<semaphore_mem>> -> memref<1x!tpu.dma_semaphore, #tpu.memory_space<semaphore_mem>>
    %dma_wait3A_507 = tpu.memref_squeeze %dma_wait3A_506 : memref<1x!tpu.dma_semaphore, #tpu.memory_space<semaphore_mem>> -> memref<!tpu.dma_semaphore, #tpu.memory_space<semaphore_mem>>
    %dma_wait3A_508 = arith.constant 0 : i32
    %dma_wait3A_509 = tpu.memref_slice %arg11[%add3A_159, %dma_wait3A_508] : memref<10000x16xf32, #tpu.memory_space<vmem_shared>> -> memref<80x16xf32, #tpu.memory_space<vmem_shared>>
    tpu.wait_dma2 semaphore(%dma_wait3A_507 : memref<!tpu.dma_semaphore, #tpu.memory_space<semaphore_mem>>) src(%arg9 : memref<80x16xf32, #tpu.memory_space<vmem>>) dst(%dma_wait3A_509 : memref<80x16xf32, #tpu.memory_space<vmem_shared>>)
    %dma_wait3A_510 = arith.constant 0 : i32
    %dma_wait3A_511 = arith.constant 0 : i32
    %dma_wait3A_512 = tpu.memref_slice %arg11[%add3A_161, %dma_wait3A_511] : memref<10000x16xf32, #tpu.memory_space<vmem_shared>> -> memref<80x16xf32, #tpu.memory_space<vmem_shared>>
    %dma_wait3A_513 = tpu.memref_slice %arg14[%dma_wait3A_510] : memref<3x!tpu.dma_semaphore, #tpu.memory_space<semaphore_mem>> -> memref<1x!tpu.dma_semaphore, #tpu.memory_space<semaphore_mem>>
    %dma_wait3A_514 = tpu.memref_squeeze %dma_wait3A_513 : memref<1x!tpu.dma_semaphore, #tpu.memory_space<semaphore_mem>> -> memref<!tpu.dma_semaphore, #tpu.memory_space<semaphore_mem>>
    %dma_wait3A_515 = arith.constant 0 : i32
    %dma_wait3A_516 = tpu.memref_slice %arg11[%add3A_161, %dma_wait3A_515] : memref<10000x16xf32, #tpu.memory_space<vmem_shared>> -> memref<80x16xf32, #tpu.memory_space<vmem_shared>>
    tpu.wait_dma2 semaphore(%dma_wait3A_514 : memref<!tpu.dma_semaphore, #tpu.memory_space<semaphore_mem>>) src(%arg9 : memref<80x16xf32, #tpu.memory_space<vmem>>) dst(%dma_wait3A_516 : memref<80x16xf32, #tpu.memory_space<vmem_shared>>)
    %dma_wait3A_517 = arith.constant 0 : i32
    %dma_wait3A_518 = arith.constant 0 : i32
    %dma_wait3A_519 = tpu.memref_slice %arg11[%add3A_163, %dma_wait3A_518] : memref<10000x16xf32, #tpu.memory_space<vmem_shared>> -> memref<80x16xf32, #tpu.memory_space<vmem_shared>>
    %dma_wait3A_520 = tpu.memref_slice %arg14[%dma_wait3A_517] : memref<3x!tpu.dma_semaphore, #tpu.memory_space<semaphore_mem>> -> memref<1x!tpu.dma_semaphore, #tpu.memory_space<semaphore_mem>>
    %dma_wait3A_521 = tpu.memref_squeeze %dma_wait3A_520 : memref<1x!tpu.dma_semaphore, #tpu.memory_space<semaphore_mem>> -> memref<!tpu.dma_semaphore, #tpu.memory_space<semaphore_mem>>
    %dma_wait3A_522 = arith.constant 0 : i32
    %dma_wait3A_523 = tpu.memref_slice %arg11[%add3A_163, %dma_wait3A_522] : memref<10000x16xf32, #tpu.memory_space<vmem_shared>> -> memref<80x16xf32, #tpu.memory_space<vmem_shared>>
    tpu.wait_dma2 semaphore(%dma_wait3A_521 : memref<!tpu.dma_semaphore, #tpu.memory_space<semaphore_mem>>) src(%arg9 : memref<80x16xf32, #tpu.memory_space<vmem>>) dst(%dma_wait3A_523 : memref<80x16xf32, #tpu.memory_space<vmem_shared>>)
    %dma_wait3A_524 = arith.constant 0 : i32
    %dma_wait3A_525 = arith.constant 0 : i32
    %dma_wait3A_526 = tpu.memref_slice %arg11[%add3A_165, %dma_wait3A_525] : memref<10000x16xf32, #tpu.memory_space<vmem_shared>> -> memref<80x16xf32, #tpu.memory_space<vmem_shared>>
    %dma_wait3A_527 = tpu.memref_slice %arg14[%dma_wait3A_524] : memref<3x!tpu.dma_semaphore, #tpu.memory_space<semaphore_mem>> -> memref<1x!tpu.dma_semaphore, #tpu.memory_space<semaphore_mem>>
    %dma_wait3A_528 = tpu.memref_squeeze %dma_wait3A_527 : memref<1x!tpu.dma_semaphore, #tpu.memory_space<semaphore_mem>> -> memref<!tpu.dma_semaphore, #tpu.memory_space<semaphore_mem>>
    %dma_wait3A_529 = arith.constant 0 : i32
    %dma_wait3A_530 = tpu.memref_slice %arg11[%add3A_165, %dma_wait3A_529] : memref<10000x16xf32, #tpu.memory_space<vmem_shared>> -> memref<80x16xf32, #tpu.memory_space<vmem_shared>>
    tpu.wait_dma2 semaphore(%dma_wait3A_528 : memref<!tpu.dma_semaphore, #tpu.memory_space<semaphore_mem>>) src(%arg9 : memref<80x16xf32, #tpu.memory_space<vmem>>) dst(%dma_wait3A_530 : memref<80x16xf32, #tpu.memory_space<vmem_shared>>)
    %dma_wait3A_531 = arith.constant 0 : i32
    %dma_wait3A_532 = arith.constant 0 : i32
    %dma_wait3A_533 = tpu.memref_slice %arg11[%add3A_167, %dma_wait3A_532] : memref<10000x16xf32, #tpu.memory_space<vmem_shared>> -> memref<80x16xf32, #tpu.memory_space<vmem_shared>>
    %dma_wait3A_534 = tpu.memref_slice %arg14[%dma_wait3A_531] : memref<3x!tpu.dma_semaphore, #tpu.memory_space<semaphore_mem>> -> memref<1x!tpu.dma_semaphore, #tpu.memory_space<semaphore_mem>>
    %dma_wait3A_535 = tpu.memref_squeeze %dma_wait3A_534 : memref<1x!tpu.dma_semaphore, #tpu.memory_space<semaphore_mem>> -> memref<!tpu.dma_semaphore, #tpu.memory_space<semaphore_mem>>
    %dma_wait3A_536 = arith.constant 0 : i32
    %dma_wait3A_537 = tpu.memref_slice %arg11[%add3A_167, %dma_wait3A_536] : memref<10000x16xf32, #tpu.memory_space<vmem_shared>> -> memref<80x16xf32, #tpu.memory_space<vmem_shared>>
    tpu.wait_dma2 semaphore(%dma_wait3A_535 : memref<!tpu.dma_semaphore, #tpu.memory_space<semaphore_mem>>) src(%arg9 : memref<80x16xf32, #tpu.memory_space<vmem>>) dst(%dma_wait3A_537 : memref<80x16xf32, #tpu.memory_space<vmem_shared>>)
    %dma_wait3A_538 = arith.constant 0 : i32
    %dma_wait3A_539 = arith.constant 0 : i32
    %dma_wait3A_540 = arith.constant 0 : i32
    %dma_wait3A_541 = tpu.memref_slice %arg9[%dma_wait3A_539, %dma_wait3A_540] : memref<80x16xf32, #tpu.memory_space<vmem>> -> memref<64x16xf32, #tpu.memory_space<vmem>>
    %dma_wait3A_542 = arith.constant 0 : i32
    %dma_wait3A_543 = tpu.memref_slice %arg11[%add3A_169, %dma_wait3A_542] : memref<10000x16xf32, #tpu.memory_space<vmem_shared>> -> memref<64x16xf32, #tpu.memory_space<vmem_shared>>
    %dma_wait3A_544 = tpu.memref_slice %arg14[%dma_wait3A_538] : memref<3x!tpu.dma_semaphore, #tpu.memory_space<semaphore_mem>> -> memref<1x!tpu.dma_semaphore, #tpu.memory_space<semaphore_mem>>
    %dma_wait3A_545 = tpu.memref_squeeze %dma_wait3A_544 : memref<1x!tpu.dma_semaphore, #tpu.memory_space<semaphore_mem>> -> memref<!tpu.dma_semaphore, #tpu.memory_space<semaphore_mem>>
    %dma_wait3A_546 = arith.constant 0 : i32
    %dma_wait3A_547 = tpu.memref_slice %arg11[%add3A_169, %dma_wait3A_546] : memref<10000x16xf32, #tpu.memory_space<vmem_shared>> -> memref<64x16xf32, #tpu.memory_space<vmem_shared>>
    %dma_wait3A_548 = arith.constant 0 : i32
    %dma_wait3A_549 = arith.constant 0 : i32
    %dma_wait3A_550 = tpu.memref_slice %arg9[%dma_wait3A_548, %dma_wait3A_549] : memref<80x16xf32, #tpu.memory_space<vmem>> -> memref<64x16xf32, #tpu.memory_space<vmem>>
    tpu.wait_dma2 semaphore(%dma_wait3A_545 : memref<!tpu.dma_semaphore, #tpu.memory_space<semaphore_mem>>) src(%dma_wait3A_550 : memref<64x16xf32, #tpu.memory_space<vmem>>) dst(%dma_wait3A_547 : memref<64x16xf32, #tpu.memory_space<vmem_shared>>)
    %barrier3A = arith.constant 0 : index
    tpu.barrier barrier_id(%barrier3A)
    %mul3A_551 = arith.constant 10000 : i32
    %mul3A_552 = arith.muli %add3A, %mul3A_551 : i32
    %jit3A_553 = arith.constant 80 : i32
    %div3A_554 = arith.divsi %mul3A_552, %jit3A_553 : i32
    %sign3A_555 = arith.constant 0 : i32
    %sign3A_556 = arith.cmpi sgt, %mul3A_552, %sign3A_555 : i32
    %sign3A_557 = arith.extui %sign3A_556 : i1 to i32
    %sign3A_558 = arith.constant 0 : i32
    %sign3A_559 = arith.cmpi slt, %mul3A_552, %sign3A_558 : i32
    %sign3A_560 = arith.extui %sign3A_559 : i1 to i32
    %sign3A_561 = arith.subi %sign3A_557, %sign3A_560 : i32
    %sign3A_562 = arith.constant 0 : i32
    %sign3A_563 = arith.cmpi sgt, %jit3A_553, %sign3A_562 : i32
    %sign3A_564 = arith.extui %sign3A_563 : i1 to i32
    %sign3A_565 = arith.constant 0 : i32
    %sign3A_566 = arith.cmpi slt, %jit3A_553, %sign3A_565 : i32
    %sign3A_567 = arith.extui %sign3A_566 : i1 to i32
    %sign3A_568 = arith.subi %sign3A_564, %sign3A_567 : i32
    %ne3A_569 = arith.cmpi ne, %sign3A_561, %sign3A_568 : i32
    %rem3A_570 = arith.remsi %mul3A_552, %jit3A_553 : i32
    %ne3A_571 = arith.constant 0 : i32
    %ne3A_572 = arith.cmpi ne, %rem3A_570, %ne3A_571 : i32
    %and3A_573 = arith.andi %ne3A_569, %ne3A_572 : i1
    %sub3A_574 = arith.constant 1 : i32
    %sub3A_575 = arith.subi %div3A_554, %sub3A_574 : i32
    %select_n3A_576 = arith.select %and3A_573, %sub3A_575, %div3A_554 : i32
    %scan3A_577 = arith.constant 0 : i32
    %scan3A_578 = arith.constant 0 : i32
    %scan3A_579 = arith.constant 41 : i32
    %scan3A_580 = arith.addi %scan3A_578, %scan3A_579 : i32
    %scan3A_581 = arith.constant 1 : i32
    %scan3A_582 = scf.for %scan3A_785 = %scan3A_578 to %scan3A_580 step %scan3A_581 iter_args(%scan3A_786 = %scan3A_577) -> (i32)  : i32 {
      %mul3A_787 = arith.constant 3 : i32
      %mul3A_788 = arith.muli %mul3A_787, %scan3A_785 : i32
      %dma_wait3A_789 = arith.constant 0 : i32
      %dma_wait3A_790 = arith.constant 0 : i32
      %dma_wait3A_791 = arith.constant 0 : i32
      %dma_wait3A_792 = arith.constant 0 : i32
      %dma_wait3A_793 = tpu.memref_slice %arg6[%dma_wait3A_789, %dma_wait3A_791, %dma_wait3A_792] : memref<3x80x128xf32, #tpu.memory_space<vmem>> -> memref<1x80x128xf32, #tpu.memory_space<vmem>>
      %dma_wait3A_794 = tpu.memref_squeeze %dma_wait3A_793 : memref<1x80x128xf32, #tpu.memory_space<vmem>> -> memref<80x128xf32, #tpu.memory_space<vmem>>
      %dma_wait3A_795 = arith.constant 0 : i32
      %dma_wait3A_796 = arith.constant 0 : i32
      %dma_wait3A_797 = tpu.memref_slice %arg2[%dma_wait3A_795, %dma_wait3A_796] : memref<320000x128xf32, #tpu.memory_space<hbm>> -> memref<80x128xf32, #tpu.memory_space<hbm>>
      %dma_wait3A_798 = tpu.memref_slice %arg12[%dma_wait3A_790] : memref<3x!tpu.dma_semaphore, #tpu.memory_space<semaphore_mem>> -> memref<1x!tpu.dma_semaphore, #tpu.memory_space<semaphore_mem>>
      %dma_wait3A_799 = tpu.memref_squeeze %dma_wait3A_798 : memref<1x!tpu.dma_semaphore, #tpu.memory_space<semaphore_mem>> -> memref<!tpu.dma_semaphore, #tpu.memory_space<semaphore_mem>>
      %dma_wait3A_800 = arith.constant 0 : i32
      %dma_wait3A_801 = arith.constant 0 : i32
      %dma_wait3A_802 = tpu.memref_slice %arg6[%dma_wait3A_789, %dma_wait3A_800, %dma_wait3A_801] : memref<3x80x128xf32, #tpu.memory_space<vmem>> -> memref<1x80x128xf32, #tpu.memory_space<vmem>>
      %dma_wait3A_803 = tpu.memref_squeeze %dma_wait3A_802 : memref<1x80x128xf32, #tpu.memory_space<vmem>> -> memref<80x128xf32, #tpu.memory_space<vmem>>
      %dma_wait3A_804 = arith.constant 0 : i32
      %dma_wait3A_805 = arith.constant 0 : i32
      %dma_wait3A_806 = tpu.memref_slice %arg2[%dma_wait3A_804, %dma_wait3A_805] : memref<320000x128xf32, #tpu.memory_space<hbm>> -> memref<80x128xf32, #tpu.memory_space<hbm>>
      tpu.wait_dma2 semaphore(%dma_wait3A_799 : memref<!tpu.dma_semaphore, #tpu.memory_space<semaphore_mem>>) src(%dma_wait3A_806 : memref<80x128xf32, #tpu.memory_space<hbm>>) dst(%dma_wait3A_803 : memref<80x128xf32, #tpu.memory_space<vmem>>)
      %dma_wait3A_807 = arith.constant 0 : i32
      %dma_wait3A_808 = arith.constant 0 : i32
      %dma_wait3A_809 = arith.constant 0 : i32
      %dma_wait3A_810 = arith.constant 0 : i32
      %dma_wait3A_811 = tpu.memref_slice %arg7[%dma_wait3A_808, %dma_wait3A_810] : memref<3x80xi32, #tpu.memory_space<vmem>> -> memref<1x80xi32, #tpu.memory_space<vmem>>
      %dma_wait3A_812 = tpu.memref_squeeze %dma_wait3A_811 : memref<1x80xi32, #tpu.memory_space<vmem>> -> memref<80xi32, #tpu.memory_space<vmem>>
      %dma_wait3A_813 = arith.constant 0 : i32
      %dma_wait3A_814 = tpu.memref_slice %arg3[%dma_wait3A_807, %dma_wait3A_813] : memref<4000x80xi32, #tpu.memory_space<hbm>> -> memref<1x80xi32, #tpu.memory_space<hbm>>
      %dma_wait3A_815 = tpu.memref_squeeze %dma_wait3A_814 : memref<1x80xi32, #tpu.memory_space<hbm>> -> memref<80xi32, #tpu.memory_space<hbm>>
      %dma_wait3A_816 = tpu.memref_slice %arg13[%dma_wait3A_809] : memref<3x!tpu.dma_semaphore, #tpu.memory_space<semaphore_mem>> -> memref<1x!tpu.dma_semaphore, #tpu.memory_space<semaphore_mem>>
      %dma_wait3A_817 = tpu.memref_squeeze %dma_wait3A_816 : memref<1x!tpu.dma_semaphore, #tpu.memory_space<semaphore_mem>> -> memref<!tpu.dma_semaphore, #tpu.memory_space<semaphore_mem>>
      %dma_wait3A_818 = arith.constant 0 : i32
      %dma_wait3A_819 = tpu.memref_slice %arg7[%dma_wait3A_808, %dma_wait3A_818] : memref<3x80xi32, #tpu.memory_space<vmem>> -> memref<1x80xi32, #tpu.memory_space<vmem>>
      %dma_wait3A_820 = tpu.memref_squeeze %dma_wait3A_819 : memref<1x80xi32, #tpu.memory_space<vmem>> -> memref<80xi32, #tpu.memory_space<vmem>>
      %dma_wait3A_821 = arith.constant 0 : i32
      %dma_wait3A_822 = tpu.memref_slice %arg3[%dma_wait3A_807, %dma_wait3A_821] : memref<4000x80xi32, #tpu.memory_space<hbm>> -> memref<1x80xi32, #tpu.memory_space<hbm>>
      %dma_wait3A_823 = tpu.memref_squeeze %dma_wait3A_822 : memref<1x80xi32, #tpu.memory_space<hbm>> -> memref<80xi32, #tpu.memory_space<hbm>>
      tpu.wait_dma2 semaphore(%dma_wait3A_817 : memref<!tpu.dma_semaphore, #tpu.memory_space<semaphore_mem>>) src(%dma_wait3A_823 : memref<80xi32, #tpu.memory_space<hbm>>) dst(%dma_wait3A_820 : memref<80xi32, #tpu.memory_space<vmem>>)
      %dma_start3A_824 = arith.constant 0 : i32
      %dma_start3A_825 = arith.constant 0 : i32
      %dma_start3A_826 = arith.constant 0 : i32
      %dma_start3A_827 = arith.constant 0 : i32
      %dma_start3A_828 = arith.constant 0 : i32
      %dma_start3A_829 = tpu.memref_slice %arg6[%dma_start3A_824, %dma_start3A_827, %dma_start3A_828] : memref<3x80x128xf32, #tpu.memory_space<vmem>> -> memref<1x80x128xf32, #tpu.memory_space<vmem>>
      %dma_start3A_830 = tpu.memref_squeeze %dma_start3A_829 : memref<1x80x128xf32, #tpu.memory_space<vmem>> -> memref<80x128xf32, #tpu.memory_space<vmem>>
      %dma_start3A_831 = arith.constant 0 : i32
      %dma_start3A_832 = tpu.memref_slice %arg7[%dma_start3A_825, %dma_start3A_831] : memref<3x80xi32, #tpu.memory_space<vmem>> -> memref<1x80xi32, #tpu.memory_space<vmem>>
      %dma_start3A_833 = tpu.memref_squeeze %dma_start3A_832 : memref<1x80xi32, #tpu.memory_space<vmem>> -> memref<80xi32, #tpu.memory_space<vmem>>
      %dma_start3A_834 = arith.constant 0 : i32
      %dma_start3A_835 = arith.constant 0 : i32
      %dma_start3A_836 = tpu.memref_slice %arg10[%dma_start3A_834, %dma_start3A_835] : memref<10000x128xf32, #tpu.memory_space<vmem_shared>> -> memref<10000x128xf32, #tpu.memory_space<vmem_shared>>
      %dma_start3A_837 = tpu.memref_slice %arg14[%dma_start3A_826] : memref<3x!tpu.dma_semaphore, #tpu.memory_space<semaphore_mem>> -> memref<1x!tpu.dma_semaphore, #tpu.memory_space<semaphore_mem>>
      %dma_start3A_838 = tpu.memref_squeeze %dma_start3A_837 : memref<1x!tpu.dma_semaphore, #tpu.memory_space<semaphore_mem>> -> memref<!tpu.dma_semaphore, #tpu.memory_space<semaphore_mem>>
      tpu.enqueue_indirect_dma source(%dma_start3A_830 : memref<80x128xf32, #tpu.memory_space<vmem>>) target(%dma_start3A_836 : memref<10000x128xf32, #tpu.memory_space<vmem_shared>>) offsets(%dma_start3A_833 : memref<80xi32, #tpu.memory_space<vmem>>) semaphore(%dma_start3A_838 : memref<!tpu.dma_semaphore, #tpu.memory_space<semaphore_mem>>) {add = true}
      %dma_start3A_839 = arith.constant 0 : i32
      %dma_start3A_840 = arith.constant 0 : i32
      %dma_start3A_841 = arith.constant 0 : i32
      %dma_start3A_842 = tpu.memref_slice %arg7[%dma_start3A_839, %dma_start3A_841] : memref<3x80xi32, #tpu.memory_space<vmem>> -> memref<1x80xi32, #tpu.memory_space<vmem>>
      %dma_start3A_843 = tpu.memref_squeeze %dma_start3A_842 : memref<1x80xi32, #tpu.memory_space<vmem>> -> memref<80xi32, #tpu.memory_space<vmem>>
      %dma_start3A_844 = arith.constant 0 : i32
      %dma_start3A_845 = arith.constant 0 : i32
      %dma_start3A_846 = tpu.memref_slice %arg11[%dma_start3A_844, %dma_start3A_845] : memref<10000x16xf32, #tpu.memory_space<vmem_shared>> -> memref<10000x16xf32, #tpu.memory_space<vmem_shared>>
      %dma_start3A_847 = tpu.memref_slice %arg15[%dma_start3A_840] : memref<3x!tpu.dma_semaphore, #tpu.memory_space<semaphore_mem>> -> memref<1x!tpu.dma_semaphore, #tpu.memory_space<semaphore_mem>>
      %dma_start3A_848 = tpu.memref_squeeze %dma_start3A_847 : memref<1x!tpu.dma_semaphore, #tpu.memory_space<semaphore_mem>> -> memref<!tpu.dma_semaphore, #tpu.memory_space<semaphore_mem>>
      tpu.enqueue_indirect_dma source(%arg8 : memref<80x16xf32, #tpu.memory_space<vmem>>) target(%dma_start3A_846 : memref<10000x16xf32, #tpu.memory_space<vmem_shared>>) offsets(%dma_start3A_843 : memref<80xi32, #tpu.memory_space<vmem>>) semaphore(%dma_start3A_848 : memref<!tpu.dma_semaphore, #tpu.memory_space<semaphore_mem>>) {add = true}
      %add3A_849 = arith.constant 2 : i32
      %add3A_850 = arith.addi %mul3A_788, %add3A_849 : i32
      %lt3A = arith.constant 125 : i32
      %lt3A_851 = arith.cmpi slt, %add3A_850, %lt3A : i32
      %convert_element_type3A_852 = arith.extui %lt3A_851 : i1 to i32
      %cond3A_853 = arith.constant 0 : i32
      %cond3A_854 = arith.cmpi ne, %convert_element_type3A_852, %cond3A_853 : i32
      scf.if %cond3A_854 {
        %ge3A = arith.constant 1 : i32
        %ge3A_998 = arith.cmpi sge, %mul3A_788, %ge3A : i32
        %convert_element_type3A_999 = arith.extui %ge3A_998 : i1 to i32
        %cond3A_1000 = arith.constant 0 : i32
        %cond3A_1001 = arith.cmpi ne, %convert_element_type3A_999, %cond3A_1000 : i32
        scf.if %cond3A_1001 {
          %dma_wait3A_1040 = arith.constant 2 : i32
          %dma_wait3A_1041 = arith.constant 2 : i32
          %dma_wait3A_1042 = arith.constant 2 : i32
          %dma_wait3A_1043 = arith.constant 0 : i32
          %dma_wait3A_1044 = arith.constant 0 : i32
          %dma_wait3A_1045 = tpu.memref_slice %arg6[%dma_wait3A_1040, %dma_wait3A_1043, %dma_wait3A_1044] : memref<3x80x128xf32, #tpu.memory_space<vmem>> -> memref<1x80x128xf32, #tpu.memory_space<vmem>>
          %dma_wait3A_1046 = tpu.memref_squeeze %dma_wait3A_1045 : memref<1x80x128xf32, #tpu.memory_space<vmem>> -> memref<80x128xf32, #tpu.memory_space<vmem>>
          %dma_wait3A_1047 = arith.constant 0 : i32
          %dma_wait3A_1048 = tpu.memref_slice %arg7[%dma_wait3A_1041, %dma_wait3A_1047] : memref<3x80xi32, #tpu.memory_space<vmem>> -> memref<1x80xi32, #tpu.memory_space<vmem>>
          %dma_wait3A_1049 = tpu.memref_squeeze %dma_wait3A_1048 : memref<1x80xi32, #tpu.memory_space<vmem>> -> memref<80xi32, #tpu.memory_space<vmem>>
          %dma_wait3A_1050 = arith.constant 0 : i32
          %dma_wait3A_1051 = arith.constant 0 : i32
          %dma_wait3A_1052 = tpu.memref_slice %arg10[%dma_wait3A_1050, %dma_wait3A_1051] : memref<10000x128xf32, #tpu.memory_space<vmem_shared>> -> memref<10000x128xf32, #tpu.memory_space<vmem_shared>>
          %dma_wait3A_1053 = tpu.memref_slice %arg14[%dma_wait3A_1042] : memref<3x!tpu.dma_semaphore, #tpu.memory_space<semaphore_mem>> -> memref<1x!tpu.dma_semaphore, #tpu.memory_space<semaphore_mem>>
          %dma_wait3A_1054 = tpu.memref_squeeze %dma_wait3A_1053 : memref<1x!tpu.dma_semaphore, #tpu.memory_space<semaphore_mem>> -> memref<!tpu.dma_semaphore, #tpu.memory_space<semaphore_mem>>
          tpu.wait_indirect_dma semaphore(%dma_wait3A_1054 : memref<!tpu.dma_semaphore, #tpu.memory_space<semaphore_mem>>) src(%dma_wait3A_1046 : memref<80x128xf32, #tpu.memory_space<vmem>>) dst(%dma_wait3A_1052 : memref<10000x128xf32, #tpu.memory_space<vmem_shared>>)
          %dma_wait3A_1055 = arith.constant 2 : i32
          %dma_wait3A_1056 = arith.constant 2 : i32
          %dma_wait3A_1057 = arith.constant 0 : i32
          %dma_wait3A_1058 = tpu.memref_slice %arg7[%dma_wait3A_1055, %dma_wait3A_1057] : memref<3x80xi32, #tpu.memory_space<vmem>> -> memref<1x80xi32, #tpu.memory_space<vmem>>
          %dma_wait3A_1059 = tpu.memref_squeeze %dma_wait3A_1058 : memref<1x80xi32, #tpu.memory_space<vmem>> -> memref<80xi32, #tpu.memory_space<vmem>>
          %dma_wait3A_1060 = arith.constant 0 : i32
          %dma_wait3A_1061 = arith.constant 0 : i32
          %dma_wait3A_1062 = tpu.memref_slice %arg11[%dma_wait3A_1060, %dma_wait3A_1061] : memref<10000x16xf32, #tpu.memory_space<vmem_shared>> -> memref<10000x16xf32, #tpu.memory_space<vmem_shared>>
          %dma_wait3A_1063 = tpu.memref_slice %arg15[%dma_wait3A_1056] : memref<3x!tpu.dma_semaphore, #tpu.memory_space<semaphore_mem>> -> memref<1x!tpu.dma_semaphore, #tpu.memory_space<semaphore_mem>>
          %dma_wait3A_1064 = tpu.memref_squeeze %dma_wait3A_1063 : memref<1x!tpu.dma_semaphore, #tpu.memory_space<semaphore_mem>> -> memref<!tpu.dma_semaphore, #tpu.memory_space<semaphore_mem>>
          tpu.wait_indirect_dma semaphore(%dma_wait3A_1064 : memref<!tpu.dma_semaphore, #tpu.memory_space<semaphore_mem>>) src(%arg8 : memref<80x16xf32, #tpu.memory_space<vmem>>) dst(%dma_wait3A_1062 : memref<10000x16xf32, #tpu.memory_space<vmem_shared>>)
        } else {
        }
        %add3A_1002 = arith.constant 2 : i32
        %add3A_1003 = arith.addi %mul3A_788, %add3A_1002 : i32
        %mul3A_1004 = arith.constant 80 : i32
        %mul3A_1005 = arith.muli %add3A_1003, %mul3A_1004 : i32
        %add3A_1006 = arith.addi %mul3A_552, %mul3A_1005 : i32
        %dma_start3A_1007 = arith.constant 2 : i32
        %dma_start3A_1008 = arith.constant 2 : i32
        %dma_start3A_1009 = arith.constant 0 : i32
        %dma_start3A_1010 = arith.constant 0 : i32
        %dma_start3A_1011 = tpu.memref_slice %arg6[%dma_start3A_1007, %dma_start3A_1009, %dma_start3A_1010] : memref<3x80x128xf32, #tpu.memory_space<vmem>> -> memref<1x80x128xf32, #tpu.memory_space<vmem>>
        %dma_start3A_1012 = tpu.memref_squeeze %dma_start3A_1011 : memref<1x80x128xf32, #tpu.memory_space<vmem>> -> memref<80x128xf32, #tpu.memory_space<vmem>>
        %dma_start3A_1013 = arith.constant 0 : i32
        %dma_start3A_1014 = tpu.memref_slice %arg2[%add3A_1006, %dma_start3A_1013] : memref<320000x128xf32, #tpu.memory_space<hbm>> -> memref<80x128xf32, #tpu.memory_space<hbm>>
        %dma_start3A_1015 = tpu.memref_slice %arg12[%dma_start3A_1008] : memref<3x!tpu.dma_semaphore, #tpu.memory_space<semaphore_mem>> -> memref<1x!tpu.dma_semaphore, #tpu.memory_space<semaphore_mem>>
        %dma_start3A_1016 = tpu.memref_squeeze %dma_start3A_1015 : memref<1x!tpu.dma_semaphore, #tpu.memory_space<semaphore_mem>> -> memref<!tpu.dma_semaphore, #tpu.memory_space<semaphore_mem>>
        %dma_start3A_1017 = arith.constant 0 : i32
        %dma_start3A_1018 = arith.constant 0 : i32
        %dma_start3A_1019 = tpu.memref_slice %arg6[%dma_start3A_1007, %dma_start3A_1017, %dma_start3A_1018] : memref<3x80x128xf32, #tpu.memory_space<vmem>> -> memref<1x80x128xf32, #tpu.memory_space<vmem>>
        %dma_start3A_1020 = tpu.memref_squeeze %dma_start3A_1019 : memref<1x80x128xf32, #tpu.memory_space<vmem>> -> memref<80x128xf32, #tpu.memory_space<vmem>>
        %dma_start3A_1021 = arith.constant 0 : i32
        %dma_start3A_1022 = tpu.memref_slice %arg2[%add3A_1006, %dma_start3A_1021] : memref<320000x128xf32, #tpu.memory_space<hbm>> -> memref<80x128xf32, #tpu.memory_space<hbm>>
        tpu.enqueue_dma source(%dma_start3A_1022 : memref<80x128xf32, #tpu.memory_space<hbm>>) target(%dma_start3A_1020 : memref<80x128xf32, #tpu.memory_space<vmem>>) target_semaphore(%dma_start3A_1016 : memref<!tpu.dma_semaphore, #tpu.memory_space<semaphore_mem>>)
        %add3A_1023 = arith.addi %select_n3A_576, %add3A_1003 : i32
        %dma_start3A_1024 = arith.constant 2 : i32
        %dma_start3A_1025 = arith.constant 2 : i32
        %dma_start3A_1026 = arith.constant 0 : i32
        %dma_start3A_1027 = tpu.memref_slice %arg7[%dma_start3A_1024, %dma_start3A_1026] : memref<3x80xi32, #tpu.memory_space<vmem>> -> memref<1x80xi32, #tpu.memory_space<vmem>>
        %dma_start3A_1028 = tpu.memref_squeeze %dma_start3A_1027 : memref<1x80xi32, #tpu.memory_space<vmem>> -> memref<80xi32, #tpu.memory_space<vmem>>
        %dma_start3A_1029 = arith.constant 0 : i32
        %dma_start3A_1030 = tpu.memref_slice %arg3[%add3A_1023, %dma_start3A_1029] : memref<4000x80xi32, #tpu.memory_space<hbm>> -> memref<1x80xi32, #tpu.memory_space<hbm>>
        %dma_start3A_1031 = tpu.memref_squeeze %dma_start3A_1030 : memref<1x80xi32, #tpu.memory_space<hbm>> -> memref<80xi32, #tpu.memory_space<hbm>>
        %dma_start3A_1032 = tpu.memref_slice %arg13[%dma_start3A_1025] : memref<3x!tpu.dma_semaphore, #tpu.memory_space<semaphore_mem>> -> memref<1x!tpu.dma_semaphore, #tpu.memory_space<semaphore_mem>>
        %dma_start3A_1033 = tpu.memref_squeeze %dma_start3A_1032 : memref<1x!tpu.dma_semaphore, #tpu.memory_space<semaphore_mem>> -> memref<!tpu.dma_semaphore, #tpu.memory_space<semaphore_mem>>
        %dma_start3A_1034 = arith.constant 0 : i32
        %dma_start3A_1035 = tpu.memref_slice %arg7[%dma_start3A_1024, %dma_start3A_1034] : memref<3x80xi32, #tpu.memory_space<vmem>> -> memref<1x80xi32, #tpu.memory_space<vmem>>
        %dma_start3A_1036 = tpu.memref_squeeze %dma_start3A_1035 : memref<1x80xi32, #tpu.memory_space<vmem>> -> memref<80xi32, #tpu.memory_space<vmem>>
        %dma_start3A_1037 = arith.constant 0 : i32
        %dma_start3A_1038 = tpu.memref_slice %arg3[%add3A_1023, %dma_start3A_1037] : memref<4000x80xi32, #tpu.memory_space<hbm>> -> memref<1x80xi32, #tpu.memory_space<hbm>>
        %dma_start3A_1039 = tpu.memref_squeeze %dma_start3A_1038 : memref<1x80xi32, #tpu.memory_space<hbm>> -> memref<80xi32, #tpu.memory_space<hbm>>
        tpu.enqueue_dma source(%dma_start3A_1039 : memref<80xi32, #tpu.memory_space<hbm>>) target(%dma_start3A_1036 : memref<80xi32, #tpu.memory_space<vmem>>) target_semaphore(%dma_start3A_1033 : memref<!tpu.dma_semaphore, #tpu.memory_space<semaphore_mem>>)
      } else {
      }
      %mul3A_855 = arith.constant 3 : i32
      %mul3A_856 = arith.muli %mul3A_855, %scan3A_785 : i32
      %add3A_857 = arith.constant 1 : i32
      %add3A_858 = arith.addi %mul3A_856, %add3A_857 : i32
      %dma_wait3A_859 = arith.constant 1 : i32
      %dma_wait3A_860 = arith.constant 1 : i32
      %dma_wait3A_861 = arith.constant 0 : i32
      %dma_wait3A_862 = arith.constant 0 : i32
      %dma_wait3A_863 = tpu.memref_slice %arg6[%dma_wait3A_859, %dma_wait3A_861, %dma_wait3A_862] : memref<3x80x128xf32, #tpu.memory_space<vmem>> -> memref<1x80x128xf32, #tpu.memory_space<vmem>>
      %dma_wait3A_864 = tpu.memref_squeeze %dma_wait3A_863 : memref<1x80x128xf32, #tpu.memory_space<vmem>> -> memref<80x128xf32, #tpu.memory_space<vmem>>
      %dma_wait3A_865 = arith.constant 0 : i32
      %dma_wait3A_866 = arith.constant 0 : i32
      %dma_wait3A_867 = tpu.memref_slice %arg2[%dma_wait3A_865, %dma_wait3A_866] : memref<320000x128xf32, #tpu.memory_space<hbm>> -> memref<80x128xf32, #tpu.memory_space<hbm>>
      %dma_wait3A_868 = tpu.memref_slice %arg12[%dma_wait3A_860] : memref<3x!tpu.dma_semaphore, #tpu.memory_space<semaphore_mem>> -> memref<1x!tpu.dma_semaphore, #tpu.memory_space<semaphore_mem>>
      %dma_wait3A_869 = tpu.memref_squeeze %dma_wait3A_868 : memref<1x!tpu.dma_semaphore, #tpu.memory_space<semaphore_mem>> -> memref<!tpu.dma_semaphore, #tpu.memory_space<semaphore_mem>>
      %dma_wait3A_870 = arith.constant 0 : i32
      %dma_wait3A_871 = arith.constant 0 : i32
      %dma_wait3A_872 = tpu.memref_slice %arg6[%dma_wait3A_859, %dma_wait3A_870, %dma_wait3A_871] : memref<3x80x128xf32, #tpu.memory_space<vmem>> -> memref<1x80x128xf32, #tpu.memory_space<vmem>>
      %dma_wait3A_873 = tpu.memref_squeeze %dma_wait3A_872 : memref<1x80x128xf32, #tpu.memory_space<vmem>> -> memref<80x128xf32, #tpu.memory_space<vmem>>
      %dma_wait3A_874 = arith.constant 0 : i32
      %dma_wait3A_875 = arith.constant 0 : i32
      %dma_wait3A_876 = tpu.memref_slice %arg2[%dma_wait3A_874, %dma_wait3A_875] : memref<320000x128xf32, #tpu.memory_space<hbm>> -> memref<80x128xf32, #tpu.memory_space<hbm>>
      tpu.wait_dma2 semaphore(%dma_wait3A_869 : memref<!tpu.dma_semaphore, #tpu.memory_space<semaphore_mem>>) src(%dma_wait3A_876 : memref<80x128xf32, #tpu.memory_space<hbm>>) dst(%dma_wait3A_873 : memref<80x128xf32, #tpu.memory_space<vmem>>)
      %dma_wait3A_877 = arith.constant 0 : i32
      %dma_wait3A_878 = arith.constant 1 : i32
      %dma_wait3A_879 = arith.constant 1 : i32
      %dma_wait3A_880 = arith.constant 0 : i32
      %dma_wait3A_881 = tpu.memref_slice %arg7[%dma_wait3A_878, %dma_wait3A_880] : memref<3x80xi32, #tpu.memory_space<vmem>> -> memref<1x80xi32, #tpu.memory_space<vmem>>
      %dma_wait3A_882 = tpu.memref_squeeze %dma_wait3A_881 : memref<1x80xi32, #tpu.memory_space<vmem>> -> memref<80xi32, #tpu.memory_space<vmem>>
      %dma_wait3A_883 = arith.constant 0 : i32
      %dma_wait3A_884 = tpu.memref_slice %arg3[%dma_wait3A_877, %dma_wait3A_883] : memref<4000x80xi32, #tpu.memory_space<hbm>> -> memref<1x80xi32, #tpu.memory_space<hbm>>
      %dma_wait3A_885 = tpu.memref_squeeze %dma_wait3A_884 : memref<1x80xi32, #tpu.memory_space<hbm>> -> memref<80xi32, #tpu.memory_space<hbm>>
      %dma_wait3A_886 = tpu.memref_slice %arg13[%dma_wait3A_879] : memref<3x!tpu.dma_semaphore, #tpu.memory_space<semaphore_mem>> -> memref<1x!tpu.dma_semaphore, #tpu.memory_space<semaphore_mem>>
      %dma_wait3A_887 = tpu.memref_squeeze %dma_wait3A_886 : memref<1x!tpu.dma_semaphore, #tpu.memory_space<semaphore_mem>> -> memref<!tpu.dma_semaphore, #tpu.memory_space<semaphore_mem>>
      %dma_wait3A_888 = arith.constant 0 : i32
      %dma_wait3A_889 = tpu.memref_slice %arg7[%dma_wait3A_878, %dma_wait3A_888] : memref<3x80xi32, #tpu.memory_space<vmem>> -> memref<1x80xi32, #tpu.memory_space<vmem>>
      %dma_wait3A_890 = tpu.memref_squeeze %dma_wait3A_889 : memref<1x80xi32, #tpu.memory_space<vmem>> -> memref<80xi32, #tpu.memory_space<vmem>>
      %dma_wait3A_891 = arith.constant 0 : i32
      %dma_wait3A_892 = tpu.memref_slice %arg3[%dma_wait3A_877, %dma_wait3A_891] : memref<4000x80xi32, #tpu.memory_space<hbm>> -> memref<1x80xi32, #tpu.memory_space<hbm>>
      %dma_wait3A_893 = tpu.memref_squeeze %dma_wait3A_892 : memref<1x80xi32, #tpu.memory_space<hbm>> -> memref<80xi32, #tpu.memory_space<hbm>>
      tpu.wait_dma2 semaphore(%dma_wait3A_887 : memref<!tpu.dma_semaphore, #tpu.memory_space<semaphore_mem>>) src(%dma_wait3A_893 : memref<80xi32, #tpu.memory_space<hbm>>) dst(%dma_wait3A_890 : memref<80xi32, #tpu.memory_space<vmem>>)
      %dma_start3A_894 = arith.constant 1 : i32
      %dma_start3A_895 = arith.constant 1 : i32
      %dma_start3A_896 = arith.constant 1 : i32
      %dma_start3A_897 = arith.constant 0 : i32
      %dma_start3A_898 = arith.constant 0 : i32
      %dma_start3A_899 = tpu.memref_slice %arg6[%dma_start3A_894, %dma_start3A_897, %dma_start3A_898] : memref<3x80x128xf32, #tpu.memory_space<vmem>> -> memref<1x80x128xf32, #tpu.memory_space<vmem>>
      %dma_start3A_900 = tpu.memref_squeeze %dma_start3A_899 : memref<1x80x128xf32, #tpu.memory_space<vmem>> -> memref<80x128xf32, #tpu.memory_space<vmem>>
      %dma_start3A_901 = arith.constant 0 : i32
      %dma_start3A_902 = tpu.memref_slice %arg7[%dma_start3A_895, %dma_start3A_901] : memref<3x80xi32, #tpu.memory_space<vmem>> -> memref<1x80xi32, #tpu.memory_space<vmem>>
      %dma_start3A_903 = tpu.memref_squeeze %dma_start3A_902 : memref<1x80xi32, #tpu.memory_space<vmem>> -> memref<80xi32, #tpu.memory_space<vmem>>
      %dma_start3A_904 = arith.constant 0 : i32
      %dma_start3A_905 = arith.constant 0 : i32
      %dma_start3A_906 = tpu.memref_slice %arg10[%dma_start3A_904, %dma_start3A_905] : memref<10000x128xf32, #tpu.memory_space<vmem_shared>> -> memref<10000x128xf32, #tpu.memory_space<vmem_shared>>
      %dma_start3A_907 = tpu.memref_slice %arg14[%dma_start3A_896] : memref<3x!tpu.dma_semaphore, #tpu.memory_space<semaphore_mem>> -> memref<1x!tpu.dma_semaphore, #tpu.memory_space<semaphore_mem>>
      %dma_start3A_908 = tpu.memref_squeeze %dma_start3A_907 : memref<1x!tpu.dma_semaphore, #tpu.memory_space<semaphore_mem>> -> memref<!tpu.dma_semaphore, #tpu.memory_space<semaphore_mem>>
      tpu.enqueue_indirect_dma source(%dma_start3A_900 : memref<80x128xf32, #tpu.memory_space<vmem>>) target(%dma_start3A_906 : memref<10000x128xf32, #tpu.memory_space<vmem_shared>>) offsets(%dma_start3A_903 : memref<80xi32, #tpu.memory_space<vmem>>) semaphore(%dma_start3A_908 : memref<!tpu.dma_semaphore, #tpu.memory_space<semaphore_mem>>) {add = true}
      %dma_start3A_909 = arith.constant 1 : i32
      %dma_start3A_910 = arith.constant 1 : i32
      %dma_start3A_911 = arith.constant 0 : i32
      %dma_start3A_912 = tpu.memref_slice %arg7[%dma_start3A_909, %dma_start3A_911] : memref<3x80xi32, #tpu.memory_space<vmem>> -> memref<1x80xi32, #tpu.memory_space<vmem>>
      %dma_start3A_913 = tpu.memref_squeeze %dma_start3A_912 : memref<1x80xi32, #tpu.memory_space<vmem>> -> memref<80xi32, #tpu.memory_space<vmem>>
      %dma_start3A_914 = arith.constant 0 : i32
      %dma_start3A_915 = arith.constant 0 : i32
      %dma_start3A_916 = tpu.memref_slice %arg11[%dma_start3A_914, %dma_start3A_915] : memref<10000x16xf32, #tpu.memory_space<vmem_shared>> -> memref<10000x16xf32, #tpu.memory_space<vmem_shared>>
      %dma_start3A_917 = tpu.memref_slice %arg15[%dma_start3A_910] : memref<3x!tpu.dma_semaphore, #tpu.memory_space<semaphore_mem>> -> memref<1x!tpu.dma_semaphore, #tpu.memory_space<semaphore_mem>>
      %dma_start3A_918 = tpu.memref_squeeze %dma_start3A_917 : memref<1x!tpu.dma_semaphore, #tpu.memory_space<semaphore_mem>> -> memref<!tpu.dma_semaphore, #tpu.memory_space<semaphore_mem>>
      tpu.enqueue_indirect_dma source(%arg8 : memref<80x16xf32, #tpu.memory_space<vmem>>) target(%dma_start3A_916 : memref<10000x16xf32, #tpu.memory_space<vmem_shared>>) offsets(%dma_start3A_913 : memref<80xi32, #tpu.memory_space<vmem>>) semaphore(%dma_start3A_918 : memref<!tpu.dma_semaphore, #tpu.memory_space<semaphore_mem>>) {add = true}
      %add3A_919 = arith.constant 2 : i32
      %add3A_920 = arith.addi %add3A_858, %add3A_919 : i32
      %lt3A_921 = arith.constant 125 : i32
      %lt3A_922 = arith.cmpi slt, %add3A_920, %lt3A_921 : i32
      %convert_element_type3A_923 = arith.extui %lt3A_922 : i1 to i32
      %cond3A_924 = arith.constant 0 : i32
      %cond3A_925 = arith.cmpi ne, %convert_element_type3A_923, %cond3A_924 : i32
      scf.if %cond3A_925 {
        %ge3A = arith.constant 1 : i32
        %ge3A_998 = arith.cmpi sge, %add3A_858, %ge3A : i32
        %convert_element_type3A_999 = arith.extui %ge3A_998 : i1 to i32
        %cond3A_1000 = arith.constant 0 : i32
        %cond3A_1001 = arith.cmpi ne, %convert_element_type3A_999, %cond3A_1000 : i32
        scf.if %cond3A_1001 {
          %dma_wait3A_1040 = arith.constant 0 : i32
          %dma_wait3A_1041 = arith.constant 0 : i32
          %dma_wait3A_1042 = arith.constant 0 : i32
          %dma_wait3A_1043 = arith.constant 0 : i32
          %dma_wait3A_1044 = arith.constant 0 : i32
          %dma_wait3A_1045 = tpu.memref_slice %arg6[%dma_wait3A_1040, %dma_wait3A_1043, %dma_wait3A_1044] : memref<3x80x128xf32, #tpu.memory_space<vmem>> -> memref<1x80x128xf32, #tpu.memory_space<vmem>>
          %dma_wait3A_1046 = tpu.memref_squeeze %dma_wait3A_1045 : memref<1x80x128xf32, #tpu.memory_space<vmem>> -> memref<80x128xf32, #tpu.memory_space<vmem>>
          %dma_wait3A_1047 = arith.constant 0 : i32
          %dma_wait3A_1048 = tpu.memref_slice %arg7[%dma_wait3A_1041, %dma_wait3A_1047] : memref<3x80xi32, #tpu.memory_space<vmem>> -> memref<1x80xi32, #tpu.memory_space<vmem>>
          %dma_wait3A_1049 = tpu.memref_squeeze %dma_wait3A_1048 : memref<1x80xi32, #tpu.memory_space<vmem>> -> memref<80xi32, #tpu.memory_space<vmem>>
          %dma_wait3A_1050 = arith.constant 0 : i32
          %dma_wait3A_1051 = arith.constant 0 : i32
          %dma_wait3A_1052 = tpu.memref_slice %arg10[%dma_wait3A_1050, %dma_wait3A_1051] : memref<10000x128xf32, #tpu.memory_space<vmem_shared>> -> memref<10000x128xf32, #tpu.memory_space<vmem_shared>>
          %dma_wait3A_1053 = tpu.memref_slice %arg14[%dma_wait3A_1042] : memref<3x!tpu.dma_semaphore, #tpu.memory_space<semaphore_mem>> -> memref<1x!tpu.dma_semaphore, #tpu.memory_space<semaphore_mem>>
          %dma_wait3A_1054 = tpu.memref_squeeze %dma_wait3A_1053 : memref<1x!tpu.dma_semaphore, #tpu.memory_space<semaphore_mem>> -> memref<!tpu.dma_semaphore, #tpu.memory_space<semaphore_mem>>
          tpu.wait_indirect_dma semaphore(%dma_wait3A_1054 : memref<!tpu.dma_semaphore, #tpu.memory_space<semaphore_mem>>) src(%dma_wait3A_1046 : memref<80x128xf32, #tpu.memory_space<vmem>>) dst(%dma_wait3A_1052 : memref<10000x128xf32, #tpu.memory_space<vmem_shared>>)
          %dma_wait3A_1055 = arith.constant 0 : i32
          %dma_wait3A_1056 = arith.constant 0 : i32
          %dma_wait3A_1057 = arith.constant 0 : i32
          %dma_wait3A_1058 = tpu.memref_slice %arg7[%dma_wait3A_1055, %dma_wait3A_1057] : memref<3x80xi32, #tpu.memory_space<vmem>> -> memref<1x80xi32, #tpu.memory_space<vmem>>
          %dma_wait3A_1059 = tpu.memref_squeeze %dma_wait3A_1058 : memref<1x80xi32, #tpu.memory_space<vmem>> -> memref<80xi32, #tpu.memory_space<vmem>>
          %dma_wait3A_1060 = arith.constant 0 : i32
          %dma_wait3A_1061 = arith.constant 0 : i32
          %dma_wait3A_1062 = tpu.memref_slice %arg11[%dma_wait3A_1060, %dma_wait3A_1061] : memref<10000x16xf32, #tpu.memory_space<vmem_shared>> -> memref<10000x16xf32, #tpu.memory_space<vmem_shared>>
          %dma_wait3A_1063 = tpu.memref_slice %arg15[%dma_wait3A_1056] : memref<3x!tpu.dma_semaphore, #tpu.memory_space<semaphore_mem>> -> memref<1x!tpu.dma_semaphore, #tpu.memory_space<semaphore_mem>>
          %dma_wait3A_1064 = tpu.memref_squeeze %dma_wait3A_1063 : memref<1x!tpu.dma_semaphore, #tpu.memory_space<semaphore_mem>> -> memref<!tpu.dma_semaphore, #tpu.memory_space<semaphore_mem>>
          tpu.wait_indirect_dma semaphore(%dma_wait3A_1064 : memref<!tpu.dma_semaphore, #tpu.memory_space<semaphore_mem>>) src(%arg8 : memref<80x16xf32, #tpu.memory_space<vmem>>) dst(%dma_wait3A_1062 : memref<10000x16xf32, #tpu.memory_space<vmem_shared>>)
        } else {
        }
        %add3A_1002 = arith.constant 2 : i32
        %add3A_1003 = arith.addi %add3A_858, %add3A_1002 : i32
        %mul3A_1004 = arith.constant 80 : i32
        %mul3A_1005 = arith.muli %add3A_1003, %mul3A_1004 : i32
        %add3A_1006 = arith.addi %mul3A_552, %mul3A_1005 : i32
        %dma_start3A_1007 = arith.constant 0 : i32
        %dma_start3A_1008 = arith.constant 0 : i32
        %dma_start3A_1009 = arith.constant 0 : i32
        %dma_start3A_1010 = arith.constant 0 : i32
        %dma_start3A_1011 = tpu.memref_slice %arg6[%dma_start3A_1007, %dma_start3A_1009, %dma_start3A_1010] : memref<3x80x128xf32, #tpu.memory_space<vmem>> -> memref<1x80x128xf32, #tpu.memory_space<vmem>>
        %dma_start3A_1012 = tpu.memref_squeeze %dma_start3A_1011 : memref<1x80x128xf32, #tpu.memory_space<vmem>> -> memref<80x128xf32, #tpu.memory_space<vmem>>
        %dma_start3A_1013 = arith.constant 0 : i32
        %dma_start3A_1014 = tpu.memref_slice %arg2[%add3A_1006, %dma_start3A_1013] : memref<320000x128xf32, #tpu.memory_space<hbm>> -> memref<80x128xf32, #tpu.memory_space<hbm>>
        %dma_start3A_1015 = tpu.memref_slice %arg12[%dma_start3A_1008] : memref<3x!tpu.dma_semaphore, #tpu.memory_space<semaphore_mem>> -> memref<1x!tpu.dma_semaphore, #tpu.memory_space<semaphore_mem>>
        %dma_start3A_1016 = tpu.memref_squeeze %dma_start3A_1015 : memref<1x!tpu.dma_semaphore, #tpu.memory_space<semaphore_mem>> -> memref<!tpu.dma_semaphore, #tpu.memory_space<semaphore_mem>>
        %dma_start3A_1017 = arith.constant 0 : i32
        %dma_start3A_1018 = arith.constant 0 : i32
        %dma_start3A_1019 = tpu.memref_slice %arg6[%dma_start3A_1007, %dma_start3A_1017, %dma_start3A_1018] : memref<3x80x128xf32, #tpu.memory_space<vmem>> -> memref<1x80x128xf32, #tpu.memory_space<vmem>>
        %dma_start3A_1020 = tpu.memref_squeeze %dma_start3A_1019 : memref<1x80x128xf32, #tpu.memory_space<vmem>> -> memref<80x128xf32, #tpu.memory_space<vmem>>
        %dma_start3A_1021 = arith.constant 0 : i32
        %dma_start3A_1022 = tpu.memref_slice %arg2[%add3A_1006, %dma_start3A_1021] : memref<320000x128xf32, #tpu.memory_space<hbm>> -> memref<80x128xf32, #tpu.memory_space<hbm>>
        tpu.enqueue_dma source(%dma_start3A_1022 : memref<80x128xf32, #tpu.memory_space<hbm>>) target(%dma_start3A_1020 : memref<80x128xf32, #tpu.memory_space<vmem>>) target_semaphore(%dma_start3A_1016 : memref<!tpu.dma_semaphore, #tpu.memory_space<semaphore_mem>>)
        %add3A_1023 = arith.addi %select_n3A_576, %add3A_1003 : i32
        %dma_start3A_1024 = arith.constant 0 : i32
        %dma_start3A_1025 = arith.constant 0 : i32
        %dma_start3A_1026 = arith.constant 0 : i32
        %dma_start3A_1027 = tpu.memref_slice %arg7[%dma_start3A_1024, %dma_start3A_1026] : memref<3x80xi32, #tpu.memory_space<vmem>> -> memref<1x80xi32, #tpu.memory_space<vmem>>
        %dma_start3A_1028 = tpu.memref_squeeze %dma_start3A_1027 : memref<1x80xi32, #tpu.memory_space<vmem>> -> memref<80xi32, #tpu.memory_space<vmem>>
        %dma_start3A_1029 = arith.constant 0 : i32
        %dma_start3A_1030 = tpu.memref_slice %arg3[%add3A_1023, %dma_start3A_1029] : memref<4000x80xi32, #tpu.memory_space<hbm>> -> memref<1x80xi32, #tpu.memory_space<hbm>>
        %dma_start3A_1031 = tpu.memref_squeeze %dma_start3A_1030 : memref<1x80xi32, #tpu.memory_space<hbm>> -> memref<80xi32, #tpu.memory_space<hbm>>
        %dma_start3A_1032 = tpu.memref_slice %arg13[%dma_start3A_1025] : memref<3x!tpu.dma_semaphore, #tpu.memory_space<semaphore_mem>> -> memref<1x!tpu.dma_semaphore, #tpu.memory_space<semaphore_mem>>
        %dma_start3A_1033 = tpu.memref_squeeze %dma_start3A_1032 : memref<1x!tpu.dma_semaphore, #tpu.memory_space<semaphore_mem>> -> memref<!tpu.dma_semaphore, #tpu.memory_space<semaphore_mem>>
        %dma_start3A_1034 = arith.constant 0 : i32
        %dma_start3A_1035 = tpu.memref_slice %arg7[%dma_start3A_1024, %dma_start3A_1034] : memref<3x80xi32, #tpu.memory_space<vmem>> -> memref<1x80xi32, #tpu.memory_space<vmem>>
        %dma_start3A_1036 = tpu.memref_squeeze %dma_start3A_1035 : memref<1x80xi32, #tpu.memory_space<vmem>> -> memref<80xi32, #tpu.memory_space<vmem>>
        %dma_start3A_1037 = arith.constant 0 : i32
        %dma_start3A_1038 = tpu.memref_slice %arg3[%add3A_1023, %dma_start3A_1037] : memref<4000x80xi32, #tpu.memory_space<hbm>> -> memref<1x80xi32, #tpu.memory_space<hbm>>
        %dma_start3A_1039 = tpu.memref_squeeze %dma_start3A_1038 : memref<1x80xi32, #tpu.memory_space<hbm>> -> memref<80xi32, #tpu.memory_space<hbm>>
        tpu.enqueue_dma source(%dma_start3A_1039 : memref<80xi32, #tpu.memory_space<hbm>>) target(%dma_start3A_1036 : memref<80xi32, #tpu.memory_space<vmem>>) target_semaphore(%dma_start3A_1033 : memref<!tpu.dma_semaphore, #tpu.memory_space<semaphore_mem>>)
      } else {
      }
      %mul3A_926 = arith.constant 3 : i32
      %mul3A_927 = arith.muli %mul3A_926, %scan3A_785 : i32
      %add3A_928 = arith.constant 2 : i32
      %add3A_929 = arith.addi %mul3A_927, %add3A_928 : i32
      %dma_wait3A_930 = arith.constant 2 : i32
      %dma_wait3A_931 = arith.constant 2 : i32
      %dma_wait3A_932 = arith.constant 0 : i32
      %dma_wait3A_933 = arith.constant 0 : i32
      %dma_wait3A_934 = tpu.memref_slice %arg6[%dma_wait3A_930, %dma_wait3A_932, %dma_wait3A_933] : memref<3x80x128xf32, #tpu.memory_space<vmem>> -> memref<1x80x128xf32, #tpu.memory_space<vmem>>
      %dma_wait3A_935 = tpu.memref_squeeze %dma_wait3A_934 : memref<1x80x128xf32, #tpu.memory_space<vmem>> -> memref<80x128xf32, #tpu.memory_space<vmem>>
      %dma_wait3A_936 = arith.constant 0 : i32
      %dma_wait3A_937 = arith.constant 0 : i32
      %dma_wait3A_938 = tpu.memref_slice %arg2[%dma_wait3A_936, %dma_wait3A_937] : memref<320000x128xf32, #tpu.memory_space<hbm>> -> memref<80x128xf32, #tpu.memory_space<hbm>>
      %dma_wait3A_939 = tpu.memref_slice %arg12[%dma_wait3A_931] : memref<3x!tpu.dma_semaphore, #tpu.memory_space<semaphore_mem>> -> memref<1x!tpu.dma_semaphore, #tpu.memory_space<semaphore_mem>>
      %dma_wait3A_940 = tpu.memref_squeeze %dma_wait3A_939 : memref<1x!tpu.dma_semaphore, #tpu.memory_space<semaphore_mem>> -> memref<!tpu.dma_semaphore, #tpu.memory_space<semaphore_mem>>
      %dma_wait3A_941 = arith.constant 0 : i32
      %dma_wait3A_942 = arith.constant 0 : i32
      %dma_wait3A_943 = tpu.memref_slice %arg6[%dma_wait3A_930, %dma_wait3A_941, %dma_wait3A_942] : memref<3x80x128xf32, #tpu.memory_space<vmem>> -> memref<1x80x128xf32, #tpu.memory_space<vmem>>
      %dma_wait3A_944 = tpu.memref_squeeze %dma_wait3A_943 : memref<1x80x128xf32, #tpu.memory_space<vmem>> -> memref<80x128xf32, #tpu.memory_space<vmem>>
      %dma_wait3A_945 = arith.constant 0 : i32
      %dma_wait3A_946 = arith.constant 0 : i32
      %dma_wait3A_947 = tpu.memref_slice %arg2[%dma_wait3A_945, %dma_wait3A_946] : memref<320000x128xf32, #tpu.memory_space<hbm>> -> memref<80x128xf32, #tpu.memory_space<hbm>>
      tpu.wait_dma2 semaphore(%dma_wait3A_940 : memref<!tpu.dma_semaphore, #tpu.memory_space<semaphore_mem>>) src(%dma_wait3A_947 : memref<80x128xf32, #tpu.memory_space<hbm>>) dst(%dma_wait3A_944 : memref<80x128xf32, #tpu.memory_space<vmem>>)
      %dma_wait3A_948 = arith.constant 0 : i32
      %dma_wait3A_949 = arith.constant 2 : i32
      %dma_wait3A_950 = arith.constant 2 : i32
      %dma_wait3A_951 = arith.constant 0 : i32
      %dma_wait3A_952 = tpu.memref_slice %arg7[%dma_wait3A_949, %dma_wait3A_951] : memref<3x80xi32, #tpu.memory_space<vmem>> -> memref<1x80xi32, #tpu.memory_space<vmem>>
      %dma_wait3A_953 = tpu.memref_squeeze %dma_wait3A_952 : memref<1x80xi32, #tpu.memory_space<vmem>> -> memref<80xi32, #tpu.memory_space<vmem>>
      %dma_wait3A_954 = arith.constant 0 : i32
      %dma_wait3A_955 = tpu.memref_slice %arg3[%dma_wait3A_948, %dma_wait3A_954] : memref<4000x80xi32, #tpu.memory_space<hbm>> -> memref<1x80xi32, #tpu.memory_space<hbm>>
      %dma_wait3A_956 = tpu.memref_squeeze %dma_wait3A_955 : memref<1x80xi32, #tpu.memory_space<hbm>> -> memref<80xi32, #tpu.memory_space<hbm>>
      %dma_wait3A_957 = tpu.memref_slice %arg13[%dma_wait3A_950] : memref<3x!tpu.dma_semaphore, #tpu.memory_space<semaphore_mem>> -> memref<1x!tpu.dma_semaphore, #tpu.memory_space<semaphore_mem>>
      %dma_wait3A_958 = tpu.memref_squeeze %dma_wait3A_957 : memref<1x!tpu.dma_semaphore, #tpu.memory_space<semaphore_mem>> -> memref<!tpu.dma_semaphore, #tpu.memory_space<semaphore_mem>>
      %dma_wait3A_959 = arith.constant 0 : i32
      %dma_wait3A_960 = tpu.memref_slice %arg7[%dma_wait3A_949, %dma_wait3A_959] : memref<3x80xi32, #tpu.memory_space<vmem>> -> memref<1x80xi32, #tpu.memory_space<vmem>>
      %dma_wait3A_961 = tpu.memref_squeeze %dma_wait3A_960 : memref<1x80xi32, #tpu.memory_space<vmem>> -> memref<80xi32, #tpu.memory_space<vmem>>
      %dma_wait3A_962 = arith.constant 0 : i32
      %dma_wait3A_963 = tpu.memref_slice %arg3[%dma_wait3A_948, %dma_wait3A_962] : memref<4000x80xi32, #tpu.memory_space<hbm>> -> memref<1x80xi32, #tpu.memory_space<hbm>>
      %dma_wait3A_964 = tpu.memref_squeeze %dma_wait3A_963 : memref<1x80xi32, #tpu.memory_space<hbm>> -> memref<80xi32, #tpu.memory_space<hbm>>
      tpu.wait_dma2 semaphore(%dma_wait3A_958 : memref<!tpu.dma_semaphore, #tpu.memory_space<semaphore_mem>>) src(%dma_wait3A_964 : memref<80xi32, #tpu.memory_space<hbm>>) dst(%dma_wait3A_961 : memref<80xi32, #tpu.memory_space<vmem>>)
      %dma_start3A_965 = arith.constant 2 : i32
      %dma_start3A_966 = arith.constant 2 : i32
      %dma_start3A_967 = arith.constant 2 : i32
      %dma_start3A_968 = arith.constant 0 : i32
      %dma_start3A_969 = arith.constant 0 : i32
      %dma_start3A_970 = tpu.memref_slice %arg6[%dma_start3A_965, %dma_start3A_968, %dma_start3A_969] : memref<3x80x128xf32, #tpu.memory_space<vmem>> -> memref<1x80x128xf32, #tpu.memory_space<vmem>>
      %dma_start3A_971 = tpu.memref_squeeze %dma_start3A_970 : memref<1x80x128xf32, #tpu.memory_space<vmem>> -> memref<80x128xf32, #tpu.memory_space<vmem>>
      %dma_start3A_972 = arith.constant 0 : i32
      %dma_start3A_973 = tpu.memref_slice %arg7[%dma_start3A_966, %dma_start3A_972] : memref<3x80xi32, #tpu.memory_space<vmem>> -> memref<1x80xi32, #tpu.memory_space<vmem>>
      %dma_start3A_974 = tpu.memref_squeeze %dma_start3A_973 : memref<1x80xi32, #tpu.memory_space<vmem>> -> memref<80xi32, #tpu.memory_space<vmem>>
      %dma_start3A_975 = arith.constant 0 : i32
      %dma_start3A_976 = arith.constant 0 : i32
      %dma_start3A_977 = tpu.memref_slice %arg10[%dma_start3A_975, %dma_start3A_976] : memref<10000x128xf32, #tpu.memory_space<vmem_shared>> -> memref<10000x128xf32, #tpu.memory_space<vmem_shared>>
      %dma_start3A_978 = tpu.memref_slice %arg14[%dma_start3A_967] : memref<3x!tpu.dma_semaphore, #tpu.memory_space<semaphore_mem>> -> memref<1x!tpu.dma_semaphore, #tpu.memory_space<semaphore_mem>>
      %dma_start3A_979 = tpu.memref_squeeze %dma_start3A_978 : memref<1x!tpu.dma_semaphore, #tpu.memory_space<semaphore_mem>> -> memref<!tpu.dma_semaphore, #tpu.memory_space<semaphore_mem>>
      tpu.enqueue_indirect_dma source(%dma_start3A_971 : memref<80x128xf32, #tpu.memory_space<vmem>>) target(%dma_start3A_977 : memref<10000x128xf32, #tpu.memory_space<vmem_shared>>) offsets(%dma_start3A_974 : memref<80xi32, #tpu.memory_space<vmem>>) semaphore(%dma_start3A_979 : memref<!tpu.dma_semaphore, #tpu.memory_space<semaphore_mem>>) {add = true}
      %dma_start3A_980 = arith.constant 2 : i32
      %dma_start3A_981 = arith.constant 2 : i32
      %dma_start3A_982 = arith.constant 0 : i32
      %dma_start3A_983 = tpu.memref_slice %arg7[%dma_start3A_980, %dma_start3A_982] : memref<3x80xi32, #tpu.memory_space<vmem>> -> memref<1x80xi32, #tpu.memory_space<vmem>>
      %dma_start3A_984 = tpu.memref_squeeze %dma_start3A_983 : memref<1x80xi32, #tpu.memory_space<vmem>> -> memref<80xi32, #tpu.memory_space<vmem>>
      %dma_start3A_985 = arith.constant 0 : i32
      %dma_start3A_986 = arith.constant 0 : i32
      %dma_start3A_987 = tpu.memref_slice %arg11[%dma_start3A_985, %dma_start3A_986] : memref<10000x16xf32, #tpu.memory_space<vmem_shared>> -> memref<10000x16xf32, #tpu.memory_space<vmem_shared>>
      %dma_start3A_988 = tpu.memref_slice %arg15[%dma_start3A_981] : memref<3x!tpu.dma_semaphore, #tpu.memory_space<semaphore_mem>> -> memref<1x!tpu.dma_semaphore, #tpu.memory_space<semaphore_mem>>
      %dma_start3A_989 = tpu.memref_squeeze %dma_start3A_988 : memref<1x!tpu.dma_semaphore, #tpu.memory_space<semaphore_mem>> -> memref<!tpu.dma_semaphore, #tpu.memory_space<semaphore_mem>>
      tpu.enqueue_indirect_dma source(%arg8 : memref<80x16xf32, #tpu.memory_space<vmem>>) target(%dma_start3A_987 : memref<10000x16xf32, #tpu.memory_space<vmem_shared>>) offsets(%dma_start3A_984 : memref<80xi32, #tpu.memory_space<vmem>>) semaphore(%dma_start3A_989 : memref<!tpu.dma_semaphore, #tpu.memory_space<semaphore_mem>>) {add = true}
      %add3A_990 = arith.constant 2 : i32
      %add3A_991 = arith.addi %add3A_929, %add3A_990 : i32
      %lt3A_992 = arith.constant 125 : i32
      %lt3A_993 = arith.cmpi slt, %add3A_991, %lt3A_992 : i32
      %convert_element_type3A_994 = arith.extui %lt3A_993 : i1 to i32
      %cond3A_995 = arith.constant 0 : i32
      %cond3A_996 = arith.cmpi ne, %convert_element_type3A_994, %cond3A_995 : i32
      scf.if %cond3A_996 {
        %ge3A = arith.constant 1 : i32
        %ge3A_998 = arith.cmpi sge, %add3A_929, %ge3A : i32
        %convert_element_type3A_999 = arith.extui %ge3A_998 : i1 to i32
        %cond3A_1000 = arith.constant 0 : i32
        %cond3A_1001 = arith.cmpi ne, %convert_element_type3A_999, %cond3A_1000 : i32
        scf.if %cond3A_1001 {
          %dma_wait3A_1040 = arith.constant 1 : i32
          %dma_wait3A_1041 = arith.constant 1 : i32
          %dma_wait3A_1042 = arith.constant 1 : i32
          %dma_wait3A_1043 = arith.constant 0 : i32
          %dma_wait3A_1044 = arith.constant 0 : i32
          %dma_wait3A_1045 = tpu.memref_slice %arg6[%dma_wait3A_1040, %dma_wait3A_1043, %dma_wait3A_1044] : memref<3x80x128xf32, #tpu.memory_space<vmem>> -> memref<1x80x128xf32, #tpu.memory_space<vmem>>
          %dma_wait3A_1046 = tpu.memref_squeeze %dma_wait3A_1045 : memref<1x80x128xf32, #tpu.memory_space<vmem>> -> memref<80x128xf32, #tpu.memory_space<vmem>>
          %dma_wait3A_1047 = arith.constant 0 : i32
          %dma_wait3A_1048 = tpu.memref_slice %arg7[%dma_wait3A_1041, %dma_wait3A_1047] : memref<3x80xi32, #tpu.memory_space<vmem>> -> memref<1x80xi32, #tpu.memory_space<vmem>>
          %dma_wait3A_1049 = tpu.memref_squeeze %dma_wait3A_1048 : memref<1x80xi32, #tpu.memory_space<vmem>> -> memref<80xi32, #tpu.memory_space<vmem>>
          %dma_wait3A_1050 = arith.constant 0 : i32
          %dma_wait3A_1051 = arith.constant 0 : i32
          %dma_wait3A_1052 = tpu.memref_slice %arg10[%dma_wait3A_1050, %dma_wait3A_1051] : memref<10000x128xf32, #tpu.memory_space<vmem_shared>> -> memref<10000x128xf32, #tpu.memory_space<vmem_shared>>
          %dma_wait3A_1053 = tpu.memref_slice %arg14[%dma_wait3A_1042] : memref<3x!tpu.dma_semaphore, #tpu.memory_space<semaphore_mem>> -> memref<1x!tpu.dma_semaphore, #tpu.memory_space<semaphore_mem>>
          %dma_wait3A_1054 = tpu.memref_squeeze %dma_wait3A_1053 : memref<1x!tpu.dma_semaphore, #tpu.memory_space<semaphore_mem>> -> memref<!tpu.dma_semaphore, #tpu.memory_space<semaphore_mem>>
          tpu.wait_indirect_dma semaphore(%dma_wait3A_1054 : memref<!tpu.dma_semaphore, #tpu.memory_space<semaphore_mem>>) src(%dma_wait3A_1046 : memref<80x128xf32, #tpu.memory_space<vmem>>) dst(%dma_wait3A_1052 : memref<10000x128xf32, #tpu.memory_space<vmem_shared>>)
          %dma_wait3A_1055 = arith.constant 1 : i32
          %dma_wait3A_1056 = arith.constant 1 : i32
          %dma_wait3A_1057 = arith.constant 0 : i32
          %dma_wait3A_1058 = tpu.memref_slice %arg7[%dma_wait3A_1055, %dma_wait3A_1057] : memref<3x80xi32, #tpu.memory_space<vmem>> -> memref<1x80xi32, #tpu.memory_space<vmem>>
          %dma_wait3A_1059 = tpu.memref_squeeze %dma_wait3A_1058 : memref<1x80xi32, #tpu.memory_space<vmem>> -> memref<80xi32, #tpu.memory_space<vmem>>
          %dma_wait3A_1060 = arith.constant 0 : i32
          %dma_wait3A_1061 = arith.constant 0 : i32
          %dma_wait3A_1062 = tpu.memref_slice %arg11[%dma_wait3A_1060, %dma_wait3A_1061] : memref<10000x16xf32, #tpu.memory_space<vmem_shared>> -> memref<10000x16xf32, #tpu.memory_space<vmem_shared>>
          %dma_wait3A_1063 = tpu.memref_slice %arg15[%dma_wait3A_1056] : memref<3x!tpu.dma_semaphore, #tpu.memory_space<semaphore_mem>> -> memref<1x!tpu.dma_semaphore, #tpu.memory_space<semaphore_mem>>
          %dma_wait3A_1064 = tpu.memref_squeeze %dma_wait3A_1063 : memref<1x!tpu.dma_semaphore, #tpu.memory_space<semaphore_mem>> -> memref<!tpu.dma_semaphore, #tpu.memory_space<semaphore_mem>>
          tpu.wait_indirect_dma semaphore(%dma_wait3A_1064 : memref<!tpu.dma_semaphore, #tpu.memory_space<semaphore_mem>>) src(%arg8 : memref<80x16xf32, #tpu.memory_space<vmem>>) dst(%dma_wait3A_1062 : memref<10000x16xf32, #tpu.memory_space<vmem_shared>>)
        } else {
        }
        %add3A_1002 = arith.constant 2 : i32
        %add3A_1003 = arith.addi %add3A_929, %add3A_1002 : i32
        %mul3A_1004 = arith.constant 80 : i32
        %mul3A_1005 = arith.muli %add3A_1003, %mul3A_1004 : i32
        %add3A_1006 = arith.addi %mul3A_552, %mul3A_1005 : i32
        %dma_start3A_1007 = arith.constant 1 : i32
        %dma_start3A_1008 = arith.constant 1 : i32
        %dma_start3A_1009 = arith.constant 0 : i32
        %dma_start3A_1010 = arith.constant 0 : i32
        %dma_start3A_1011 = tpu.memref_slice %arg6[%dma_start3A_1007, %dma_start3A_1009, %dma_start3A_1010] : memref<3x80x128xf32, #tpu.memory_space<vmem>> -> memref<1x80x128xf32, #tpu.memory_space<vmem>>
        %dma_start3A_1012 = tpu.memref_squeeze %dma_start3A_1011 : memref<1x80x128xf32, #tpu.memory_space<vmem>> -> memref<80x128xf32, #tpu.memory_space<vmem>>
        %dma_start3A_1013 = arith.constant 0 : i32
        %dma_start3A_1014 = tpu.memref_slice %arg2[%add3A_1006, %dma_start3A_1013] : memref<320000x128xf32, #tpu.memory_space<hbm>> -> memref<80x128xf32, #tpu.memory_space<hbm>>
        %dma_start3A_1015 = tpu.memref_slice %arg12[%dma_start3A_1008] : memref<3x!tpu.dma_semaphore, #tpu.memory_space<semaphore_mem>> -> memref<1x!tpu.dma_semaphore, #tpu.memory_space<semaphore_mem>>
        %dma_start3A_1016 = tpu.memref_squeeze %dma_start3A_1015 : memref<1x!tpu.dma_semaphore, #tpu.memory_space<semaphore_mem>> -> memref<!tpu.dma_semaphore, #tpu.memory_space<semaphore_mem>>
        %dma_start3A_1017 = arith.constant 0 : i32
        %dma_start3A_1018 = arith.constant 0 : i32
        %dma_start3A_1019 = tpu.memref_slice %arg6[%dma_start3A_1007, %dma_start3A_1017, %dma_start3A_1018] : memref<3x80x128xf32, #tpu.memory_space<vmem>> -> memref<1x80x128xf32, #tpu.memory_space<vmem>>
        %dma_start3A_1020 = tpu.memref_squeeze %dma_start3A_1019 : memref<1x80x128xf32, #tpu.memory_space<vmem>> -> memref<80x128xf32, #tpu.memory_space<vmem>>
        %dma_start3A_1021 = arith.constant 0 : i32
        %dma_start3A_1022 = tpu.memref_slice %arg2[%add3A_1006, %dma_start3A_1021] : memref<320000x128xf32, #tpu.memory_space<hbm>> -> memref<80x128xf32, #tpu.memory_space<hbm>>
        tpu.enqueue_dma source(%dma_start3A_1022 : memref<80x128xf32, #tpu.memory_space<hbm>>) target(%dma_start3A_1020 : memref<80x128xf32, #tpu.memory_space<vmem>>) target_semaphore(%dma_start3A_1016 : memref<!tpu.dma_semaphore, #tpu.memory_space<semaphore_mem>>)
        %add3A_1023 = arith.addi %select_n3A_576, %add3A_1003 : i32
        %dma_start3A_1024 = arith.constant 1 : i32
        %dma_start3A_1025 = arith.constant 1 : i32
        %dma_start3A_1026 = arith.constant 0 : i32
        %dma_start3A_1027 = tpu.memref_slice %arg7[%dma_start3A_1024, %dma_start3A_1026] : memref<3x80xi32, #tpu.memory_space<vmem>> -> memref<1x80xi32, #tpu.memory_space<vmem>>
        %dma_start3A_1028 = tpu.memref_squeeze %dma_start3A_1027 : memref<1x80xi32, #tpu.memory_space<vmem>> -> memref<80xi32, #tpu.memory_space<vmem>>
        %dma_start3A_1029 = arith.constant 0 : i32
        %dma_start3A_1030 = tpu.memref_slice %arg3[%add3A_1023, %dma_start3A_1029] : memref<4000x80xi32, #tpu.memory_space<hbm>> -> memref<1x80xi32, #tpu.memory_space<hbm>>
        %dma_start3A_1031 = tpu.memref_squeeze %dma_start3A_1030 : memref<1x80xi32, #tpu.memory_space<hbm>> -> memref<80xi32, #tpu.memory_space<hbm>>
        %dma_start3A_1032 = tpu.memref_slice %arg13[%dma_start3A_1025] : memref<3x!tpu.dma_semaphore, #tpu.memory_space<semaphore_mem>> -> memref<1x!tpu.dma_semaphore, #tpu.memory_space<semaphore_mem>>
        %dma_start3A_1033 = tpu.memref_squeeze %dma_start3A_1032 : memref<1x!tpu.dma_semaphore, #tpu.memory_space<semaphore_mem>> -> memref<!tpu.dma_semaphore, #tpu.memory_space<semaphore_mem>>
        %dma_start3A_1034 = arith.constant 0 : i32
        %dma_start3A_1035 = tpu.memref_slice %arg7[%dma_start3A_1024, %dma_start3A_1034] : memref<3x80xi32, #tpu.memory_space<vmem>> -> memref<1x80xi32, #tpu.memory_space<vmem>>
        %dma_start3A_1036 = tpu.memref_squeeze %dma_start3A_1035 : memref<1x80xi32, #tpu.memory_space<vmem>> -> memref<80xi32, #tpu.memory_space<vmem>>
        %dma_start3A_1037 = arith.constant 0 : i32
        %dma_start3A_1038 = tpu.memref_slice %arg3[%add3A_1023, %dma_start3A_1037] : memref<4000x80xi32, #tpu.memory_space<hbm>> -> memref<1x80xi32, #tpu.memory_space<hbm>>
        %dma_start3A_1039 = tpu.memref_squeeze %dma_start3A_1038 : memref<1x80xi32, #tpu.memory_space<hbm>> -> memref<80xi32, #tpu.memory_space<hbm>>
        tpu.enqueue_dma source(%dma_start3A_1039 : memref<80xi32, #tpu.memory_space<hbm>>) target(%dma_start3A_1036 : memref<80xi32, #tpu.memory_space<vmem>>) target_semaphore(%dma_start3A_1033 : memref<!tpu.dma_semaphore, #tpu.memory_space<semaphore_mem>>)
      } else {
      }
      %scan3A_997 = arith.constant 0 : i32
      scf.yield %scan3A_997 : i32
    }
    %scan3A_583 = arith.constant 41 : i32
    %dma_wait3A_584 = arith.constant 0 : i32
    %dma_wait3A_585 = arith.constant 0 : i32
    %dma_wait3A_586 = arith.constant 0 : i32
    %dma_wait3A_587 = arith.constant 0 : i32
    %dma_wait3A_588 = tpu.memref_slice %arg6[%dma_wait3A_584, %dma_wait3A_586, %dma_wait3A_587] : memref<3x80x128xf32, #tpu.memory_space<vmem>> -> memref<1x80x128xf32, #tpu.memory_space<vmem>>
    %dma_wait3A_589 = tpu.memref_squeeze %dma_wait3A_588 : memref<1x80x128xf32, #tpu.memory_space<vmem>> -> memref<80x128xf32, #tpu.memory_space<vmem>>
    %dma_wait3A_590 = arith.constant 0 : i32
    %dma_wait3A_591 = arith.constant 0 : i32
    %dma_wait3A_592 = tpu.memref_slice %arg2[%dma_wait3A_590, %dma_wait3A_591] : memref<320000x128xf32, #tpu.memory_space<hbm>> -> memref<80x128xf32, #tpu.memory_space<hbm>>
    %dma_wait3A_593 = tpu.memref_slice %arg12[%dma_wait3A_585] : memref<3x!tpu.dma_semaphore, #tpu.memory_space<semaphore_mem>> -> memref<1x!tpu.dma_semaphore, #tpu.memory_space<semaphore_mem>>
    %dma_wait3A_594 = tpu.memref_squeeze %dma_wait3A_593 : memref<1x!tpu.dma_semaphore, #tpu.memory_space<semaphore_mem>> -> memref<!tpu.dma_semaphore, #tpu.memory_space<semaphore_mem>>
    %dma_wait3A_595 = arith.constant 0 : i32
    %dma_wait3A_596 = arith.constant 0 : i32
    %dma_wait3A_597 = tpu.memref_slice %arg6[%dma_wait3A_584, %dma_wait3A_595, %dma_wait3A_596] : memref<3x80x128xf32, #tpu.memory_space<vmem>> -> memref<1x80x128xf32, #tpu.memory_space<vmem>>
    %dma_wait3A_598 = tpu.memref_squeeze %dma_wait3A_597 : memref<1x80x128xf32, #tpu.memory_space<vmem>> -> memref<80x128xf32, #tpu.memory_space<vmem>>
    %dma_wait3A_599 = arith.constant 0 : i32
    %dma_wait3A_600 = arith.constant 0 : i32
    %dma_wait3A_601 = tpu.memref_slice %arg2[%dma_wait3A_599, %dma_wait3A_600] : memref<320000x128xf32, #tpu.memory_space<hbm>> -> memref<80x128xf32, #tpu.memory_space<hbm>>
    tpu.wait_dma2 semaphore(%dma_wait3A_594 : memref<!tpu.dma_semaphore, #tpu.memory_space<semaphore_mem>>) src(%dma_wait3A_601 : memref<80x128xf32, #tpu.memory_space<hbm>>) dst(%dma_wait3A_598 : memref<80x128xf32, #tpu.memory_space<vmem>>)
    %dma_wait3A_602 = arith.constant 0 : i32
    %dma_wait3A_603 = arith.constant 0 : i32
    %dma_wait3A_604 = arith.constant 0 : i32
    %dma_wait3A_605 = arith.constant 0 : i32
    %dma_wait3A_606 = tpu.memref_slice %arg7[%dma_wait3A_603, %dma_wait3A_605] : memref<3x80xi32, #tpu.memory_space<vmem>> -> memref<1x80xi32, #tpu.memory_space<vmem>>
    %dma_wait3A_607 = tpu.memref_squeeze %dma_wait3A_606 : memref<1x80xi32, #tpu.memory_space<vmem>> -> memref<80xi32, #tpu.memory_space<vmem>>
    %dma_wait3A_608 = arith.constant 0 : i32
    %dma_wait3A_609 = tpu.memref_slice %arg3[%dma_wait3A_602, %dma_wait3A_608] : memref<4000x80xi32, #tpu.memory_space<hbm>> -> memref<1x80xi32, #tpu.memory_space<hbm>>
    %dma_wait3A_610 = tpu.memref_squeeze %dma_wait3A_609 : memref<1x80xi32, #tpu.memory_space<hbm>> -> memref<80xi32, #tpu.memory_space<hbm>>
    %dma_wait3A_611 = tpu.memref_slice %arg13[%dma_wait3A_604] : memref<3x!tpu.dma_semaphore, #tpu.memory_space<semaphore_mem>> -> memref<1x!tpu.dma_semaphore, #tpu.memory_space<semaphore_mem>>
    %dma_wait3A_612 = tpu.memref_squeeze %dma_wait3A_611 : memref<1x!tpu.dma_semaphore, #tpu.memory_space<semaphore_mem>> -> memref<!tpu.dma_semaphore, #tpu.memory_space<semaphore_mem>>
    %dma_wait3A_613 = arith.constant 0 : i32
    %dma_wait3A_614 = tpu.memref_slice %arg7[%dma_wait3A_603, %dma_wait3A_613] : memref<3x80xi32, #tpu.memory_space<vmem>> -> memref<1x80xi32, #tpu.memory_space<vmem>>
    %dma_wait3A_615 = tpu.memref_squeeze %dma_wait3A_614 : memref<1x80xi32, #tpu.memory_space<vmem>> -> memref<80xi32, #tpu.memory_space<vmem>>
    %dma_wait3A_616 = arith.constant 0 : i32
    %dma_wait3A_617 = tpu.memref_slice %arg3[%dma_wait3A_602, %dma_wait3A_616] : memref<4000x80xi32, #tpu.memory_space<hbm>> -> memref<1x80xi32, #tpu.memory_space<hbm>>
    %dma_wait3A_618 = tpu.memref_squeeze %dma_wait3A_617 : memref<1x80xi32, #tpu.memory_space<hbm>> -> memref<80xi32, #tpu.memory_space<hbm>>
    tpu.wait_dma2 semaphore(%dma_wait3A_612 : memref<!tpu.dma_semaphore, #tpu.memory_space<semaphore_mem>>) src(%dma_wait3A_618 : memref<80xi32, #tpu.memory_space<hbm>>) dst(%dma_wait3A_615 : memref<80xi32, #tpu.memory_space<vmem>>)
    %dma_start3A_619 = arith.constant 0 : i32
    %dma_start3A_620 = arith.constant 0 : i32
    %dma_start3A_621 = arith.constant 0 : i32
    %dma_start3A_622 = arith.constant 0 : i32
    %dma_start3A_623 = arith.constant 0 : i32
    %dma_start3A_624 = tpu.memref_slice %arg6[%dma_start3A_619, %dma_start3A_622, %dma_start3A_623] : memref<3x80x128xf32, #tpu.memory_space<vmem>> -> memref<1x80x128xf32, #tpu.memory_space<vmem>>
    %dma_start3A_625 = tpu.memref_squeeze %dma_start3A_624 : memref<1x80x128xf32, #tpu.memory_space<vmem>> -> memref<80x128xf32, #tpu.memory_space<vmem>>
    %dma_start3A_626 = arith.constant 0 : i32
    %dma_start3A_627 = tpu.memref_slice %arg7[%dma_start3A_620, %dma_start3A_626] : memref<3x80xi32, #tpu.memory_space<vmem>> -> memref<1x80xi32, #tpu.memory_space<vmem>>
    %dma_start3A_628 = tpu.memref_squeeze %dma_start3A_627 : memref<1x80xi32, #tpu.memory_space<vmem>> -> memref<80xi32, #tpu.memory_space<vmem>>
    %dma_start3A_629 = arith.constant 0 : i32
    %dma_start3A_630 = arith.constant 0 : i32
    %dma_start3A_631 = tpu.memref_slice %arg10[%dma_start3A_629, %dma_start3A_630] : memref<10000x128xf32, #tpu.memory_space<vmem_shared>> -> memref<10000x128xf32, #tpu.memory_space<vmem_shared>>
    %dma_start3A_632 = tpu.memref_slice %arg14[%dma_start3A_621] : memref<3x!tpu.dma_semaphore, #tpu.memory_space<semaphore_mem>> -> memref<1x!tpu.dma_semaphore, #tpu.memory_space<semaphore_mem>>
    %dma_start3A_633 = tpu.memref_squeeze %dma_start3A_632 : memref<1x!tpu.dma_semaphore, #tpu.memory_space<semaphore_mem>> -> memref<!tpu.dma_semaphore, #tpu.memory_space<semaphore_mem>>
    tpu.enqueue_indirect_dma source(%dma_start3A_625 : memref<80x128xf32, #tpu.memory_space<vmem>>) target(%dma_start3A_631 : memref<10000x128xf32, #tpu.memory_space<vmem_shared>>) offsets(%dma_start3A_628 : memref<80xi32, #tpu.memory_space<vmem>>) semaphore(%dma_start3A_633 : memref<!tpu.dma_semaphore, #tpu.memory_space<semaphore_mem>>) {add = true}
    %dma_start3A_634 = arith.constant 0 : i32
    %dma_start3A_635 = arith.constant 0 : i32
    %dma_start3A_636 = arith.constant 0 : i32
    %dma_start3A_637 = tpu.memref_slice %arg7[%dma_start3A_634, %dma_start3A_636] : memref<3x80xi32, #tpu.memory_space<vmem>> -> memref<1x80xi32, #tpu.memory_space<vmem>>
    %dma_start3A_638 = tpu.memref_squeeze %dma_start3A_637 : memref<1x80xi32, #tpu.memory_space<vmem>> -> memref<80xi32, #tpu.memory_space<vmem>>
    %dma_start3A_639 = arith.constant 0 : i32
    %dma_start3A_640 = arith.constant 0 : i32
    %dma_start3A_641 = tpu.memref_slice %arg11[%dma_start3A_639, %dma_start3A_640] : memref<10000x16xf32, #tpu.memory_space<vmem_shared>> -> memref<10000x16xf32, #tpu.memory_space<vmem_shared>>
    %dma_start3A_642 = tpu.memref_slice %arg15[%dma_start3A_635] : memref<3x!tpu.dma_semaphore, #tpu.memory_space<semaphore_mem>> -> memref<1x!tpu.dma_semaphore, #tpu.memory_space<semaphore_mem>>
    %dma_start3A_643 = tpu.memref_squeeze %dma_start3A_642 : memref<1x!tpu.dma_semaphore, #tpu.memory_space<semaphore_mem>> -> memref<!tpu.dma_semaphore, #tpu.memory_space<semaphore_mem>>
    tpu.enqueue_indirect_dma source(%arg8 : memref<80x16xf32, #tpu.memory_space<vmem>>) target(%dma_start3A_641 : memref<10000x16xf32, #tpu.memory_space<vmem_shared>>) offsets(%dma_start3A_638 : memref<80xi32, #tpu.memory_space<vmem>>) semaphore(%dma_start3A_643 : memref<!tpu.dma_semaphore, #tpu.memory_space<semaphore_mem>>) {add = true}
    %dma_wait3A_644 = arith.constant 1 : i32
    %dma_wait3A_645 = arith.constant 1 : i32
    %dma_wait3A_646 = arith.constant 0 : i32
    %dma_wait3A_647 = arith.constant 0 : i32
    %dma_wait3A_648 = tpu.memref_slice %arg6[%dma_wait3A_644, %dma_wait3A_646, %dma_wait3A_647] : memref<3x80x128xf32, #tpu.memory_space<vmem>> -> memref<1x80x128xf32, #tpu.memory_space<vmem>>
    %dma_wait3A_649 = tpu.memref_squeeze %dma_wait3A_648 : memref<1x80x128xf32, #tpu.memory_space<vmem>> -> memref<80x128xf32, #tpu.memory_space<vmem>>
    %dma_wait3A_650 = arith.constant 0 : i32
    %dma_wait3A_651 = arith.constant 0 : i32
    %dma_wait3A_652 = tpu.memref_slice %arg2[%dma_wait3A_650, %dma_wait3A_651] : memref<320000x128xf32, #tpu.memory_space<hbm>> -> memref<80x128xf32, #tpu.memory_space<hbm>>
    %dma_wait3A_653 = tpu.memref_slice %arg12[%dma_wait3A_645] : memref<3x!tpu.dma_semaphore, #tpu.memory_space<semaphore_mem>> -> memref<1x!tpu.dma_semaphore, #tpu.memory_space<semaphore_mem>>
    %dma_wait3A_654 = tpu.memref_squeeze %dma_wait3A_653 : memref<1x!tpu.dma_semaphore, #tpu.memory_space<semaphore_mem>> -> memref<!tpu.dma_semaphore, #tpu.memory_space<semaphore_mem>>
    %dma_wait3A_655 = arith.constant 0 : i32
    %dma_wait3A_656 = arith.constant 0 : i32
    %dma_wait3A_657 = tpu.memref_slice %arg6[%dma_wait3A_644, %dma_wait3A_655, %dma_wait3A_656] : memref<3x80x128xf32, #tpu.memory_space<vmem>> -> memref<1x80x128xf32, #tpu.memory_space<vmem>>
    %dma_wait3A_658 = tpu.memref_squeeze %dma_wait3A_657 : memref<1x80x128xf32, #tpu.memory_space<vmem>> -> memref<80x128xf32, #tpu.memory_space<vmem>>
    %dma_wait3A_659 = arith.constant 0 : i32
    %dma_wait3A_660 = arith.constant 0 : i32
    %dma_wait3A_661 = tpu.memref_slice %arg2[%dma_wait3A_659, %dma_wait3A_660] : memref<320000x128xf32, #tpu.memory_space<hbm>> -> memref<80x128xf32, #tpu.memory_space<hbm>>
    tpu.wait_dma2 semaphore(%dma_wait3A_654 : memref<!tpu.dma_semaphore, #tpu.memory_space<semaphore_mem>>) src(%dma_wait3A_661 : memref<80x128xf32, #tpu.memory_space<hbm>>) dst(%dma_wait3A_658 : memref<80x128xf32, #tpu.memory_space<vmem>>)
    %dma_wait3A_662 = arith.constant 0 : i32
    %dma_wait3A_663 = arith.constant 1 : i32
    %dma_wait3A_664 = arith.constant 1 : i32
    %dma_wait3A_665 = arith.constant 0 : i32
    %dma_wait3A_666 = tpu.memref_slice %arg7[%dma_wait3A_663, %dma_wait3A_665] : memref<3x80xi32, #tpu.memory_space<vmem>> -> memref<1x80xi32, #tpu.memory_space<vmem>>
    %dma_wait3A_667 = tpu.memref_squeeze %dma_wait3A_666 : memref<1x80xi32, #tpu.memory_space<vmem>> -> memref<80xi32, #tpu.memory_space<vmem>>
    %dma_wait3A_668 = arith.constant 0 : i32
    %dma_wait3A_669 = tpu.memref_slice %arg3[%dma_wait3A_662, %dma_wait3A_668] : memref<4000x80xi32, #tpu.memory_space<hbm>> -> memref<1x80xi32, #tpu.memory_space<hbm>>
    %dma_wait3A_670 = tpu.memref_squeeze %dma_wait3A_669 : memref<1x80xi32, #tpu.memory_space<hbm>> -> memref<80xi32, #tpu.memory_space<hbm>>
    %dma_wait3A_671 = tpu.memref_slice %arg13[%dma_wait3A_664] : memref<3x!tpu.dma_semaphore, #tpu.memory_space<semaphore_mem>> -> memref<1x!tpu.dma_semaphore, #tpu.memory_space<semaphore_mem>>
    %dma_wait3A_672 = tpu.memref_squeeze %dma_wait3A_671 : memref<1x!tpu.dma_semaphore, #tpu.memory_space<semaphore_mem>> -> memref<!tpu.dma_semaphore, #tpu.memory_space<semaphore_mem>>
    %dma_wait3A_673 = arith.constant 0 : i32
    %dma_wait3A_674 = tpu.memref_slice %arg7[%dma_wait3A_663, %dma_wait3A_673] : memref<3x80xi32, #tpu.memory_space<vmem>> -> memref<1x80xi32, #tpu.memory_space<vmem>>
    %dma_wait3A_675 = tpu.memref_squeeze %dma_wait3A_674 : memref<1x80xi32, #tpu.memory_space<vmem>> -> memref<80xi32, #tpu.memory_space<vmem>>
    %dma_wait3A_676 = arith.constant 0 : i32
    %dma_wait3A_677 = tpu.memref_slice %arg3[%dma_wait3A_662, %dma_wait3A_676] : memref<4000x80xi32, #tpu.memory_space<hbm>> -> memref<1x80xi32, #tpu.memory_space<hbm>>
    %dma_wait3A_678 = tpu.memref_squeeze %dma_wait3A_677 : memref<1x80xi32, #tpu.memory_space<hbm>> -> memref<80xi32, #tpu.memory_space<hbm>>
    tpu.wait_dma2 semaphore(%dma_wait3A_672 : memref<!tpu.dma_semaphore, #tpu.memory_space<semaphore_mem>>) src(%dma_wait3A_678 : memref<80xi32, #tpu.memory_space<hbm>>) dst(%dma_wait3A_675 : memref<80xi32, #tpu.memory_space<vmem>>)
    %dma_start3A_679 = arith.constant 1 : i32
    %dma_start3A_680 = arith.constant 1 : i32
    %dma_start3A_681 = arith.constant 1 : i32
    %dma_start3A_682 = arith.constant 0 : i32
    %dma_start3A_683 = arith.constant 0 : i32
    %dma_start3A_684 = tpu.memref_slice %arg6[%dma_start3A_679, %dma_start3A_682, %dma_start3A_683] : memref<3x80x128xf32, #tpu.memory_space<vmem>> -> memref<1x80x128xf32, #tpu.memory_space<vmem>>
    %dma_start3A_685 = tpu.memref_squeeze %dma_start3A_684 : memref<1x80x128xf32, #tpu.memory_space<vmem>> -> memref<80x128xf32, #tpu.memory_space<vmem>>
    %dma_start3A_686 = arith.constant 0 : i32
    %dma_start3A_687 = tpu.memref_slice %arg7[%dma_start3A_680, %dma_start3A_686] : memref<3x80xi32, #tpu.memory_space<vmem>> -> memref<1x80xi32, #tpu.memory_space<vmem>>
    %dma_start3A_688 = tpu.memref_squeeze %dma_start3A_687 : memref<1x80xi32, #tpu.memory_space<vmem>> -> memref<80xi32, #tpu.memory_space<vmem>>
    %dma_start3A_689 = arith.constant 0 : i32
    %dma_start3A_690 = arith.constant 0 : i32
    %dma_start3A_691 = tpu.memref_slice %arg10[%dma_start3A_689, %dma_start3A_690] : memref<10000x128xf32, #tpu.memory_space<vmem_shared>> -> memref<10000x128xf32, #tpu.memory_space<vmem_shared>>
    %dma_start3A_692 = tpu.memref_slice %arg14[%dma_start3A_681] : memref<3x!tpu.dma_semaphore, #tpu.memory_space<semaphore_mem>> -> memref<1x!tpu.dma_semaphore, #tpu.memory_space<semaphore_mem>>
    %dma_start3A_693 = tpu.memref_squeeze %dma_start3A_692 : memref<1x!tpu.dma_semaphore, #tpu.memory_space<semaphore_mem>> -> memref<!tpu.dma_semaphore, #tpu.memory_space<semaphore_mem>>
    tpu.enqueue_indirect_dma source(%dma_start3A_685 : memref<80x128xf32, #tpu.memory_space<vmem>>) target(%dma_start3A_691 : memref<10000x128xf32, #tpu.memory_space<vmem_shared>>) offsets(%dma_start3A_688 : memref<80xi32, #tpu.memory_space<vmem>>) semaphore(%dma_start3A_693 : memref<!tpu.dma_semaphore, #tpu.memory_space<semaphore_mem>>) {add = true}
    %dma_start3A_694 = arith.constant 1 : i32
    %dma_start3A_695 = arith.constant 1 : i32
    %dma_start3A_696 = arith.constant 0 : i32
    %dma_start3A_697 = tpu.memref_slice %arg7[%dma_start3A_694, %dma_start3A_696] : memref<3x80xi32, #tpu.memory_space<vmem>> -> memref<1x80xi32, #tpu.memory_space<vmem>>
    %dma_start3A_698 = tpu.memref_squeeze %dma_start3A_697 : memref<1x80xi32, #tpu.memory_space<vmem>> -> memref<80xi32, #tpu.memory_space<vmem>>
    %dma_start3A_699 = arith.constant 0 : i32
    %dma_start3A_700 = arith.constant 0 : i32
    %dma_start3A_701 = tpu.memref_slice %arg11[%dma_start3A_699, %dma_start3A_700] : memref<10000x16xf32, #tpu.memory_space<vmem_shared>> -> memref<10000x16xf32, #tpu.memory_space<vmem_shared>>
    %dma_start3A_702 = tpu.memref_slice %arg15[%dma_start3A_695] : memref<3x!tpu.dma_semaphore, #tpu.memory_space<semaphore_mem>> -> memref<1x!tpu.dma_semaphore, #tpu.memory_space<semaphore_mem>>
    %dma_start3A_703 = tpu.memref_squeeze %dma_start3A_702 : memref<1x!tpu.dma_semaphore, #tpu.memory_space<semaphore_mem>> -> memref<!tpu.dma_semaphore, #tpu.memory_space<semaphore_mem>>
    tpu.enqueue_indirect_dma source(%arg8 : memref<80x16xf32, #tpu.memory_space<vmem>>) target(%dma_start3A_701 : memref<10000x16xf32, #tpu.memory_space<vmem_shared>>) offsets(%dma_start3A_698 : memref<80xi32, #tpu.memory_space<vmem>>) semaphore(%dma_start3A_703 : memref<!tpu.dma_semaphore, #tpu.memory_space<semaphore_mem>>) {add = true}
    %dma_wait3A_704 = arith.constant 0 : i32
    %dma_wait3A_705 = arith.constant 0 : i32
    %dma_wait3A_706 = arith.constant 0 : i32
    %dma_wait3A_707 = arith.constant 0 : i32
    %dma_wait3A_708 = arith.constant 0 : i32
    %dma_wait3A_709 = tpu.memref_slice %arg6[%dma_wait3A_704, %dma_wait3A_707, %dma_wait3A_708] : memref<3x80x128xf32, #tpu.memory_space<vmem>> -> memref<1x80x128xf32, #tpu.memory_space<vmem>>
    %dma_wait3A_710 = tpu.memref_squeeze %dma_wait3A_709 : memref<1x80x128xf32, #tpu.memory_space<vmem>> -> memref<80x128xf32, #tpu.memory_space<vmem>>
    %dma_wait3A_711 = arith.constant 0 : i32
    %dma_wait3A_712 = tpu.memref_slice %arg7[%dma_wait3A_705, %dma_wait3A_711] : memref<3x80xi32, #tpu.memory_space<vmem>> -> memref<1x80xi32, #tpu.memory_space<vmem>>
    %dma_wait3A_713 = tpu.memref_squeeze %dma_wait3A_712 : memref<1x80xi32, #tpu.memory_space<vmem>> -> memref<80xi32, #tpu.memory_space<vmem>>
    %dma_wait3A_714 = arith.constant 0 : i32
    %dma_wait3A_715 = arith.constant 0 : i32
    %dma_wait3A_716 = tpu.memref_slice %arg10[%dma_wait3A_714, %dma_wait3A_715] : memref<10000x128xf32, #tpu.memory_space<vmem_shared>> -> memref<10000x128xf32, #tpu.memory_space<vmem_shared>>
    %dma_wait3A_717 = tpu.memref_slice %arg14[%dma_wait3A_706] : memref<3x!tpu.dma_semaphore, #tpu.memory_space<semaphore_mem>> -> memref<1x!tpu.dma_semaphore, #tpu.memory_space<semaphore_mem>>
    %dma_wait3A_718 = tpu.memref_squeeze %dma_wait3A_717 : memref<1x!tpu.dma_semaphore, #tpu.memory_space<semaphore_mem>> -> memref<!tpu.dma_semaphore, #tpu.memory_space<semaphore_mem>>
    tpu.wait_indirect_dma semaphore(%dma_wait3A_718 : memref<!tpu.dma_semaphore, #tpu.memory_space<semaphore_mem>>) src(%dma_wait3A_710 : memref<80x128xf32, #tpu.memory_space<vmem>>) dst(%dma_wait3A_716 : memref<10000x128xf32, #tpu.memory_space<vmem_shared>>)
    %dma_wait3A_719 = arith.constant 0 : i32
    %dma_wait3A_720 = arith.constant 0 : i32
    %dma_wait3A_721 = arith.constant 0 : i32
    %dma_wait3A_722 = tpu.memref_slice %arg7[%dma_wait3A_719, %dma_wait3A_721] : memref<3x80xi32, #tpu.memory_space<vmem>> -> memref<1x80xi32, #tpu.memory_space<vmem>>
    %dma_wait3A_723 = tpu.memref_squeeze %dma_wait3A_722 : memref<1x80xi32, #tpu.memory_space<vmem>> -> memref<80xi32, #tpu.memory_space<vmem>>
    %dma_wait3A_724 = arith.constant 0 : i32
    %dma_wait3A_725 = arith.constant 0 : i32
    %dma_wait3A_726 = tpu.memref_slice %arg11[%dma_wait3A_724, %dma_wait3A_725] : memref<10000x16xf32, #tpu.memory_space<vmem_shared>> -> memref<10000x16xf32, #tpu.memory_space<vmem_shared>>
    %dma_wait3A_727 = tpu.memref_slice %arg15[%dma_wait3A_720] : memref<3x!tpu.dma_semaphore, #tpu.memory_space<semaphore_mem>> -> memref<1x!tpu.dma_semaphore, #tpu.memory_space<semaphore_mem>>
    %dma_wait3A_728 = tpu.memref_squeeze %dma_wait3A_727 : memref<1x!tpu.dma_semaphore, #tpu.memory_space<semaphore_mem>> -> memref<!tpu.dma_semaphore, #tpu.memory_space<semaphore_mem>>
    tpu.wait_indirect_dma semaphore(%dma_wait3A_728 : memref<!tpu.dma_semaphore, #tpu.memory_space<semaphore_mem>>) src(%arg8 : memref<80x16xf32, #tpu.memory_space<vmem>>) dst(%dma_wait3A_726 : memref<10000x16xf32, #tpu.memory_space<vmem_shared>>)
    %dma_wait3A_729 = arith.constant 1 : i32
    %dma_wait3A_730 = arith.constant 1 : i32
    %dma_wait3A_731 = arith.constant 1 : i32
    %dma_wait3A_732 = arith.constant 0 : i32
    %dma_wait3A_733 = arith.constant 0 : i32
    %dma_wait3A_734 = tpu.memref_slice %arg6[%dma_wait3A_729, %dma_wait3A_732, %dma_wait3A_733] : memref<3x80x128xf32, #tpu.memory_space<vmem>> -> memref<1x80x128xf32, #tpu.memory_space<vmem>>
    %dma_wait3A_735 = tpu.memref_squeeze %dma_wait3A_734 : memref<1x80x128xf32, #tpu.memory_space<vmem>> -> memref<80x128xf32, #tpu.memory_space<vmem>>
    %dma_wait3A_736 = arith.constant 0 : i32
    %dma_wait3A_737 = tpu.memref_slice %arg7[%dma_wait3A_730, %dma_wait3A_736] : memref<3x80xi32, #tpu.memory_space<vmem>> -> memref<1x80xi32, #tpu.memory_space<vmem>>
    %dma_wait3A_738 = tpu.memref_squeeze %dma_wait3A_737 : memref<1x80xi32, #tpu.memory_space<vmem>> -> memref<80xi32, #tpu.memory_space<vmem>>
    %dma_wait3A_739 = arith.constant 0 : i32
    %dma_wait3A_740 = arith.constant 0 : i32
    %dma_wait3A_741 = tpu.memref_slice %arg10[%dma_wait3A_739, %dma_wait3A_740] : memref<10000x128xf32, #tpu.memory_space<vmem_shared>> -> memref<10000x128xf32, #tpu.memory_space<vmem_shared>>
    %dma_wait3A_742 = tpu.memref_slice %arg14[%dma_wait3A_731] : memref<3x!tpu.dma_semaphore, #tpu.memory_space<semaphore_mem>> -> memref<1x!tpu.dma_semaphore, #tpu.memory_space<semaphore_mem>>
    %dma_wait3A_743 = tpu.memref_squeeze %dma_wait3A_742 : memref<1x!tpu.dma_semaphore, #tpu.memory_space<semaphore_mem>> -> memref<!tpu.dma_semaphore, #tpu.memory_space<semaphore_mem>>
    tpu.wait_indirect_dma semaphore(%dma_wait3A_743 : memref<!tpu.dma_semaphore, #tpu.memory_space<semaphore_mem>>) src(%dma_wait3A_735 : memref<80x128xf32, #tpu.memory_space<vmem>>) dst(%dma_wait3A_741 : memref<10000x128xf32, #tpu.memory_space<vmem_shared>>)
    %dma_wait3A_744 = arith.constant 1 : i32
    %dma_wait3A_745 = arith.constant 1 : i32
    %dma_wait3A_746 = arith.constant 0 : i32
    %dma_wait3A_747 = tpu.memref_slice %arg7[%dma_wait3A_744, %dma_wait3A_746] : memref<3x80xi32, #tpu.memory_space<vmem>> -> memref<1x80xi32, #tpu.memory_space<vmem>>
    %dma_wait3A_748 = tpu.memref_squeeze %dma_wait3A_747 : memref<1x80xi32, #tpu.memory_space<vmem>> -> memref<80xi32, #tpu.memory_space<vmem>>
    %dma_wait3A_749 = arith.constant 0 : i32
    %dma_wait3A_750 = arith.constant 0 : i32
    %dma_wait3A_751 = tpu.memref_slice %arg11[%dma_wait3A_749, %dma_wait3A_750] : memref<10000x16xf32, #tpu.memory_space<vmem_shared>> -> memref<10000x16xf32, #tpu.memory_space<vmem_shared>>
    %dma_wait3A_752 = tpu.memref_slice %arg15[%dma_wait3A_745] : memref<3x!tpu.dma_semaphore, #tpu.memory_space<semaphore_mem>> -> memref<1x!tpu.dma_semaphore, #tpu.memory_space<semaphore_mem>>
    %dma_wait3A_753 = tpu.memref_squeeze %dma_wait3A_752 : memref<1x!tpu.dma_semaphore, #tpu.memory_space<semaphore_mem>> -> memref<!tpu.dma_semaphore, #tpu.memory_space<semaphore_mem>>
    tpu.wait_indirect_dma semaphore(%dma_wait3A_753 : memref<!tpu.dma_semaphore, #tpu.memory_space<semaphore_mem>>) src(%arg8 : memref<80x16xf32, #tpu.memory_space<vmem>>) dst(%dma_wait3A_751 : memref<10000x16xf32, #tpu.memory_space<vmem_shared>>)
    %dma_wait3A_754 = arith.constant 2 : i32
    %dma_wait3A_755 = arith.constant 2 : i32
    %dma_wait3A_756 = arith.constant 2 : i32
    %dma_wait3A_757 = arith.constant 0 : i32
    %dma_wait3A_758 = arith.constant 0 : i32
    %dma_wait3A_759 = tpu.memref_slice %arg6[%dma_wait3A_754, %dma_wait3A_757, %dma_wait3A_758] : memref<3x80x128xf32, #tpu.memory_space<vmem>> -> memref<1x80x128xf32, #tpu.memory_space<vmem>>
    %dma_wait3A_760 = tpu.memref_squeeze %dma_wait3A_759 : memref<1x80x128xf32, #tpu.memory_space<vmem>> -> memref<80x128xf32, #tpu.memory_space<vmem>>
    %dma_wait3A_761 = arith.constant 0 : i32
    %dma_wait3A_762 = tpu.memref_slice %arg7[%dma_wait3A_755, %dma_wait3A_761] : memref<3x80xi32, #tpu.memory_space<vmem>> -> memref<1x80xi32, #tpu.memory_space<vmem>>
    %dma_wait3A_763 = tpu.memref_squeeze %dma_wait3A_762 : memref<1x80xi32, #tpu.memory_space<vmem>> -> memref<80xi32, #tpu.memory_space<vmem>>
    %dma_wait3A_764 = arith.constant 0 : i32
    %dma_wait3A_765 = arith.constant 0 : i32
    %dma_wait3A_766 = tpu.memref_slice %arg10[%dma_wait3A_764, %dma_wait3A_765] : memref<10000x128xf32, #tpu.memory_space<vmem_shared>> -> memref<10000x128xf32, #tpu.memory_space<vmem_shared>>
    %dma_wait3A_767 = tpu.memref_slice %arg14[%dma_wait3A_756] : memref<3x!tpu.dma_semaphore, #tpu.memory_space<semaphore_mem>> -> memref<1x!tpu.dma_semaphore, #tpu.memory_space<semaphore_mem>>
    %dma_wait3A_768 = tpu.memref_squeeze %dma_wait3A_767 : memref<1x!tpu.dma_semaphore, #tpu.memory_space<semaphore_mem>> -> memref<!tpu.dma_semaphore, #tpu.memory_space<semaphore_mem>>
    tpu.wait_indirect_dma semaphore(%dma_wait3A_768 : memref<!tpu.dma_semaphore, #tpu.memory_space<semaphore_mem>>) src(%dma_wait3A_760 : memref<80x128xf32, #tpu.memory_space<vmem>>) dst(%dma_wait3A_766 : memref<10000x128xf32, #tpu.memory_space<vmem_shared>>)
    %dma_wait3A_769 = arith.constant 2 : i32
    %dma_wait3A_770 = arith.constant 2 : i32
    %dma_wait3A_771 = arith.constant 0 : i32
    %dma_wait3A_772 = tpu.memref_slice %arg7[%dma_wait3A_769, %dma_wait3A_771] : memref<3x80xi32, #tpu.memory_space<vmem>> -> memref<1x80xi32, #tpu.memory_space<vmem>>
    %dma_wait3A_773 = tpu.memref_squeeze %dma_wait3A_772 : memref<1x80xi32, #tpu.memory_space<vmem>> -> memref<80xi32, #tpu.memory_space<vmem>>
    %dma_wait3A_774 = arith.constant 0 : i32
    %dma_wait3A_775 = arith.constant 0 : i32
    %dma_wait3A_776 = tpu.memref_slice %arg11[%dma_wait3A_774, %dma_wait3A_775] : memref<10000x16xf32, #tpu.memory_space<vmem_shared>> -> memref<10000x16xf32, #tpu.memory_space<vmem_shared>>
    %dma_wait3A_777 = tpu.memref_slice %arg15[%dma_wait3A_770] : memref<3x!tpu.dma_semaphore, #tpu.memory_space<semaphore_mem>> -> memref<1x!tpu.dma_semaphore, #tpu.memory_space<semaphore_mem>>
    %dma_wait3A_778 = tpu.memref_squeeze %dma_wait3A_777 : memref<1x!tpu.dma_semaphore, #tpu.memory_space<semaphore_mem>> -> memref<!tpu.dma_semaphore, #tpu.memory_space<semaphore_mem>>
    tpu.wait_indirect_dma semaphore(%dma_wait3A_778 : memref<!tpu.dma_semaphore, #tpu.memory_space<semaphore_mem>>) src(%arg8 : memref<80x16xf32, #tpu.memory_space<vmem>>) dst(%dma_wait3A_776 : memref<10000x16xf32, #tpu.memory_space<vmem_shared>>)
    %barrier3A_779 = arith.constant 0 : index
    tpu.barrier barrier_id(%barrier3A_779)
    "tpu.region"() ({
      %run_scoped3A = tpu.sem_alloc : memref<!tpu.dma_semaphore, #tpu.memory_space<semaphore_mem>>
      %dma_start3A_785 = arith.constant 0 : i32
      %dma_start3A_786 = tpu.memref_slice %arg4[%arg0, %mul3A_137, %dma_start3A_785] : memref<2x10000x128xf32, #tpu.memory_space<hbm>> -> memref<1x624x128xf32, #tpu.memory_space<hbm>>
      %dma_start3A_787 = tpu.memref_squeeze %dma_start3A_786 : memref<1x624x128xf32, #tpu.memory_space<hbm>> -> memref<624x128xf32, #tpu.memory_space<hbm>>
      %dma_start3A_788 = arith.constant 0 : i32
      %dma_start3A_789 = tpu.memref_slice %arg10[%mul3A_137, %dma_start3A_788] : memref<10000x128xf32, #tpu.memory_space<vmem_shared>> -> memref<624x128xf32, #tpu.memory_space<vmem_shared>>
      tpu.enqueue_dma source(%dma_start3A_789 : memref<624x128xf32, #tpu.memory_space<vmem_shared>>) target(%dma_start3A_787 : memref<624x128xf32, #tpu.memory_space<hbm>>) target_semaphore(%run_scoped3A : memref<!tpu.dma_semaphore, #tpu.memory_space<semaphore_mem>>)
      %dma_wait3A_790 = arith.constant 0 : i32
      %dma_wait3A_791 = tpu.memref_slice %arg4[%arg0, %mul3A_137, %dma_wait3A_790] : memref<2x10000x128xf32, #tpu.memory_space<hbm>> -> memref<1x624x128xf32, #tpu.memory_space<hbm>>
      %dma_wait3A_792 = tpu.memref_squeeze %dma_wait3A_791 : memref<1x624x128xf32, #tpu.memory_space<hbm>> -> memref<624x128xf32, #tpu.memory_space<hbm>>
      %dma_wait3A_793 = arith.constant 0 : i32
      %dma_wait3A_794 = tpu.memref_slice %arg10[%mul3A_137, %dma_wait3A_793] : memref<10000x128xf32, #tpu.memory_space<vmem_shared>> -> memref<624x128xf32, #tpu.memory_space<vmem_shared>>
      tpu.wait_dma2 semaphore(%run_scoped3A : memref<!tpu.dma_semaphore, #tpu.memory_space<semaphore_mem>>) src(%dma_wait3A_794 : memref<624x128xf32, #tpu.memory_space<vmem_shared>>) dst(%dma_wait3A_792 : memref<624x128xf32, #tpu.memory_space<hbm>>)
      tpu.yield
    }) : () -> ()
    "tpu.region"() ({
      %run_scoped3A = tpu.sem_alloc : memref<!tpu.dma_semaphore, #tpu.memory_space<semaphore_mem>>
      %dma_start3A_785 = arith.constant 0 : i32
      %dma_start3A_786 = tpu.memref_slice %arg5[%arg0, %mul3A_137, %dma_start3A_785] : memref<2x10000x16xf32, #tpu.memory_space<hbm>> -> memref<1x624x16xf32, #tpu.memory_space<hbm>>
      %dma_start3A_787 = tpu.memref_squeeze %dma_start3A_786 : memref<1x624x16xf32, #tpu.memory_space<hbm>> -> memref<624x16xf32, #tpu.memory_space<hbm>>
      %dma_start3A_788 = arith.constant 0 : i32
      %dma_start3A_789 = tpu.memref_slice %arg11[%mul3A_137, %dma_start3A_788] : memref<10000x16xf32, #tpu.memory_space<vmem_shared>> -> memref<624x16xf32, #tpu.memory_space<vmem_shared>>
      tpu.enqueue_dma source(%dma_start3A_789 : memref<624x16xf32, #tpu.memory_space<vmem_shared>>) target(%dma_start3A_787 : memref<624x16xf32, #tpu.memory_space<hbm>>) target_semaphore(%run_scoped3A : memref<!tpu.dma_semaphore, #tpu.memory_space<semaphore_mem>>)
      %dma_wait3A_790 = arith.constant 0 : i32
      %dma_wait3A_791 = tpu.memref_slice %arg5[%arg0, %mul3A_137, %dma_wait3A_790] : memref<2x10000x16xf32, #tpu.memory_space<hbm>> -> memref<1x624x16xf32, #tpu.memory_space<hbm>>
      %dma_wait3A_792 = tpu.memref_squeeze %dma_wait3A_791 : memref<1x624x16xf32, #tpu.memory_space<hbm>> -> memref<624x16xf32, #tpu.memory_space<hbm>>
      %dma_wait3A_793 = arith.constant 0 : i32
      %dma_wait3A_794 = tpu.memref_slice %arg11[%mul3A_137, %dma_wait3A_793] : memref<10000x16xf32, #tpu.memory_space<vmem_shared>> -> memref<624x16xf32, #tpu.memory_space<vmem_shared>>
      tpu.wait_dma2 semaphore(%run_scoped3A : memref<!tpu.dma_semaphore, #tpu.memory_space<semaphore_mem>>) src(%dma_wait3A_794 : memref<624x16xf32, #tpu.memory_space<vmem_shared>>) dst(%dma_wait3A_792 : memref<624x16xf32, #tpu.memory_space<hbm>>)
      tpu.yield
    }) : () -> ()
    %eq3A_780 = arith.constant 15 : i32
    %eq3A_781 = arith.cmpi eq, %arg1, %eq3A_780 : i32
    %convert_element_type3A_782 = arith.extui %eq3A_781 : i1 to i32
    %cond3A_783 = arith.constant 0 : i32
    %cond3A_784 = arith.cmpi ne, %convert_element_type3A_782, %cond3A_783 : i32
    scf.if %cond3A_784 {
      "tpu.region"() ({
        %run_scoped3A = tpu.sem_alloc : memref<!tpu.dma_semaphore, #tpu.memory_space<semaphore_mem>>
        %dma_start3A_785 = arith.constant 9984 : i32
        %dma_start3A_786 = arith.constant 0 : i32
        %dma_start3A_787 = tpu.memref_slice %arg4[%arg0, %dma_start3A_785, %dma_start3A_786] : memref<2x10000x128xf32, #tpu.memory_space<hbm>> -> memref<1x16x128xf32, #tpu.memory_space<hbm>>
        %dma_start3A_788 = tpu.memref_squeeze %dma_start3A_787 : memref<1x16x128xf32, #tpu.memory_space<hbm>> -> memref<16x128xf32, #tpu.memory_space<hbm>>
        %dma_start3A_789 = arith.constant 9984 : i32
        %dma_start3A_790 = arith.constant 0 : i32
        %dma_start3A_791 = tpu.memref_slice %arg10[%dma_start3A_789, %dma_start3A_790] : memref<10000x128xf32, #tpu.memory_space<vmem_shared>> -> memref<16x128xf32, #tpu.memory_space<vmem_shared>>
        tpu.enqueue_dma source(%dma_start3A_791 : memref<16x128xf32, #tpu.memory_space<vmem_shared>>) target(%dma_start3A_788 : memref<16x128xf32, #tpu.memory_space<hbm>>) target_semaphore(%run_scoped3A : memref<!tpu.dma_semaphore, #tpu.memory_space<semaphore_mem>>)
        %dma_wait3A_792 = arith.constant 9984 : i32
        %dma_wait3A_793 = arith.constant 0 : i32
        %dma_wait3A_794 = tpu.memref_slice %arg4[%arg0, %dma_wait3A_792, %dma_wait3A_793] : memref<2x10000x128xf32, #tpu.memory_space<hbm>> -> memref<1x16x128xf32, #tpu.memory_space<hbm>>
        %dma_wait3A_795 = tpu.memref_squeeze %dma_wait3A_794 : memref<1x16x128xf32, #tpu.memory_space<hbm>> -> memref<16x128xf32, #tpu.memory_space<hbm>>
        %dma_wait3A_796 = arith.constant 9984 : i32
        %dma_wait3A_797 = arith.constant 0 : i32
        %dma_wait3A_798 = tpu.memref_slice %arg10[%dma_wait3A_796, %dma_wait3A_797] : memref<10000x128xf32, #tpu.memory_space<vmem_shared>> -> memref<16x128xf32, #tpu.memory_space<vmem_shared>>
        tpu.wait_dma2 semaphore(%run_scoped3A : memref<!tpu.dma_semaphore, #tpu.memory_space<semaphore_mem>>) src(%dma_wait3A_798 : memref<16x128xf32, #tpu.memory_space<vmem_shared>>) dst(%dma_wait3A_795 : memref<16x128xf32, #tpu.memory_space<hbm>>)
        tpu.yield
      }) : () -> ()
      "tpu.region"() ({
        %run_scoped3A = tpu.sem_alloc : memref<!tpu.dma_semaphore, #tpu.memory_space<semaphore_mem>>
        %dma_start3A_785 = arith.constant 9984 : i32
        %dma_start3A_786 = arith.constant 0 : i32
        %dma_start3A_787 = tpu.memref_slice %arg5[%arg0, %dma_start3A_785, %dma_start3A_786] : memref<2x10000x16xf32, #tpu.memory_space<hbm>> -> memref<1x16x16xf32, #tpu.memory_space<hbm>>
        %dma_start3A_788 = tpu.memref_squeeze %dma_start3A_787 : memref<1x16x16xf32, #tpu.memory_space<hbm>> -> memref<16x16xf32, #tpu.memory_space<hbm>>
        %dma_start3A_789 = arith.constant 9984 : i32
        %dma_start3A_790 = arith.constant 0 : i32
        %dma_start3A_791 = tpu.memref_slice %arg11[%dma_start3A_789, %dma_start3A_790] : memref<10000x16xf32, #tpu.memory_space<vmem_shared>> -> memref<16x16xf32, #tpu.memory_space<vmem_shared>>
        tpu.enqueue_dma source(%dma_start3A_791 : memref<16x16xf32, #tpu.memory_space<vmem_shared>>) target(%dma_start3A_788 : memref<16x16xf32, #tpu.memory_space<hbm>>) target_semaphore(%run_scoped3A : memref<!tpu.dma_semaphore, #tpu.memory_space<semaphore_mem>>)
        %dma_wait3A_792 = arith.constant 9984 : i32
        %dma_wait3A_793 = arith.constant 0 : i32
        %dma_wait3A_794 = tpu.memref_slice %arg5[%arg0, %dma_wait3A_792, %dma_wait3A_793] : memref<2x10000x16xf32, #tpu.memory_space<hbm>> -> memref<1x16x16xf32, #tpu.memory_space<hbm>>
        %dma_wait3A_795 = tpu.memref_squeeze %dma_wait3A_794 : memref<1x16x16xf32, #tpu.memory_space<hbm>> -> memref<16x16xf32, #tpu.memory_space<hbm>>
        %dma_wait3A_796 = arith.constant 9984 : i32
        %dma_wait3A_797 = arith.constant 0 : i32
        %dma_wait3A_798 = tpu.memref_slice %arg11[%dma_wait3A_796, %dma_wait3A_797] : memref<10000x16xf32, #tpu.memory_space<vmem_shared>> -> memref<16x16xf32, #tpu.memory_space<vmem_shared>>
        tpu.wait_dma2 semaphore(%run_scoped3A : memref<!tpu.dma_semaphore, #tpu.memory_space<semaphore_mem>>) src(%dma_wait3A_798 : memref<16x16xf32, #tpu.memory_space<vmem_shared>>) dst(%dma_wait3A_795 : memref<16x16xf32, #tpu.memory_space<hbm>>)
        tpu.yield
      }) : () -> ()
    } else {
    }
    return
  }
}

module attributes {stable_mosaic.version = 14 : i64} {
  func.func @_tc_xpart_body(%arg0: memref<10000x128xf32, #tpu.memory_space<vmem>>, %arg1: memref<1x10000xi32, #tpu.memory_space<vmem>>, %arg2: memref<64x128xf32, #tpu.memory_space<vmem>>, %arg3: memref<64x128xf32, #tpu.memory_space<vmem>>) attributes {dimension_semantics = [], scalar_prefetch = 0 : i64, scratch_operands = 0 : i64, tpu.core_type = #tpu.core_type<tc>} {
    %get3A = arith.constant 0 : index
    %get3A_0 = arith.constant 0 : index
    %get3A_1 = vector.load %arg1[%get3A, %get3A_0] : memref<1x10000xi32, #tpu.memory_space<vmem>>, vector<1x10000xi32>
    %iota3A = tpu.iota {dimensions = array<i32: 0>} : vector<64x10000xi32>
    %eq3A = vector.broadcast %get3A_1 : vector<1x10000xi32> to vector<64x10000xi32>
    %eq3A_2 = arith.cmpi eq, %iota3A, %eq3A : vector<64x10000xi32>
    %convert_element_type3A = arith.extui %eq3A_2 : vector<64x10000xi1> to vector<64x10000xi32>
    %convert_element_type3A_3 = arith.sitofp %convert_element_type3A : vector<64x10000xi32> to vector<64x10000xf32>
    %get3A_4 = arith.constant 0 : index
    %get3A_5 = arith.constant 0 : index
    %get3A_6 = vector.load %arg0[%get3A_4, %get3A_5] : memref<10000x128xf32, #tpu.memory_space<vmem>>, vector<10000x128xf32>
    %dot_general3A = arith.constant dense<0.000000e+00> : vector<64x128xf32>
    %dot_general3A_7 = tpu.matmul %convert_element_type3A_3, %get3A_6, %dot_general3A {dimension_numbers = #tpu.dot_dimension_numbers<[1], [0], [0], [1], [0, 0, 1, 1], [], []>, transpose_lhs_hint = false} : vector<64x10000xf32>, vector<10000x128xf32>, vector<64x128xf32> -> vector<64x128xf32>
    %swap3A = arith.constant 0 : index
    %swap3A_8 = arith.constant 0 : index
    %swap3A_9 = vector.load %arg2[%swap3A, %swap3A_8] : memref<64x128xf32, #tpu.memory_space<vmem>>, vector<64x128xf32>
    tpu.vector_store %arg2[%swap3A, %swap3A_8], %dot_general3A_7 {strides = array<i32>} : memref<64x128xf32, #tpu.memory_space<vmem>>, vector<64x128xf32>,
    %reduce_sum3A = arith.constant dense<0.000000e+00> : vector<64xf32>
    %reduce_sum3A_10 = vector.multi_reduction <add>, %convert_element_type3A_3, %reduce_sum3A [1] : vector<64x10000xf32> to vector<64xf32>
    %broadcast_in_dim3A = vector.shape_cast %reduce_sum3A_10 : vector<64xf32> to vector<64x1xf32>
    %broadcast_in_dim3A_11 = vector.shape_cast %broadcast_in_dim3A : vector<64x1xf32> to vector<64x1xf32>
    %broadcast_in_dim3A_12 = vector.broadcast %broadcast_in_dim3A_11 : vector<64x1xf32> to vector<64x128xf32>
    %swap3A_13 = arith.constant 0 : index
    %swap3A_14 = arith.constant 0 : index
    %swap3A_15 = vector.load %arg3[%swap3A_13, %swap3A_14] : memref<64x128xf32, #tpu.memory_space<vmem>>, vector<64x128xf32>
    tpu.vector_store %arg3[%swap3A_13, %swap3A_14], %broadcast_in_dim3A_12 {strides = array<i32>} : memref<64x128xf32, #tpu.memory_space<vmem>>, vector<64x128xf32>,
    return
  }
}

module attributes {stable_mosaic.version = 14 : i64} {
  func.func @_tc_finish_body(%arg0: memref<2x10000x128xf32, #tpu.memory_space<vmem>>, %arg1: memref<2x10000x16xf32, #tpu.memory_space<vmem>>, %arg2: memref<1x10000xi32, #tpu.memory_space<vmem>>, %arg3: memref<64x128xf32, #tpu.memory_space<vmem>>, %arg4: memref<64x128xf32, #tpu.memory_space<vmem>>, %arg5: memref<64x128xf32, #tpu.memory_space<vmem>>, %arg6: memref<384x128xf32, #tpu.memory_space<vmem>>, %arg7: memref<128xf32, #tpu.memory_space<vmem>>, %arg8: memref<128x128xf32, #tpu.memory_space<vmem>>, %arg9: memref<128xf32, #tpu.memory_space<vmem>>, %arg10: memref<128x128xf32, #tpu.memory_space<vmem>>, %arg11: memref<128xf32, #tpu.memory_space<vmem>>, %arg12: memref<64x128xf32, #tpu.memory_space<vmem>>) attributes {dimension_semantics = [], scalar_prefetch = 0 : i64, scratch_operands = 0 : i64, tpu.core_type = #tpu.core_type<tc>} {
    %get3A = arith.constant 0 : index
    %get3A_0 = arith.constant 0 : index
    %get3A_1 = arith.constant 0 : index
    %get3A_2 = vector.load %arg0[%get3A, %get3A_0, %get3A_1] : memref<2x10000x128xf32, #tpu.memory_space<vmem>>, vector<1x10000x128xf32>
    %get3A_3 = vector.shape_cast %get3A_2 : vector<1x10000x128xf32> to vector<10000x128xf32>
    %get3A_4 = arith.constant 1 : index
    %get3A_5 = arith.constant 0 : index
    %get3A_6 = arith.constant 0 : index
    %get3A_7 = vector.load %arg0[%get3A_4, %get3A_5, %get3A_6] : memref<2x10000x128xf32, #tpu.memory_space<vmem>>, vector<1x10000x128xf32>
    %get3A_8 = vector.shape_cast %get3A_7 : vector<1x10000x128xf32> to vector<10000x128xf32>
    %add3A = arith.addf %get3A_3, %get3A_8 : vector<10000x128xf32>
    %get3A_9 = arith.constant 0 : index
    %get3A_10 = arith.constant 0 : index
    %get3A_11 = arith.constant 0 : index
    %get3A_12 = vector.load %arg1[%get3A_9, %get3A_10, %get3A_11] : memref<2x10000x16xf32, #tpu.memory_space<vmem>>, vector<1x10000x16xf32>
    %get3A_13 = vector.shape_cast %get3A_12 : vector<1x10000x16xf32> to vector<10000x16xf32>
    %get3A_14 = arith.constant 1 : index
    %get3A_15 = arith.constant 0 : index
    %get3A_16 = arith.constant 0 : index
    %get3A_17 = vector.load %arg1[%get3A_14, %get3A_15, %get3A_16] : memref<2x10000x16xf32, #tpu.memory_space<vmem>>, vector<1x10000x16xf32>
    %get3A_18 = vector.shape_cast %get3A_17 : vector<1x10000x16xf32> to vector<10000x16xf32>
    %add3A_19 = arith.addf %get3A_13, %get3A_18 : vector<10000x16xf32>
    %reduce_sum3A = arith.constant dense<0.000000e+00> : vector<10000xf32>
    %reduce_sum3A_20 = vector.multi_reduction <add>, %add3A_19, %reduce_sum3A [1] : vector<10000x16xf32> to vector<10000xf32>
    %broadcast_in_dim3A = vector.shape_cast %reduce_sum3A_20 : vector<10000xf32> to vector<10000x1xf32>
    %mul3A = arith.constant 6.250000e-02 : f32
    %mul3A_21 = vector.broadcast %mul3A : f32 to vector<10000x1xf32>
    %mul3A_22 = arith.mulf %broadcast_in_dim3A, %mul3A_21 : vector<10000x1xf32>
    %max3A = arith.constant 1.000000e+00 : f32
    %max3A_23 = vector.broadcast %max3A : f32 to vector<10000x1xf32>
    %max3A_24 = arith.maximumf %mul3A_22, %max3A_23 : vector<10000x1xf32>
    %div3A = vector.broadcast %max3A_24 : vector<10000x1xf32> to vector<10000x128xf32>
    %div3A_25 = arith.divf %add3A, %div3A : vector<10000x128xf32>
    %get3A_26 = arith.constant 0 : index
    %get3A_27 = arith.constant 0 : index
    %get3A_28 = vector.load %arg2[%get3A_26, %get3A_27] : memref<1x10000xi32, #tpu.memory_space<vmem>>, vector<1x10000xi32>
    %iota3A = tpu.iota {dimensions = array<i32: 0>} : vector<64x10000xi32>
    %eq3A = vector.broadcast %get3A_28 : vector<1x10000xi32> to vector<64x10000xi32>
    %eq3A_29 = arith.cmpi eq, %iota3A, %eq3A : vector<64x10000xi32>
    %convert_element_type3A = arith.extui %eq3A_29 : vector<64x10000xi1> to vector<64x10000xi32>
    %convert_element_type3A_30 = arith.sitofp %convert_element_type3A : vector<64x10000xi32> to vector<64x10000xf32>
    %dot_general3A = arith.constant dense<0.000000e+00> : vector<64x128xf32>
    %dot_general3A_31 = tpu.matmul %convert_element_type3A_30, %div3A_25, %dot_general3A {dimension_numbers = #tpu.dot_dimension_numbers<[1], [0], [0], [1], [0, 0, 1, 1], [], []>, transpose_lhs_hint = false} : vector<64x10000xf32>, vector<10000x128xf32>, vector<64x128xf32> -> vector<64x128xf32>
    %get3A_32 = arith.constant 0 : index
    %get3A_33 = arith.constant 0 : index
    %get3A_34 = vector.load %arg5[%get3A_32, %get3A_33] : memref<64x128xf32, #tpu.memory_space<vmem>>, vector<64x128xf32>
    %max3A_35 = arith.constant 1.000000e+00 : f32
    %max3A_36 = vector.broadcast %max3A_35 : f32 to vector<64x128xf32>
    %max3A_37 = arith.maximumf %get3A_34, %max3A_36 : vector<64x128xf32>
    %div3A_38 = arith.constant 1.000000e+00 : f32
    %div3A_39 = vector.broadcast %div3A_38 : f32 to vector<64x128xf32>
    %div3A_40 = arith.divf %div3A_39, %max3A_37 : vector<64x128xf32>
    %mul3A_41 = arith.mulf %dot_general3A_31, %div3A_40 : vector<64x128xf32>
    %get3A_42 = arith.constant 0 : index
    %get3A_43 = arith.constant 0 : index
    %get3A_44 = vector.load %arg4[%get3A_42, %get3A_43] : memref<64x128xf32, #tpu.memory_space<vmem>>, vector<64x128xf32>
    %mul3A_45 = arith.mulf %get3A_44, %div3A_40 : vector<64x128xf32>
    %get3A_46 = arith.constant 0 : index
    %get3A_47 = arith.constant 0 : index
    %get3A_48 = vector.load %arg3[%get3A_46, %get3A_47] : memref<64x128xf32, #tpu.memory_space<vmem>>, vector<64x128xf32>
    %concatenate3A = tpu.concatenate %mul3A_41, %mul3A_45, %get3A_48 in 1 : vector<64x128xf32>, vector<64x128xf32>, vector<64x128xf32> -> vector<64x384xf32>
    %get3A_49 = arith.constant 0 : index
    %get3A_50 = arith.constant 0 : index
    %get3A_51 = vector.load %arg6[%get3A_49, %get3A_50] : memref<384x128xf32, #tpu.memory_space<vmem>>, vector<384x128xf32>
    %dot_general3A_52 = arith.constant dense<0.000000e+00> : vector<64x128xf32>
    %dot_general3A_53 = tpu.matmul %concatenate3A, %get3A_51, %dot_general3A_52 {dimension_numbers = #tpu.dot_dimension_numbers<[1], [0], [0], [1], [0, 0, 1, 1], [], []>, transpose_lhs_hint = false} : vector<64x384xf32>, vector<384x128xf32>, vector<64x128xf32> -> vector<64x128xf32>
    %get3A_54 = arith.constant 0 : index
    %get3A_55 = vector.load %arg7[%get3A_54] : memref<128xf32, #tpu.memory_space<vmem>>, vector<128xf32>
    %broadcast_in_dim3A_56 = vector.shape_cast %get3A_55 : vector<128xf32> to vector<1x128xf32>
    %add3A_57 = vector.broadcast %broadcast_in_dim3A_56 : vector<1x128xf32> to vector<64x128xf32>
    %add3A_58 = arith.addf %dot_general3A_53, %add3A_57 : vector<64x128xf32>
    %max3A_59 = arith.constant 0.000000e+00 : f32
    %max3A_60 = vector.broadcast %max3A_59 : f32 to vector<64x128xf32>
    %max3A_61 = arith.maximumf %add3A_58, %max3A_60 : vector<64x128xf32>
    %get3A_62 = arith.constant 0 : index
    %get3A_63 = arith.constant 0 : index
    %get3A_64 = vector.load %arg8[%get3A_62, %get3A_63] : memref<128x128xf32, #tpu.memory_space<vmem>>, vector<128x128xf32>
    %dot_general3A_65 = arith.constant dense<0.000000e+00> : vector<64x128xf32>
    %dot_general3A_66 = tpu.matmul %max3A_61, %get3A_64, %dot_general3A_65 {dimension_numbers = #tpu.dot_dimension_numbers<[1], [0], [0], [1], [0, 0, 1, 1], [], []>, transpose_lhs_hint = false} : vector<64x128xf32>, vector<128x128xf32>, vector<64x128xf32> -> vector<64x128xf32>
    %get3A_67 = arith.constant 0 : index
    %get3A_68 = vector.load %arg9[%get3A_67] : memref<128xf32, #tpu.memory_space<vmem>>, vector<128xf32>
    %broadcast_in_dim3A_69 = vector.shape_cast %get3A_68 : vector<128xf32> to vector<1x128xf32>
    %add3A_70 = vector.broadcast %broadcast_in_dim3A_69 : vector<1x128xf32> to vector<64x128xf32>
    %add3A_71 = arith.addf %dot_general3A_66, %add3A_70 : vector<64x128xf32>
    %max3A_72 = arith.constant 0.000000e+00 : f32
    %max3A_73 = vector.broadcast %max3A_72 : f32 to vector<64x128xf32>
    %max3A_74 = arith.maximumf %add3A_71, %max3A_73 : vector<64x128xf32>
    %get3A_75 = arith.constant 0 : index
    %get3A_76 = arith.constant 0 : index
    %get3A_77 = vector.load %arg10[%get3A_75, %get3A_76] : memref<128x128xf32, #tpu.memory_space<vmem>>, vector<128x128xf32>
    %dot_general3A_78 = arith.constant dense<0.000000e+00> : vector<64x128xf32>
    %dot_general3A_79 = tpu.matmul %max3A_74, %get3A_77, %dot_general3A_78 {dimension_numbers = #tpu.dot_dimension_numbers<[1], [0], [0], [1], [0, 0, 1, 1], [], []>, transpose_lhs_hint = false} : vector<64x128xf32>, vector<128x128xf32>, vector<64x128xf32> -> vector<64x128xf32>
    %get3A_80 = arith.constant 0 : index
    %get3A_81 = vector.load %arg11[%get3A_80] : memref<128xf32, #tpu.memory_space<vmem>>, vector<128xf32>
    %broadcast_in_dim3A_82 = vector.shape_cast %get3A_81 : vector<128xf32> to vector<1x128xf32>
    %add3A_83 = vector.broadcast %broadcast_in_dim3A_82 : vector<1x128xf32> to vector<64x128xf32>
    %add3A_84 = arith.addf %dot_general3A_79, %add3A_83 : vector<64x128xf32>
    %max3A_85 = arith.constant 0.000000e+00 : f32
    %max3A_86 = vector.broadcast %max3A_85 : f32 to vector<64x128xf32>
    %max3A_87 = arith.maximumf %add3A_84, %max3A_86 : vector<64x128xf32>
    %swap3A = arith.constant 0 : index
    %swap3A_88 = arith.constant 0 : index
    %swap3A_89 = vector.load %arg12[%swap3A, %swap3A_88] : memref<64x128xf32, #tpu.memory_space<vmem>>, vector<64x128xf32>
    tpu.vector_store %arg12[%swap3A, %swap3A_88], %max3A_87 {strides = array<i32>} : memref<64x128xf32, #tpu.memory_space<vmem>>, vector<64x128xf32>,
    return
  }
}

</mosaic_0001>

<sc_bundles>
// kernel: kernel.5.cloned.1.call-start
scs
__scs_entry_jumppad:
0x0: {  	(pc) =	sbr.rel $0x88, $3  }
0x1: {  	(tag) =	ssettag $0x0;
	lr =	simm.s32 $0x1  }
0x2: {  	[smem:$0x3F96] =	sst lr;
	_ =	strace $0xD0000000  }
0x3: {  	_ = 	snop  }
0x4: {  	_ = 	snop  }
0x5: {  	_ = 	snop  }
0x6: {  	_ = 	snop  }
0x7: {  	_ = 	snop  }
__scs_overlays_trampoline_lowered:
0x8: {  	[smem:$0x3FA5] =	sst s0  }
0x9: {  	[smem:$0x3FA6] =	sst s1  }
0xa: {  	[smem:$0x3FA7] =	sst s2  }
0xb: {  	[smem:$0x3FA8] =	sst s3  }
0xc: {  	[smem:$0x3FA9] =	sst s4  }
0xd: {  	[smem:$0x3FAA] =	sst s5  }
0xe: {  	[smem:$0x3FAB] =	sst s6  }
0xf: {  	[smem:$0x3FAC] =	sst s7  }
0x10: {  	[smem:$0x3FAD] =	sst s8  }
0x11: {  	[smem:$0x3FAE] =	sst s9;
	s0 =	simm.s32 @!p0 $0x0  }
0x12: {  	s1 =	sld [smem:$0x3F94];
	s0 =	simm.s32 @p0 $0x1  }
0x13: {  	[smem:$0x3FAF] =	sst s0;
	s0 =	simm.s32 @!p1 $0x0  }
0x14: {  	s2 =	sld [smem:$0x3F93];
	s0 =	simm.s32 @p1 $0x1  }
0x15: {  	[smem:$0x3FB0] =	sst s0;
	s0 =	simm.s32 @!p2 $0x0  }
0x16: {  	s3 =	sld [smem:$0x3FDB];
	s0 =	simm.s32 @p2 $0x1  }
0x17: {  	s4 =	simm.s32 $0x1BF5;
	[smem:$0x3FB2] =	sst s0  }
0x18: {  	s0 =	sld [smem:$0x3F95];
	_ =	swait.ge [sflag:s4], $0x0  }
0x19: {  	s7 =	sld [smem:$0x3F96]  }
0x1a: {  	s8 =	sadd.s32 $0xFFFFE003, lr  }
0x1b: {  	s9 =	sadd.s32 $0xFFFFFEF7, lr;
	s5 =	simm.s32 $0xFFFFFFFF;
	p2 =	slt.u32 s8, $0xFFFFF086  }
0x1c: {  	p1 =	slt.u32 s9, $0xF7A;
	s5 =	simm.s32 @!p2 $0x0  }
0x1d: {  	s5 =	simm.s32 @p1 $0x1;
	p0 =	seq.s32 s7, s2  }
0x1e: {  	s7 =	smul.u32 @!p0 $0xF7A, s2;
	p2 =	seq.s32 @!p0 s5, $0x0  }
0x1f: {  	s9 =	smul.u32 $0xF7A, s1;
	s8 =	simm.s32 @!p0 $0x1BF5;
	p2 =	por !p2, p0  }
0x20: {  	[sflag:s8] =	ssyncset.s32 @!p0 $0xFFFFF086;
	s6 =	sadd.s32 @!p0 s3, s7;
	s7 =	simm.s32 @!p0 $0x108  }
0x21: {  	s3 =	sadd.s32 s3, s9;
	s6 =	sadd.s32 @!p0 $0x88, s6;
	s7 =	simm.s32 @p2 $0x1082  }
0x22: {  	[simem:s7], [sflag:s8] =	dma.local @!p0 [hbm:s6], $0xF7A  }
0x23: {  	s9 =	sor.u32 $0xD0000000, s2;
	s6 =	simm.s32 $0x108;
	_ =	swait.ge @!p0 [sflag:s8], $0x0  }
0x24: {  	s3 =	sadd.s32 $0x88, s3;
	s6 =	simm.s32 @!p1 $0x1082;
	[sflag:s4] =	ssyncset.s32 $0xFFFFF086  }
0x25: {  	[simem:s6], [sflag:s4] =	dma.local [hbm:s3], $0xF7A  }
0x26: {  	[smem:$0x3F96] =	sst s1;
	(tag) =	ssettag s2;
	_ =	strace s9  }
0x27: {  	s1 =	sld [smem:$0x3FA6]  }
0x28: {  	s2 =	sld [smem:$0x3FA7]  }
0x29: {  	s4 =	sld [smem:$0x3FA9]  }
0x2a: {  	p0 =	seq.s32 s5, $0x0;
	s5 =	sld [smem:$0x3FAA]  }
0x2b: {  	s6 =	sld [smem:$0x3FAB]  }
0x2c: {  	s7 =	sld [smem:$0x3FAC]  }
0x2d: {  	s3 =	simm.s32 $0x108;
	s8 =	sld [smem:$0x3FAD]  }
0x2e: {  	s3 =	simm.s32 @!p0 $0x1082;
	s9 =	sld [smem:$0x3FAE]  }
0x2f: {  	lr =	sadd.s32 s0, s3;
	s0 =	sld [smem:$0x3FA5]  }
0x30: {  	s3 =	sld [smem:$0x3FA8]  }
0x31: {  	[smem:$0x3FB1] =	sst s10  }
0x32: {  	s10 =	sld [smem:$0x3FAF];
	_ =	sdelay $0x3  }
0x33: {  	p0 =	seq.s32 s10, $0x1;
	s10 =	sld [smem:$0x3FB1];
	_ =	sdelay $0x3  }
0x34: {  	[smem:$0x3FB1] =	sst s10  }
0x35: {  	s10 =	sld [smem:$0x3FB0];
	_ =	sdelay $0x3  }
0x36: {  	p1 =	seq.s32 s10, $0x1;
	s10 =	sld [smem:$0x3FB1];
	_ =	sdelay $0x3  }
0x37: {  	[smem:$0x3FB1] =	sst s10  }
0x38: {  	s10 =	sld [smem:$0x3FB2]  }
0x39: {  	_ = 	snop;
	(pc) =	sbr.ind lr, $3  }
0x3a: {  	_ = 	snop  }
0x3b: {  	_ = 	snop  }
0x3c: {  	p2 =	seq.s32 s10, $0x1;
	s10 =	sld [smem:$0x3FB1]  }
0x3d: {  	_ =	shalt  }
0x3e: {  	_ =	shalt  }
0x3f: {  	_ =	shalt  }
0x40: {  	_ =	shalt  }
0x41: {  	_ =	shalt  }
0x42: {  	_ =	shalt  }
0x43: {  	_ =	shalt  }
0x44: {  	_ =	shalt  }
0x45: {  	_ =	shalt  }
0x46: {  	_ =	shalt  }
0x47: {  	_ =	shalt  }
0x48: {  	_ =	shalt  }
0x49: {  	_ =	shalt  }
0x4a: {  	_ =	shalt  }
0x4b: {  	_ =	shalt  }
0x4c: {  	_ =	shalt  }
0x4d: {  	_ =	shalt  }
0x4e: {  	_ =	shalt  }
0x4f: {  	_ =	shalt  }
0x50: {  	_ =	shalt  }
0x51: {  	_ =	shalt  }
0x52: {  	_ =	shalt  }
0x53: {  	_ =	shalt  }
0x54: {  	_ =	shalt  }
0x55: {  	_ =	shalt  }
0x56: {  	_ =	shalt  }
0x57: {  	_ =	shalt  }
0x58: {  	_ =	shalt  }
0x59: {  	_ =	shalt  }
0x5a: {  	_ =	shalt  }
0x5b: {  	_ =	shalt  }
0x5c: {  	_ =	shalt  }
0x5d: {  	_ =	shalt  }
0x5e: {  	_ =	shalt  }
0x5f: {  	_ =	shalt  }
0x60: {  	_ =	shalt  }
0x61: {  	_ =	shalt  }
0x62: {  	_ =	shalt  }
0x63: {  	_ =	shalt  }
0x64: {  	_ =	shalt  }
0x65: {  	_ =	shalt  }
0x66: {  	_ =	shalt  }
0x67: {  	_ =	shalt  }
0x68: {  	_ =	shalt  }
0x69: {  	_ =	shalt  }
0x6a: {  	_ =	shalt  }
0x6b: {  	_ =	shalt  }
0x6c: {  	_ =	shalt  }
0x6d: {  	_ =	shalt  }
0x6e: {  	_ =	shalt  }
0x6f: {  	_ =	shalt  }
0x70: {  	_ =	shalt  }
0x71: {  	_ =	shalt  }
0x72: {  	_ =	shalt  }
0x73: {  	_ =	shalt  }
0x74: {  	_ =	shalt  }
0x75: {  	_ =	shalt  }
0x76: {  	_ =	shalt  }
0x77: {  	_ =	shalt  }
0x78: {  	_ =	shalt  }
0x79: {  	_ =	shalt  }
0x7a: {  	_ =	shalt  }
0x7b: {  	_ =	shalt  }
0x7c: {  	_ =	shalt  }
0x7d: {  	_ =	shalt  }
0x7e: {  	_ =	shalt  }
0x7f: {  	_ =	shalt  }
0x80: {  	_ =	shalt  }
0x81: {  	_ =	shalt  }
0x82: {  	_ =	shalt  }
0x83: {  	_ =	shalt  }
0x84: {  	_ =	shalt  }
0x85: {  	_ =	shalt  }
0x86: {  	_ =	shalt  }
0x87: {  	_ =	shalt  }
.Lfunc_end0:
.L_simem_size_0:
called_computation_lowered:
.L_overlay_start_0:
0x88: {  	s2 =	sld [smem:$0x3FD9]  }
0x89: {  	s3 =	sld [smem:$0x3FFE];
	_ =	sdelay $0x1  }
0x8a: {  	s1 =	srdreg.scid  }
0x8b: {  	s0 =	sand.u32 $0x1, s1  }
0x8c: {  	s17 =	sshll.u32 s0, $0xA;
	s2 =	sadd.s32 s3, s2  }
0x8d: {  	s2 =	sadd.s32 s2, s17  }
0x8e: {  	[smem:$0x3FBD] =	sst s2  }
0x8f: {  	_ = 	snop  }
0x90: {  	s2 =	sld [smem:$0x3FC7];
	(tm) =	ssettm $0x1  }
0x91: {  	s18 =	sld [smem:$0x3FFB];
	_ =	sdelay $0x3  }
0x92: {  	_ =	strace s18  }
0x93: {  	s3 =	sld [smem:$0x3FFC];
	_ =	sdelay $0x3  }
0x94: {  	_ =	strace s3  }
0x95: {  	s3 =	sld [smem:$0x3FFD];
	_ =	sdelay $0x3  }
0x96: {  	_ =	strace s3  }
0x97: {  	_ =	strace $0x8FFFFFFF  }
0x98: {  	s19 =	sld [smem:$0x3FDB];
	_ =	sdelay $0x1  }
0x99: {  	s4 =	simm.s32 $_scs_section_size  }
0x9a: {  	s5 =	simm.s32 $_size__tile_overlayer_lowered;
	s6 =	simm.s32 $_tile_overlayer_lowered  }
0x9b: {  	s22 =	simm.s32 $0x1BFF;
	s21 =	sshll.u32 s6, $0x1;
	s3 =	sadd.s32 s4, s19  }
0x9c: {  	s7 =	simm.s32 $0x0;
	s20 =	sshll.u32 s5, $0x1;
	s5 =	sadd.s32 s21, s3  }
0x9d: {  	[timem:s7], [sflag:s22] =	dma.local [hbm:s5], s20  }
0x9e: {  	_ =	swait.ge [sflag:s22], s20  }
0x9f: {  	s4 =	ssub.s32 $0x0, s20;
	[sflag:s22] =	ssyncset.done $0x0  }
0xa0: {  	[sflag:s22] =	ssyncadd.s32 s4;
	_ =	sdelay $0x1  }
0xa1: {  	s23 =	simm.s32 $0x1B8B  }
0xa2: {  	_ =	swait.ge [sflag:s23], $0x1  }
0xa3: {  	[sflag:s23] =	ssyncset.done $0x0  }
0xa4: {  	s25 =	simm.s32 $0x1B8E;
	s24 =	sld [smem:$0x3FFE];
	[sflag:s23] =	ssyncadd.s32 $0xFFFFFFFF  }
0xa5: {  	s26 =	simm.s32 $execute0_lowered;
	[smem:$0x3FD2] =	sst s25  }
0xa6: {  	s5 =	sshll.u32 s26, $0x1;
	_ =	strace $0x80000046;
	[dreg:$0x1] =	wrdreg $0xFFFFFFFF  }
0xa7: {  	s28 =	simm.s32 $_size_execute0_lowered;
	s3 =	sadd.s32 s3, s5;
	[dreg:$0x0] =	wrdreg $0x0  }
0xa8: {  	s5 =	sshll.u32 s28, $0x1;
	[dreg:$0x2] =	wrdreg s3  }
0xa9: {  	[dreg:$0x3] =	wrdreg s5  }
0xaa: {  	[dreg:$0x4] =	wrdreg $0xC0  }
0xab: {  	_ =	task [dreg:s7], $0x5FFFF  }
0xac: {  	[dreg:$0x1] =	wrdreg $0xFFFFFFFF  }
0xad: {  	[dreg:$0x0] =	wrdreg $0x60  }
0xae: {  	[dreg:$0x2] =	wrdreg s2  }
0xaf: {  	[dreg:$0x3] =	wrdreg s24  }
0xb0: {  	[dreg:$0x4] =	wrdreg $0x82F00  }
0xb1: {  	[dreg:$0x5] =	wrdreg $0x1BB700  }
0xb2: {  	[dreg:$0x6] =	wrdreg $0x9  }
0xb3: {  	_ =	task.clear_ibuf [dreg:s7], $0x7FFFF;
	_ =	strace $0x90000046  }
0xb4: {  	s29 =	simm.s32 $0x9;
	_ =	strace $0x80000048  }
0xb5: {  	_ =	swait.ge [sflag:s29], $0x1  }
0xb6: {  	[sflag:s29] =	ssyncadd.s32 $0xFFFFFFFF  }
0xb7: {  	_ =	strace $0x90000048  }
0xb8: {  	_ =	sfence  }
0xb9: {  	s30 =	sld [smem:$0x0];
	_ =	sdelay $0x2  }
0xba: {  	s31 =	sshll.u32 s1, $0xD;
	s1 =	sshrl.u32 s1, $0x2  }
0xbb: {  	s3 =	sand.u32 $0x4000, s31;
	s1 =	sadd.s32 s1, s30  }
0xbc: {  	s0 =	sor.u32 s3, s0;
	s1 =	sshll.u32 s1, $0x11  }
0xbd: {  	s0 =	sor.u32 s1, s0  }
0xbe: {  	s0 =	sadd.s32 $0x8F2B, s0  }
0xbf: {  	[sflag:s0] =	ssyncadd.remote.s32 $0x1  }
0xc0: {  	_ =	sfence.sel $0xFFFF  }
0xc1: {  	[dreg:$0x0] =	wrdreg $0xFFFFFFFF;
	(pc) =	sbr.abs _section_cstart, $3  }
0xc2: {  	[dreg:$0x1] =	wrdreg $0xFFFFFFFF  }
0xc3: {  	_ =	task.clear_ibuf [dreg:s7], $0x2FFFF;
	_ =	strace $0x9FFFFFFF  }
0xc4: {  	(tm) =	ssettm $0x7FFFFFFF  }
0xc5: {  	_ =	shalt  }
tec
execute0_lowered:
.L_overlay_start_1:
0x0: {  	(tag) =	ssettag $0x1  }
0x1: {  	s3 =	rddreg [dreg:$0x0]  }
0x2: {  	s0 =	rddreg [dreg:$0x1]  }
0x3: {  	s1 =	rddreg [dreg:$0x2]  }
0x4: {  	s4 =	srdreg.scid;
	s19 =	stileid.u32  }
0x5: {  	s2 =	rddreg [dreg:$0x3];
	s5 =	sand.u32 $0x1, s4;
	s17 =	smul.u32 $0x2710, s19  }
0x6: {  	s29 =	simm.s32 $0xD;
	s30 =	simm.s32 $0x0;
	s23 =	smul.u32 $0x138800, s5  }
0x7: {  	s4 =	simm.s32 $0x0;
	s6 =	sshll.u32 s5, $0x4;
	s15 =	smul.u32 $0x27100, s5  }
0x8: {  	s9 =	ssub.s32 $0x2, s5;
	s5 =	smul.u32 $0x4E20, s5;
	s6 =	sor.u32 s19, s6  }
0x9: {  	s8 =	sadd.s32 $0x1A00, s0;
	s11 =	sadd.s32 $0x15600, s0;
	s7 =	smul.u32 $0x2710, s6  }
0xa: {  	s14 =	sadd.s32 $0xB800, s0;
	p0 =	sne.s32 s19, $0xF;
	s10 =	smul.u32 $0x27100, s6  }
0xb: {  	[smem:$0x7FF] =	sst s4;
	s12 =	sshrl.u32 s9, $0x1;
	s13 =	smul.u32 $0x4E2, s6  }
0xc: {  	_ =	strace $0x80000047;
	s0 =	ssub.s32 s9, s12;
	s6 =	smul.u32 $0x138800, s6  }
0xd: {  	s9 =	smul.u32 $0x270, s19;
	s12 =	sshrl.u32 s23, $0x3;
	s20 =	sadd.s32 s17, s15  }
0xe: {  	s5 =	sadd.s32 s5, s8;
	s0 =	smax.u32 s0, $0x1;
	s21 =	sadd.s32 s3, s10  }
0xf: {  	s22 =	sadd.s32 s8, s13;
	s6 =	sshrl.u32 s6, $0x3;
	s7 =	sshrl.u32 s7, $0x3  }
0x10: {  	s10 =	smul.u32 $0x13800, s19;
	s16 =	sadd.s32 $0xA0, s9;
	[dreg:$0x1f] =	wrdreg s0  }
0x11: {  	s18 =	sadd.s32 $0xF0, s9;
	s17 =	sadd.s32 $0x140, s9;
	[dreg:$0x7] =	wrdreg s21  }
0x12: {  	[dreg:$0x8] =	wrdreg s22;
	s6 =	sadd.s32 s3, s6;
	s7 =	sadd.s32 s8, s7  }
0x13: {  	s21 =	sshrl.u32 s15, $0x3;
	s8 =	sadd.s32 $0x1E0, s9;
	s6 =	sadd.s32 $0x500, s6  }
0x14: {  	s24 =	sadd.s32 $0xA, s7;
	s7 =	sadd.s32 $0x50, s9;
	s25 =	sadd.s32 s10, s23  }
0x15: {  	s23 =	smul.u32 $0x4E2, s19;
	s28 =	sadd.s32 s10, s1;
	[dreg:$0x9] =	wrdreg s6  }
0x16: {  	[dreg:$0xa] =	wrdreg s24;
	s6 =	smul.u32 $0x2700, s19;
	s13 =	sshrl.u32 s25, $0x3  }
0x17: {  	s25 =	sshll.u32 s7, $0x7;
	s7 =	sshll.u32 s7, $0x4;
	[dreg:$0xd] =	wrdreg s28  }
0x18: {  	s13 =	sadd.s32 s11, s13;
	s11 =	sadd.s32 s11, s12;
	s12 =	sshll.u32 s20, $0x4  }
0x19: {  	s5 =	sadd.s32 s23, s5;
	s10 =	sadd.s32 s25, s1;
	s20 =	sshll.u32 s18, $0x7  }
0x1a: {  	[dreg:$0xb] =	wrdreg s13;
	s26 =	sadd.s32 s6, s15;
	s3 =	sadd.s32 s3, s12  }
0x1b: {  	s12 =	sadd.s32 s14, s21;
	[dreg:$0xe] =	wrdreg s10;
	s10 =	sadd.s32 s20, s1  }
0x1c: {  	s21 =	sshll.u32 s17, $0x7;
	s31 =	sadd.s32 s6, s2;
	s13 =	sshrl.u32 s26, $0x3  }
0x1d: {  	s22 =	sadd.s32 $0x1400, s3;
	s24 =	sadd.s32 $0xF00, s3;
	[dreg:$0x10] =	wrdreg s10  }
0x1e: {  	s26 =	sshll.u32 s16, $0x7;
	s10 =	sadd.s32 s21, s1;
	[dreg:$0x15] =	wrdreg s31  }
0x1f: {  	s0 =	sadd.s32 $0xA00, s3;
	s13 =	sadd.s32 s14, s13;
	[dreg:$0x5] =	wrdreg s22  }
0x20: {  	s14 =	sadd.s32 $0x190, s9;
	s9 =	sadd.s32 $0x230, s9;
	[dreg:$0x6] =	wrdreg s24  }
0x21: {  	s15 =	sadd.s32 s26, s1;
	[dreg:$0x11] =	wrdreg s10;
	s24 =	sshll.u32 s8, $0x7  }
0x22: {  	s26 =	sadd.s32 s7, s2;
	s7 =	sshll.u32 s16, $0x4;
	[dreg:$0xc] =	wrdreg s13  }
0x23: {  	[dreg:$0xf] =	wrdreg s15;
	s22 =	sshll.u32 s14, $0x7;
	s10 =	sadd.s32 s24, s1  }
0x24: {  	s25 =	sshll.u32 s9, $0x7;
	[dreg:$0x16] =	wrdreg s26;
	s13 =	sshll.u32 s17, $0x4  }
0x25: {  	s6 =	sadd.s32 s7, s2;
	s17 =	sshll.u32 s14, $0x4;
	s20 =	sshll.u32 s9, $0x4  }
0x26: {  	s24 =	sadd.s32 $0x4E00, s12;
	s26 =	sadd.s32 $0x27000, s2;
	[dreg:$0x13] =	wrdreg s10  }
0x27: {  	s7 =	simm.s32 $0x2800;
	s9 =	simm.s32 $0x5000;
	[dreg:$0x17] =	wrdreg s6  }
0x28: {  	s12 =	simm.s32 $0x7;
	s14 =	simm.s32 $0x4;
	[dreg:$0x1e] =	wrdreg s24  }
0x29: {  	s23 =	sadd.s32 s22, s1;
	s10 =	sadd.s32 s25, s1;
	[smem:$0x7FD] =	sst s26  }
0x2a: {  	s16 =	sadd.s32 s13, s2;
	s6 =	sadd.s32 s17, s2;
	[dreg:$0x12] =	wrdreg s23  }
0x2b: {  	s22 =	sadd.s32 s20, s2;
	s25 =	sadd.s32 $0x138000, s1;
	[dreg:$0x14] =	wrdreg s10  }
0x2c: {  	s13 =	simm.s32 $0x1;
	s17 =	simm.s32 $0x78A0;
	[dreg:$0x19] =	wrdreg s16  }
0x2d: {  	s20 =	simm.s32 $0x5;
	s24 =	simm.s32 $0x8;
	[dreg:$0x1a] =	wrdreg s6  }
0x2e: {  	s10 =	sshll.u32 s18, $0x4;
	s18 =	sshll.u32 s8, $0x4;
	[dreg:$0x1c] =	wrdreg s22  }
0x2f: {  	s23 =	sadd.s32 $0x27000, s11;
	s11 =	sadd.s32 $0x28, s5;
	[smem:$0x7FC] =	sst s25  }
0x30: {  	s6 =	simm.s32 $0x7800;
	s8 =	simm.s32 $0x7850;
	s16 =	simm.s32 $0x78F0  }
0x31: {  	s22 =	simm.s32 $0x3;
	s25 =	simm.s32 $0xB;
	s15 =	sadd.s32 s10, s2  }
0x32: {  	s21 =	sadd.s32 s18, s2;
	[dreg:$0x1d] =	wrdreg s23;
	s10 =	simm.s32 $0x7DF0  }
0x33: {  	s18 =	simm.s32 $0x2;
	s23 =	simm.s32 $0x6;
	[dreg:$0x18] =	wrdreg s15  }
0x34: {  	v0 =	vimm.f32 $1.000000000e+00;
	v1 =	vimm.f32 $0.0e+00;
	[dreg:$0x1b] =	wrdreg s21;
	s15 =	simm.s32 $0x50;
	s21 =	simm.s32 $0xA  }
.LBB2_1:
0x35: {  	s3 =	rddreg [dreg:$0x7]  }
0x36: {  	[tilespmem:s4], [sflag:$0x1] =	stream.linear.gather [hbm4b:s3+s4], $0x2800, $0x38;
	[tilespmem:$0x1E280] =	vst v63  }
0x37: {  	s5 =	rddreg [dreg:$0x8]  }
0x38: {  	[tilespmem:s6], [sflag:$0x4] =	stream.linear.gather [hbm4b:s5+s4], $0x50, $0x38;
	[tilespmem:$0x1E280] =	vst v63  }
0x39: {  	s19 =	rddreg [dreg:$0x9]  }
0x3a: {  	[tilespmem:s7], [sflag:$0x2] =	stream.linear.gather [hbm4b:s19+s4], $0x2800, $0x38;
	[tilespmem:$0x1E280] =	vst v63  }
0x3b: {  	s26 =	rddreg [dreg:$0xa]  }
0x3c: {  	[tilespmem:s8], [sflag:$0x5] =	stream.linear.gather [hbm4b:s26+s4], $0x50, $0x38;
	[tilespmem:$0x1E280] =	vst v63  }
0x3d: {  	s19 =	simm.s32 $0x40;
	s26 =	simm.s32 $0x0  }
.LBB2_2:
0x3e: {  	p1 =	sne.s32 s19, $0x13C0;
	[tilespmem:s26+$0x78F0] =	vst v0;
	s26 =	smov.u32 s19;
	s19 =	sadd.s32 $0x40, s19  }
.Ltmp0:
0x3f: {  	(pc) =	sbr.rel @p1 .LBB2_2-.Ltmp0, $2  }
0x40: {  	_ =	sdelay $0x2  }
0x41: {  	s26 =	sshra.s32 s26, $0x2  }
0x42: {  	[tilespmem:s26+$0x78F0] =	vst v0;
	s19 =	simm.s32 $0x40;
	s26 =	simm.s32 $0x0  }
.LBB2_4:
0x43: {  	p1 =	sne.s32 s19, $0x13C0;
	[tilespmem:s26+$0x7DF0] =	vst v1;
	s26 =	smov.u32 s19;
	s19 =	sadd.s32 $0x40, s19  }
.Ltmp1:
0x44: {  	(pc) =	sbr.rel @p1 .LBB2_4-.Ltmp1, $2  }
0x45: {  	_ =	sdelay $0x2  }
0x46: {  	s26 =	sshra.s32 s26, $0x2  }
0x47: {  	[tilespmem:s26+$0x7DF0] =	vst v1;
	s19 =	simm.s32 $0x0;
	s26 =	simm.s32 $0x200  }
.LBB2_6:
0x48: {  	p1 =	sne.s32 s26, $0x9E00;
	[tilespmem:s19+$0x5070] =	vst v1  }
0x49: {  	[tilespmem:s19+$0x5000] =	vst v1  }
0x4a: {  	[tilespmem:s19+$0x5010] =	vst v1  }
.Ltmp2:
0x4b: {  	[tilespmem:s19+$0x5020] =	vst v1;
	(pc) =	sbr.rel @p1 .LBB2_6-.Ltmp2, $4  }
0x4c: {  	[tilespmem:s19+$0x5030] =	vst v1  }
0x4d: {  	[tilespmem:s19+$0x5040] =	vst v1  }
0x4e: {  	[tilespmem:s19+$0x5050] =	vst v1  }
0x4f: {  	[tilespmem:s19+$0x5060] =	vst v1;
	s19 =	sshra.s32 s26, $0x2;
	s26 =	sadd.s32 $0x200, s26  }
0x50: {  	[tilespmem:s19+$0x5070] =	vst v1  }
0x51: {  	[tilespmem:s19+$0x5000] =	vst v1  }
0x52: {  	[tilespmem:s19+$0x5010] =	vst v1  }
0x53: {  	[tilespmem:s19+$0x5020] =	vst v1  }
0x54: {  	[tilespmem:s19+$0x5030] =	vst v1  }
0x55: {  	[tilespmem:s19+$0x5040] =	vst v1  }
0x56: {  	[tilespmem:s19+$0x5050] =	vst v1  }
0x57: {  	[tilespmem:s19+$0x5060] =	vst v1  }
0x58: {  	[spmem:s28] =	stream.linear.scatter [tilespmem:s9], [sflag:$0x7], $0x2800, $0x38;
	[tilespmem:$0x1E280] =	vst v63  }
0x59: {  	s3 =	rddreg [dreg:$0xe]  }
0x5a: {  	[spmem:s3] =	stream.linear.scatter [tilespmem:s9], [sflag:$0x7], $0x2800, $0x38;
	[tilespmem:$0x1E280] =	vst v63  }
0x5b: {  	s26 =	rddreg [dreg:$0xf]  }
0x5c: {  	[spmem:s26] =	stream.linear.scatter [tilespmem:s9], [sflag:$0x7], $0x2800, $0x38;
	[tilespmem:$0x1E280] =	vst v63  }
0x5d: {  	s5 =	rddreg [dreg:$0x10]  }
0x5e: {  	[spmem:s5] =	stream.linear.scatter [tilespmem:s9], [sflag:$0x7], $0x2800, $0x38;
	[tilespmem:$0x1E280] =	vst v63  }
0x5f: {  	s19 =	rddreg [dreg:$0x11]  }
0x60: {  	[spmem:s19] =	stream.linear.scatter [tilespmem:s9], [sflag:$0x7], $0x2800, $0x38;
	[tilespmem:$0x1E280] =	vst v63  }
0x61: {  	s26 =	rddreg [dreg:$0x12]  }
0x62: {  	[spmem:s26] =	stream.linear.scatter [tilespmem:s9], [sflag:$0x7], $0x2800, $0x38;
	[tilespmem:$0x1E280] =	vst v63  }
0x63: {  	s5 =	rddreg [dreg:$0x13]  }
0x64: {  	[spmem:s5] =	stream.linear.scatter [tilespmem:s9], [sflag:$0x7], $0x2800, $0x38;
	[tilespmem:$0x1E280] =	vst v63  }
0x65: {  	s19 =	rddreg [dreg:$0x14]  }
0x66: {  	[spmem:s19] =	stream.linear.scatter [tilespmem:s9], [sflag:$0x7], $0x2000, $0x38;
	[tilespmem:$0x1E280] =	vst v63  }
0x67: {  	s3 =	sld [smem:$0x7FC]  }
0x68: {  	[spmem:s31] =	stream.linear.scatter [tilespmem:s10], [sflag:$0x7], $0x500, $0x38;
	[tilespmem:$0x1E280] =	vst v63  }
0x69: {  	s26 =	rddreg [dreg:$0x16]  }
0x6a: {  	[spmem:s26] =	stream.linear.scatter [tilespmem:s10], [sflag:$0x7], $0x500, $0x38;
	[tilespmem:$0x1E280] =	vst v63  }
0x6b: {  	s5 =	rddreg [dreg:$0x17]  }
0x6c: {  	[spmem:s5] =	stream.linear.scatter [tilespmem:s10], [sflag:$0x7], $0x500, $0x38;
	[tilespmem:$0x1E280] =	vst v63  }
0x6d: {  	s19 =	rddreg [dreg:$0x18]  }
0x6e: {  	[spmem:s19] =	stream.linear.scatter [tilespmem:s10], [sflag:$0x7], $0x500, $0x38;
	[tilespmem:$0x1E280] =	vst v63  }
0x6f: {  	s26 =	rddreg [dreg:$0x19]  }
0x70: {  	[spmem:s26] =	stream.linear.scatter [tilespmem:s10], [sflag:$0x7], $0x500, $0x38;
	[tilespmem:$0x1E280] =	vst v63  }
0x71: {  	s5 =	rddreg [dreg:$0x1a]  }
0x72: {  	[spmem:s5] =	stream.linear.scatter [tilespmem:s10], [sflag:$0x7], $0x500, $0x38;
	[tilespmem:$0x1E280] =	vst v63  }
0x73: {  	s19 =	rddreg [dreg:$0x1b]  }
0x74: {  	[spmem:s19] =	stream.linear.scatter [tilespmem:s10], [sflag:$0x7], $0x500, $0x38;
	[tilespmem:$0x1E280] =	vst v63  }
0x75: {  	s26 =	rddreg [dreg:$0x1c]  }
0x76: {  	[spmem:s26] =	stream.linear.scatter [tilespmem:s10], [sflag:$0x7], $0x400, $0x38;
	[tilespmem:$0x1E280] =	vst v63  }
0x77: {  	s19 =	simm.s32 @!p0 $0x5000  }
0x78: {  	[spmem:s3] =	stream.linear.scatter @!p0 [tilespmem:s19], [sflag:$0xD], $0x800, $0x38;
	[tilespmem:$0x1E280] =	vst v63  }
0x79: {  	s19 =	simm.s32 @!p0 $0xD  }
0x7a: {  	_ =	swait.ge @!p0 [sflag:s19], $0x800  }
0x7b: {  	s3 =	sld [smem:$0x7FD]  }
0x7c: {  	[sflag:s19] =	ssyncset.done @!p0 $0x0  }
0x7d: {  	s26 =	simm.s32 @!p0 $0x7DF0;
	[sflag:s19] =	ssyncadd.s32 @!p0 $0xFFFFF800  }
0x7e: {  	[spmem:s3] =	stream.linear.scatter @!p0 [tilespmem:s26], [sflag:$0xD], $0x100, $0x38;
	[tilespmem:$0x1E280] =	vst v63  }
0x7f: {  	_ =	swait.ge @!p0 [sflag:s19], $0x100  }
0x80: {  	[sflag:s19] =	ssyncset.done @!p0 $0x0  }
0x81: {  	[sflag:s19] =	ssyncadd.s32 @!p0 $0xFFFFFF00  }
0x82: {  	_ =	swait.ge [sflag:s12], $0x2800  }
0x83: {  	[sflag:s12] =	ssyncset.done $0x0  }
0x84: {  	[sflag:s12] =	ssyncadd.s32 $0xFFFFD800  }
0x85: {  	_ =	swait.ge [sflag:s12], $0x2800  }
0x86: {  	[sflag:s12] =	ssyncset.done $0x0  }
0x87: {  	[sflag:s12] =	ssyncadd.s32 $0xFFFFD800  }
0x88: {  	_ =	swait.ge [sflag:s12], $0x2800  }
0x89: {  	[sflag:s12] =	ssyncset.done $0x0  }
0x8a: {  	[sflag:s12] =	ssyncadd.s32 $0xFFFFD800  }
0x8b: {  	_ =	swait.ge [sflag:s12], $0x2800  }
0x8c: {  	[sflag:s12] =	ssyncset.done $0x0  }
0x8d: {  	[sflag:s12] =	ssyncadd.s32 $0xFFFFD800  }
0x8e: {  	_ =	swait.ge [sflag:s12], $0x2800  }
0x8f: {  	[sflag:s12] =	ssyncset.done $0x0  }
0x90: {  	[sflag:s12] =	ssyncadd.s32 $0xFFFFD800  }
0x91: {  	_ =	swait.ge [sflag:s12], $0x2800  }
0x92: {  	[sflag:s12] =	ssyncset.done $0x0  }
0x93: {  	[sflag:s12] =	ssyncadd.s32 $0xFFFFD800  }
0x94: {  	_ =	swait.ge [sflag:s12], $0x2800  }
0x95: {  	[sflag:s12] =	ssyncset.done $0x0  }
0x96: {  	[sflag:s12] =	ssyncadd.s32 $0xFFFFD800  }
0x97: {  	_ =	swait.ge [sflag:s12], $0x2000  }
0x98: {  	[sflag:s12] =	ssyncset.done $0x0  }
0x99: {  	[sflag:s12] =	ssyncadd.s32 $0xFFFFE000  }
0x9a: {  	_ =	swait.ge [sflag:s12], $0x500  }
0x9b: {  	[sflag:s12] =	ssyncset.done $0x0  }
0x9c: {  	[sflag:s12] =	ssyncadd.s32 $0xFFFFFB00  }
0x9d: {  	_ =	swait.ge [sflag:s12], $0x500  }
0x9e: {  	[sflag:s12] =	ssyncset.done $0x0  }
0x9f: {  	[sflag:s12] =	ssyncadd.s32 $0xFFFFFB00  }
0xa0: {  	_ =	swait.ge [sflag:s12], $0x500  }
0xa1: {  	[sflag:s12] =	ssyncset.done $0x0  }
0xa2: {  	[sflag:s12] =	ssyncadd.s32 $0xFFFFFB00  }
0xa3: {  	_ =	swait.ge [sflag:s12], $0x500  }
0xa4: {  	[sflag:s12] =	ssyncset.done $0x0  }
0xa5: {  	[sflag:s12] =	ssyncadd.s32 $0xFFFFFB00  }
0xa6: {  	_ =	swait.ge [sflag:s12], $0x500  }
0xa7: {  	[sflag:s12] =	ssyncset.done $0x0  }
0xa8: {  	[sflag:s12] =	ssyncadd.s32 $0xFFFFFB00  }
0xa9: {  	_ =	swait.ge [sflag:s12], $0x500  }
0xaa: {  	[sflag:s12] =	ssyncset.done $0x0  }
0xab: {  	[sflag:s12] =	ssyncadd.s32 $0xFFFFFB00  }
0xac: {  	_ =	swait.ge [sflag:s12], $0x500  }
0xad: {  	[sflag:s12] =	ssyncset.done $0x0  }
0xae: {  	[sflag:s12] =	ssyncadd.s32 $0xFFFFFB00  }
0xaf: {  	_ =	swait.ge [sflag:s12], $0x400  }
0xb0: {  	[sflag:s12] =	ssyncset.done $0x0  }
0xb1: {  	[sflag:s12] =	ssyncadd.s32 $0xFFFFFC00  }
0xb2: {  	[bflag:$0x0] =	sbarrier.arrive $0xFFFF  }
0xb3: {  	_ =	swait.ge [sflag:s13], $0x2800  }
0xb4: {  	[sflag:s13] =	ssyncset.done $0x0  }
0xb5: {  	[sflag:s13] =	ssyncadd.s32 $0xFFFFD800  }
0xb6: {  	_ =	swait.ge [sflag:s14], $0x50  }
0xb7: {  	[sflag:s14] =	ssyncset.done $0x0  }
0xb8: {  	p1 =	por $0x1, $0x1;
	[sflag:s14] =	ssyncadd.s32 $0xFFFFFFB0  }
0xb9: {  	[spmem:s1] =	stream.indirect.scatter.add.f32 [tilespmem:s4], [sflag:$0x7], $0x80, s6, s15, $0xb8;
	[tilespmem:$0x1E280] =	vst v63  }
0xba: {  	s19 =	simm.s32 @!p1 $0x9  }
0xbb: {  	[spmem:s2] =	stream.indirect.scatter.add.f32 [tilespmem:s16], [sflag:$0xA], $0x10, s6, s15, $0xb8;
	[tilespmem:$0x1E280] =	vst v63  }
0xbc: {  	_ =	swait.ge @!p1 [sflag:s19], $0x2800  }
0xbd: {  	[sflag:s19] =	ssyncset.done @!p1 $0x0  }
0xbe: {  	s26 =	simm.s32 @!p1 $0xC;
	[sflag:s19] =	ssyncadd.s32 @!p1 $0xFFFFD800  }
0xbf: {  	_ =	swait.ge @!p1 [sflag:s26], $0x500  }
0xc0: {  	[sflag:s26] =	ssyncset.done @!p1 $0x0  }
0xc1: {  	s5 =	sadd.s32 $0x0, s0;
	[sflag:s26] =	ssyncadd.s32 @!p1 $0xFFFFFB00  }
0xc2: {  	[tilespmem:s9], [sflag:$0x3] =	stream.linear.gather [hbm4b:s5+s4], $0x2800, $0x38;
	[tilespmem:$0x1E280] =	vst v63  }
0xc3: {  	s26 =	sadd.s32 $0xFFFFFFEC, s11  }
0xc4: {  	[tilespmem:s17], [sflag:$0x6] =	stream.linear.gather [hbm4b:s26+s4], $0x50, $0x38;
	[tilespmem:$0x1E280] =	vst v63  }
0xc5: {  	_ =	swait.ge [sflag:s18], $0x2800  }
0xc6: {  	[sflag:s18] =	ssyncset.done $0x0  }
0xc7: {  	[sflag:s18] =	ssyncadd.s32 $0xFFFFD800  }
0xc8: {  	_ =	swait.ge [sflag:s20], $0x50  }
0xc9: {  	[sflag:s20] =	ssyncset.done $0x0  }
0xca: {  	[sflag:s20] =	ssyncadd.s32 $0xFFFFFFB0  }
0xcb: {  	[spmem:s1] =	stream.indirect.scatter.add.f32 [tilespmem:s7], [sflag:$0x8], $0x80, s8, s15, $0xb8;
	[tilespmem:$0x1E280] =	vst v63  }
0xcc: {  	_ = 	snop  }
0xcd: {  	[spmem:s2] =	stream.indirect.scatter.add.f32 [tilespmem:s16], [sflag:$0xB], $0x10, s8, s15, $0xb8;
	[tilespmem:$0x1E280] =	vst v63  }
0xce: {  	_ =	swait.ge [sflag:s12], $0x2800  }
0xcf: {  	[sflag:s12] =	ssyncset.done $0x0  }
0xd0: {  	[sflag:s12] =	ssyncadd.s32 $0xFFFFD800  }
0xd1: {  	_ =	swait.ge [sflag:s21], $0x500  }
0xd2: {  	s3 =	rddreg [dreg:$0x6];
	[sflag:s21] =	ssyncset.done $0x0  }
0xd3: {  	[sflag:s21] =	ssyncadd.s32 $0xFFFFFB00;
	s19 =	sadd.s32 $0x0, s3  }
0xd4: {  	[tilespmem:s4], [sflag:$0x1] =	stream.linear.gather [hbm4b:s19+s4], $0x2800, $0x38;
	[tilespmem:$0x1E280] =	vst v63  }
0xd5: {  	s5 =	sadd.s32 $0xFFFFFFF6, s11  }
0xd6: {  	[tilespmem:s6], [sflag:$0x4] =	stream.linear.gather [hbm4b:s5+s4], $0x50, $0x38;
	[tilespmem:$0x1E280] =	vst v63  }
0xd7: {  	_ =	swait.ge [sflag:s22], $0x2800  }
0xd8: {  	[sflag:s22] =	ssyncset.done $0x0  }
0xd9: {  	[sflag:s22] =	ssyncadd.s32 $0xFFFFD800  }
0xda: {  	_ =	swait.ge [sflag:s23], $0x50  }
0xdb: {  	[sflag:s23] =	ssyncset.done $0x0  }
0xdc: {  	[sflag:s23] =	ssyncadd.s32 $0xFFFFFFB0  }
0xdd: {  	[spmem:s1] =	stream.indirect.scatter.add.f32 [tilespmem:s9], [sflag:$0x9], $0x80, s17, s15, $0xb8;
	[tilespmem:$0x1E280] =	vst v63  }
0xde: {  	_ = 	snop  }
0xdf: {  	[spmem:s2] =	stream.indirect.scatter.add.f32 [tilespmem:s16], [sflag:$0xC], $0x10, s17, s15, $0xb8;
	[tilespmem:$0x1E280] =	vst v63  }
0xe0: {  	_ =	swait.ge [sflag:s24], $0x2800  }
0xe1: {  	[sflag:s24] =	ssyncset.done $0x0  }
0xe2: {  	[sflag:s24] =	ssyncadd.s32 $0xFFFFD800  }
0xe3: {  	s28 =	smov.u32 s11;
	_ =	swait.ge [sflag:s25], $0x500  }
0xe4: {  	s31 =	smov.u32 s11;
	s26 =	rddreg [dreg:$0x5];
	[sflag:s25] =	ssyncset.done $0x0  }
0xe5: {  	[sflag:s25] =	ssyncadd.s32 $0xFFFFFB00;
	s19 =	sadd.s32 $0x0, s26;
	s26 =	simm.s32 $0xF00  }
0xe6: {  	[tilespmem:s7], [sflag:$0x2] =	stream.linear.gather [hbm4b:s19+s4], $0x2800, $0x38;
	[tilespmem:$0x1E280] =	vst v63  }
.LBB2_8:
0xe7: {  	[tilespmem:s8], [sflag:$0x5] =	stream.linear.gather [hbm4b:s28+s4], $0x50, $0x38;
	[tilespmem:$0x1E280] =	vst v63  }
0xe8: {  	_ =	swait.ge [sflag:s13], $0x2800  }
0xe9: {  	[sflag:s13] =	ssyncset.done $0x0  }
0xea: {  	[sflag:s13] =	ssyncadd.s32 $0xFFFFD800  }
0xeb: {  	_ =	swait.ge [sflag:s14], $0x50  }
0xec: {  	s19 =	smov.u32 s26;
	[sflag:s14] =	ssyncset.done $0x0  }
0xed: {  	p2 =	seq.s32 s19, $0x0;
	[sflag:s14] =	ssyncadd.s32 $0xFFFFFFB0  }
0xee: {  	[spmem:s1] =	stream.indirect.scatter.add.f32 [tilespmem:s4], [sflag:$0x7], $0x80, s6, s15, $0xb8;
	[tilespmem:$0x1E280] =	vst v63  }
0xef: {  	s3 =	simm.s32 @!p2 $0x9  }
0xf0: {  	[spmem:s2] =	stream.indirect.scatter.add.f32 [tilespmem:s16], [sflag:$0xA], $0x10, s6, s15, $0xb8;
	[tilespmem:$0x1E280] =	vst v63  }
0xf1: {  	_ =	swait.ge @!p2 [sflag:s3], $0x2800  }
0xf2: {  	[sflag:s3] =	ssyncset.done @!p2 $0x0  }
0xf3: {  	s5 =	simm.s32 @!p2 $0xC;
	[sflag:s3] =	ssyncadd.s32 @!p2 $0xFFFFD800  }
0xf4: {  	_ =	swait.ge @!p2 [sflag:s5], $0x500  }
0xf5: {  	[sflag:s5] =	ssyncset.done @!p2 $0x0  }
0xf6: {  	s31 =	sadd.s32 $0x1E, s31;
	s3 =	sadd.s32 s19, s0;
	[sflag:s5] =	ssyncadd.s32 @!p2 $0xFFFFFB00  }
0xf7: {  	[tilespmem:s9], [sflag:$0x3] =	stream.linear.gather [hbm4b:s3+s4], $0x2800, $0x38;
	[tilespmem:$0x1E280] =	vst v63  }
0xf8: {  	s5 =	sadd.s32 $0xFFFFFFEC, s31  }
0xf9: {  	[tilespmem:s17], [sflag:$0x6] =	stream.linear.gather [hbm4b:s5+s4], $0x50, $0x38;
	[tilespmem:$0x1E280] =	vst v63  }
0xfa: {  	_ =	swait.ge [sflag:s18], $0x2800  }
0xfb: {  	[sflag:s18] =	ssyncset.done $0x0  }
0xfc: {  	[sflag:s18] =	ssyncadd.s32 $0xFFFFD800  }
0xfd: {  	_ =	swait.ge [sflag:s20], $0x50  }
0xfe: {  	[sflag:s20] =	ssyncset.done $0x0  }
0xff: {  	[sflag:s20] =	ssyncadd.s32 $0xFFFFFFB0  }
0x100: {  	[spmem:s1] =	stream.indirect.scatter.add.f32 [tilespmem:s7], [sflag:$0x8], $0x80, s8, s15, $0xb8;
	[tilespmem:$0x1E280] =	vst v63  }
0x101: {  	_ = 	snop  }
0x102: {  	[spmem:s2] =	stream.indirect.scatter.add.f32 [tilespmem:s16], [sflag:$0xB], $0x10, s8, s15, $0xb8;
	[tilespmem:$0x1E280] =	vst v63  }
0x103: {  	_ =	swait.ge [sflag:s12], $0x2800  }
0x104: {  	[sflag:s12] =	ssyncset.done $0x0  }
0x105: {  	[sflag:s12] =	ssyncadd.s32 $0xFFFFD800  }
0x106: {  	_ =	swait.ge [sflag:s21], $0x500  }
0x107: {  	s5 =	rddreg [dreg:$0x6];
	[sflag:s21] =	ssyncset.done $0x0  }
0x108: {  	[sflag:s21] =	ssyncadd.s32 $0xFFFFFB00;
	s3 =	sadd.s32 s19, s5  }
0x109: {  	[tilespmem:s4], [sflag:$0x1] =	stream.linear.gather [hbm4b:s3+s4], $0x2800, $0x38;
	[tilespmem:$0x1E280] =	vst v63  }
0x10a: {  	s5 =	sadd.s32 $0xFFFFFFF6, s31  }
0x10b: {  	[tilespmem:s6], [sflag:$0x4] =	stream.linear.gather [hbm4b:s5+s4], $0x50, $0x38;
	[tilespmem:$0x1E280] =	vst v63  }
0x10c: {  	_ =	swait.ge [sflag:s22], $0x2800  }
0x10d: {  	[sflag:s22] =	ssyncset.done $0x0  }
0x10e: {  	[sflag:s22] =	ssyncadd.s32 $0xFFFFD800  }
0x10f: {  	_ =	swait.ge [sflag:s23], $0x50  }
0x110: {  	[sflag:s23] =	ssyncset.done $0x0  }
0x111: {  	[sflag:s23] =	ssyncadd.s32 $0xFFFFFFB0  }
0x112: {  	[spmem:s1] =	stream.indirect.scatter.add.f32 [tilespmem:s9], [sflag:$0x9], $0x80, s17, s15, $0xb8;
	[tilespmem:$0x1E280] =	vst v63  }
0x113: {  	_ = 	snop  }
0x114: {  	[spmem:s2] =	stream.indirect.scatter.add.f32 [tilespmem:s16], [sflag:$0xC], $0x10, s17, s15, $0xb8;
	[tilespmem:$0x1E280] =	vst v63  }
0x115: {  	s26 =	sadd.s32 $0xF00, s26;
	_ =	swait.ge [sflag:s24], $0x2800  }
0x116: {  	p1 =	sne.s32 s26, $0x26700;
	[sflag:s24] =	ssyncset.done $0x0  }
.Ltmp3:
0x117: {  	[sflag:s24] =	ssyncadd.s32 $0xFFFFD800;
	(pc) =	sbr.rel @p1 .LBB2_8-.Ltmp3, $4  }
0x118: {  	_ =	swait.ge [sflag:s25], $0x500  }
0x119: {  	s5 =	rddreg [dreg:$0x5];
	[sflag:s25] =	ssyncset.done $0x0  }
0x11a: {  	s28 =	smov.u32 s31;
	[sflag:s25] =	ssyncadd.s32 $0xFFFFFB00;
	s3 =	sadd.s32 s19, s5  }
0x11b: {  	[tilespmem:s7], [sflag:$0x2] =	stream.linear.gather [hbm4b:s3+s4], $0x2800, $0x38;
	[tilespmem:$0x1E280] =	vst v63  }
0x11c: {  	[tilespmem:s8], [sflag:$0x5] =	stream.linear.gather [hbm4b:s28+s4], $0x50, $0x38;
	[tilespmem:$0x1E280] =	vst v63  }
0x11d: {  	_ =	swait.ge [sflag:s13], $0x2800  }
0x11e: {  	[sflag:s13] =	ssyncset.done $0x0  }
0x11f: {  	[sflag:s13] =	ssyncadd.s32 $0xFFFFD800  }
0x120: {  	_ =	swait.ge [sflag:s14], $0x50  }
0x121: {  	[sflag:s14] =	ssyncset.done $0x0  }
0x122: {  	[sflag:s14] =	ssyncadd.s32 $0xFFFFFFB0  }
0x123: {  	[spmem:s1] =	stream.indirect.scatter.add.f32 [tilespmem:s4], [sflag:$0x7], $0x80, s6, s15, $0xb8;
	[tilespmem:$0x1E280] =	vst v63  }
0x124: {  	_ = 	snop  }
0x125: {  	[spmem:s2] =	stream.indirect.scatter.add.f32 [tilespmem:s16], [sflag:$0xA], $0x10, s6, s15, $0xb8;
	[tilespmem:$0x1E280] =	vst v63  }
0x126: {  	_ =	swait.ge [sflag:s18], $0x2800  }
0x127: {  	[sflag:s18] =	ssyncset.done $0x0  }
0x128: {  	[sflag:s18] =	ssyncadd.s32 $0xFFFFD800  }
0x129: {  	_ =	swait.ge [sflag:s20], $0x50  }
0x12a: {  	[sflag:s20] =	ssyncset.done $0x0  }
0x12b: {  	[sflag:s20] =	ssyncadd.s32 $0xFFFFFFB0  }
0x12c: {  	[spmem:s1] =	stream.indirect.scatter.add.f32 [tilespmem:s7], [sflag:$0x8], $0x80, s8, s15, $0xb8;
	[tilespmem:$0x1E280] =	vst v63  }
0x12d: {  	_ = 	snop  }
0x12e: {  	[spmem:s2] =	stream.indirect.scatter.add.f32 [tilespmem:s16], [sflag:$0xB], $0x10, s8, s15, $0xb8;
	[tilespmem:$0x1E280] =	vst v63  }
0x12f: {  	_ =	swait.ge [sflag:s12], $0x2800  }
0x130: {  	[sflag:s12] =	ssyncset.done $0x0  }
0x131: {  	[sflag:s12] =	ssyncadd.s32 $0xFFFFD800  }
0x132: {  	_ =	swait.ge [sflag:s21], $0x500  }
0x133: {  	[sflag:s21] =	ssyncset.done $0x0  }
0x134: {  	[sflag:s21] =	ssyncadd.s32 $0xFFFFFB00  }
0x135: {  	_ =	swait.ge [sflag:s24], $0x2800  }
0x136: {  	[sflag:s24] =	ssyncset.done $0x0  }
0x137: {  	[sflag:s24] =	ssyncadd.s32 $0xFFFFD800  }
0x138: {  	_ =	swait.ge [sflag:s25], $0x500  }
0x139: {  	[sflag:s25] =	ssyncset.done $0x0  }
0x13a: {  	s3 =	simm.s32 $0x9;
	[sflag:s25] =	ssyncadd.s32 $0xFFFFFB00  }
0x13b: {  	_ =	swait.ge [sflag:s3], $0x2800  }
0x13c: {  	[sflag:s3] =	ssyncset.done $0x0  }
0x13d: {  	s26 =	simm.s32 $0xC;
	[sflag:s3] =	ssyncadd.s32 $0xFFFFD800  }
0x13e: {  	_ =	swait.ge [sflag:s26], $0x500  }
0x13f: {  	[sflag:s26] =	ssyncset.done $0x0  }
0x140: {  	[sflag:s26] =	ssyncadd.s32 $0xFFFFFB00  }
0x141: {  	s5 =	stileid.u32;
	[bflag:$0x0] =	sbarrier.arrive $0xFFFF  }
0x142: {  	s3 =	sshll.u32 s5, $0x6;
	s28 =	rddreg [dreg:$0xd]  }
0x143: {  	s3 =	sor.u32 $0x1C0D, s3;
	s19 =	rddreg [dreg:$0xb];
	s5 =	sshrl.u32 s28, $0x3  }
0x144: {  	[hbm:s19], [sflag:s3] =	dma.local [spmem:s5], $0x2700  }
0x145: {  	_ =	swait.ge [sflag:s29], $0x2700  }
0x146: {  	[sflag:s29] =	ssyncset.done $0x0;
	s31 =	rddreg [dreg:$0x15]  }
0x147: {  	s26 =	rddreg [dreg:$0xc];
	[sflag:s29] =	ssyncadd.s32 $0xFFFFD900;
	s19 =	sshrl.u32 s31, $0x3  }
0x148: {  	[hbm:s26], [sflag:s3] =	dma.local [spmem:s19], $0x4E0  }
0x149: {  	_ =	swait.ge [sflag:s29], $0x4E0  }
0x14a: {  	s5 =	sld [smem:$0x7FC];
	_ =	sdelay $0x1  }
0x14b: {  	[sflag:s29] =	ssyncset.done $0x0  }
0x14c: {  	s19 =	rddreg [dreg:$0x1d];
	[sflag:s29] =	ssyncadd.s32 $0xFFFFFB20;
	s5 =	sshrl.u32 @!p0 s5, $0x3  }
0x14d: {  	[hbm:s19], [sflag:s3] =	dma.local @!p0 [spmem:s5], $0x100  }
0x14e: {  	s5 =	simm.s32 @!p0 $0xD  }
0x14f: {  	_ =	swait.ge @!p0 [sflag:s5], $0x100  }
0x150: {  	s19 =	sld [smem:$0x7FD];
	_ =	sdelay $0x1  }
0x151: {  	[sflag:s5] =	ssyncset.done @!p0 $0x0  }
0x152: {  	s26 =	rddreg [dreg:$0x1e];
	[sflag:s5] =	ssyncadd.s32 @!p0 $0xFFFFFF00;
	s19 =	sshrl.u32 @!p0 s19, $0x3  }
0x153: {  	[hbm:s26], [sflag:s3] =	dma.local @!p0 [spmem:s19], $0x20  }
0x154: {  	_ =	swait.ge @!p0 [sflag:s5], $0x20  }
0x155: {  	s30 =	sadd.s32 $0x1, s30;
	s26 =	rddreg [dreg:$0x1f]  }
0x156: {  	p1 =	sne.s32 s30, s26  }
.Ltmp4:
0x157: {  	_ = 	snop;
	(pc) =	sbr.rel @p1 .LBB2_1-.Ltmp4, $3  }
0x158: {  	_ =	sdelay $0x1  }
0x159: {  	[sflag:s5] =	ssyncset.done @!p0 $0x0  }
0x15a: {  	[sflag:s5] =	ssyncadd.s32 @!p0 $0xFFFFFFE0  }
0x15b: {  	_ =	sfence.sel $0x180000  }
0x15c: {  	[bflag:$0x0] =	sbarrier.arrive $0xFFFF  }
0x15d: {  	_ =	strace $0x90000047  }
0x15e: {  	s0 =	stileid.u32;
	[bflag:$0x2] =	sbarrier.arrive $0xFFFF  }
0x15f: {  	p0 =	sne.s32 s0, $0x0;
	s0 =	rddreg [dreg:$0x4]  }
0x160: {  	s0 =	sadd.s32 @!p0 $0x100000, s0  }
0x161: {  	[sflag:s0] =	ssyncadd.tile.s32 @!p0 $0x1;
	_ =	shalt  }
.Lfunc_end2:
_tile_overlayer_lowered:
.L_overlay_start_2:
0x162: {  	(tag) =	ssettag $0x2  }
0x163: {  	s0 =	rddreg [dreg:$0x0];
	s2 =	stileid.u32  }
0x164: {  	s1 =	rddreg [dreg:$0x1];
	p0 =	sne.s32 s2, $0x0  }
0x165: {  	s3 =	rddreg [dreg:$0x2];
	[bflag:$0x3] =	sbarrier.arrive $0xFFFF;
	s2 =	simm.s32 @!p0 $0x1C0D  }
0x166: {  	[timem:s3], [sflag:s2] =	dma.local @!p0 [hbm:s0], s1  }
0x167: {  	s0 =	simm.s32 @!p0 $0xD  }
0x168: {  	_ =	swait.ge @!p0 [sflag:s0], s1  }
0x169: {  	s1 =	ssub.s32 @!p0 $0x0, s1;
	[sflag:s0] =	ssyncset.done @!p0 $0x0  }
0x16a: {  	[sflag:s0] =	ssyncadd.s32 @!p0 s1  }
0x16b: {  	[bflag:$0x3] =	sbarrier.arrive $0xFFFF  }
0x16c: {  	_ =	shalt  }

</sc_bundles>
